<compile_context>
chip_gen: v7x
topology: tpu7x:2x2x1
jax: 0.10.2.dev20260603
libtpu: 0.0.44.dev20260713+nightly
codegen_flags: <defaults>
</compile_context>

<pallas_src>
import functools

import jax
import jax.numpy as jnp
from jax import lax
from jax.experimental import pallas as pl
from jax.experimental.pallas import tpu as pltpu
from jax.experimental.pallas import tpu_sc as plsc

N_ROWS = 1_000_000
N_COLS = 64
N_IDX = 16_384
NW = 32
R = 31_232
TRIM = 999_936
SL_MAX = TRIM - (NW - 1) * R
RPAD = ((SL_MAX + 1) + 15) // 16 * 16
WTCH = RPAD // 16
LIST_CAP = N_IDX + 16
IP = 1024
NIP = N_IDX // IP
CR = 128
NCH = R // CR
WB = 576
PF = 16


@functools.partial(
    pl.kernel,
    out_type=jax.ShapeDtypeStruct((N_COLS, N_ROWS), jnp.float32),
    mesh=plsc.VectorSubcoreMesh(core_axis_name="c", subcore_axis_name="s"),
    compiler_params=pltpu.CompilerParams(needs_layout_passes=False),
    scratch_types=[
        pltpu.VMEM((2, IP), jnp.int32),
        pltpu.VMEM((RPAD,), jnp.int32),
        pltpu.VMEM((LIST_CAP,), jnp.int32),
        pltpu.VMEM((4, N_COLS, CR), jnp.float32),
        pltpu.VMEM((N_COLS, CR), jnp.float32),
        pltpu.VMEM(((WB + 16) * N_COLS,), jnp.float32),
        pltpu.SemaphoreType.DMA,
        pltpu.SemaphoreType.DMA,
        pltpu.SemaphoreType.DMA,
        pltpu.SemaphoreType.DMA,
        pltpu.SemaphoreType.DMA,
        pltpu.SemaphoreType.DMA,
    ],
)
def _scatter_nd_sc(dataT_ref, idx_ref, upd1_ref, outT_ref,
                   ibuf, win, dst1d, cbuf, tbuf, wrow1,
                   isem, fsem_a, fsem_b, wsem_a, wsem_b, pfsem):
    sid = lax.axis_index("s")
    wid = sid * 2 + lax.axis_index("c")
    start = pl.multiple_of(wid * R, 128)
    is_last = wid == NW - 1
    mylen = jnp.where(is_last, SL_MAX, R)
    nch = jnp.where(is_last, NCH + (SL_MAX - R) // CR, NCH)
    iota = lax.iota(jnp.int32, 16)

    neg1 = jnp.full((16,), -1, jnp.int32)

    def ms_body(t, c):
        win[pl.ds(t * 16, 16)] = neg1
        return c

    lax.fori_loop(0, WTCH, ms_body, 0, unroll=8)

    pltpu.async_copy(idx_ref.at[pl.ds(0, IP)], ibuf.at[0], isem)

    def piece_body(p, carry):
        sp = lax.bitwise_and(p, 1)
        pltpu.make_async_copy(
            idx_ref.at[pl.ds(p * IP, IP)], ibuf.at[sp], isem).wait()

        @pl.when(p + 1 < NIP)
        def _():
            pltpu.async_copy(
                idx_ref.at[pl.ds((p + 1) * IP, IP)], ibuf.at[1 - sp], isem)

        def chunk_body(c, carry2):
            v = ibuf[sp, pl.ds(c * 16, 16)]
            rel = v - start
            m = (rel >= 0) & (rel < mylen)
            sel = jnp.where(m, rel, SL_MAX)
            j = iota + (p * IP + c * 16)
            plsc.store_scatter(win, [sel], j)

            def wbody(_):
                rb = plsc.load_gather(win, [sel])
                need = rb < j
                plsc.store_scatter(win, [sel], j, mask=need)
                return plsc.all_reduce_population_count(need)[0] > 0

            lax.while_loop(lambda keep: keep, wbody, jnp.bool_(True))
            return carry2

        lax.fori_loop(0, IP // 16, chunk_body, 0, unroll=2)
        return carry

    lax.fori_loop(0, NIP, piece_body, 0)

    def ext_body(t, acc):
        w = win[pl.ds(t * 16, 16)]
        slot = iota + t * 16
        m = (w >= 0) & (slot < mylen)
        plsc.store_compressed(dst1d.at[pl.ds(acc, 16)], slot + start, mask=m)
        return acc + plsc.all_reduce_population_count(m)[0]

    acc = lax.fori_loop(0, WTCH, ext_body, jnp.int32(0), unroll=4)

    def prefetch_rows(b0, n):
        ngrp = (n + PF - 1) // PF

        def grp_body(g, c):
            base = b0 + g * PF
            for t in range(PF):
                kk = g * PF + t
                li = jnp.minimum(base + t, acc - 1)
                d = dst1d[pl.ds(li, 16)][0]
                j = win[pl.ds(d - start, 16)][0]
                pltpu.async_copy(
                    upd1_ref.at[pl.ds(j * N_COLS, N_COLS)],
                    wrow1.at[pl.ds(kk * N_COLS, N_COLS)], pfsem)
            for t in range(PF):
                kk = g * PF + t
                pltpu.make_async_copy(
                    upd1_ref.at[pl.ds(0, N_COLS)],
                    wrow1.at[pl.ds(kk * N_COLS, N_COLS)], pfsem).wait()
            return c

        lax.fori_loop(0, ngrp, grp_body, 0)

    wbcap = jnp.minimum(acc, WB)
    prefetch_rows(jnp.int32(0), wbcap)

    def splice(ref2d, off, cur):
        for l in range(N_COLS // 16):
            plsc.store_scatter(
                ref2d,
                [iota + l * 16, jnp.full((16,), 0, jnp.int32) + off],
                wrow1[pl.ds(cur * N_COLS + l * 16, 16)])

    def blend(row0, crows, slot, cur0):
        def cond(cur):
            d = dst1d[pl.ds(cur, 16)][0]
            return (cur < wbcap) & (d < row0 + crows)

        def body(cur):
            d = dst1d[pl.ds(cur, 16)][0]
            splice(cbuf.at[slot], d - row0, cur)
            return cur + 1

        return lax.while_loop(cond, body, cur0)

    def rowof(i):
        return pl.multiple_of(start + i * CR, 128)

    pltpu.async_copy(dataT_ref.at[:, pl.ds(rowof(0), CR)], cbuf.at[0], fsem_a)
    pltpu.async_copy(dataT_ref.at[:, pl.ds(rowof(1), CR)], cbuf.at[1], fsem_b)

    def do_chunk(i, cur, fsem, wsem):
        sl = lax.bitwise_and(i, 3)
        sl2 = lax.bitwise_and(i + 2, 3)
        pltpu.make_async_copy(
            dataT_ref.at[:, pl.ds(rowof(i), CR)], cbuf.at[sl], fsem).wait()

        @pl.when(i >= 2)
        def _():
            pltpu.make_async_copy(
                cbuf.at[sl2], outT_ref.at[:, pl.ds(rowof(i - 2), CR)],
                wsem).wait()

        @pl.when(i + 2 < nch)
        def _():
            pltpu.async_copy(
                dataT_ref.at[:, pl.ds(rowof(i + 2), CR)], cbuf.at[sl2], fsem)

        cur = blend(rowof(i), CR, sl, cur)
        pltpu.async_copy(cbuf.at[sl], outT_ref.at[:, pl.ds(rowof(i), CR)], wsem)
        return cur

    def pair_body(i2, cur):
        cur = do_chunk(i2 * 2, cur, fsem_a, wsem_a)
        cur = do_chunk(i2 * 2 + 1, cur, fsem_b, wsem_b)
        return cur

    cur = lax.fori_loop(0, nch // 2, pair_body, jnp.int32(0))

    pltpu.make_async_copy(
        cbuf.at[lax.bitwise_and(nch - 2, 3)],
        outT_ref.at[:, pl.ds(rowof(nch - 2), CR)], wsem_a).wait()
    pltpu.make_async_copy(
        cbuf.at[lax.bitwise_and(nch - 1, 3)],
        outT_ref.at[:, pl.ds(rowof(nch - 1), CR)], wsem_b).wait()

    def fb_body(k, c):
        d = dst1d[pl.ds(k, 16)][0]
        j = win[pl.ds(d - start, 16)][0]
        t0 = pl.multiple_of((d >> 7) * CR, 128)
        pltpu.sync_copy(upd1_ref.at[pl.ds(j * N_COLS, N_COLS)],
                        wrow1.at[pl.ds(WB * N_COLS, N_COLS)])
        pltpu.sync_copy(outT_ref.at[:, pl.ds(t0, CR)], tbuf)
        splice(tbuf, d - t0, jnp.int32(WB))
        pltpu.sync_copy(tbuf, outT_ref.at[:, pl.ds(t0, CR)])
        return c

    lax.fori_loop(cur, jnp.maximum(acc, cur), fb_body, 0)


def kernel(data, indices, updates):
    idx = indices.reshape(-1).astype(jnp.int32)
    upd1 = updates.reshape(-1)
    outT = _scatter_nd_sc(data.T, idx, upd1)
    tail = data[TRIM:, :]
    tidx = jnp.where(idx >= TRIM, idx - TRIM, N_ROWS - TRIM)
    tail = tail.at[tidx].set(updates)
    outT = lax.dynamic_update_slice(outT, tail.T, (0, TRIM))
    return outT.T

# --- scband reference (transcript-rebuilt; emitter-appended) ---
"""Pipeline reference for scband-torch-scatter-nd-72842645340496 (READ-ONLY COPY).

The authoritative reference and input builder live on the scoring server;
editing this copy changes nothing except your own understanding.
"""

import jax, jax.numpy as jnp
import numpy as np


def setup_inputs(seed: int = 0) -> dict:
    key = jax.random.key(seed)
    k1, k2, k3 = jax.random.split(key, 3)
    data = jax.random.normal(k1, (1000000, 64), dtype=jnp.float32)
    indices = jax.random.randint(k2, (16384, 1), 0, 1000000, dtype=jnp.int64)
    updates = jax.random.normal(k3, (16384, 64), dtype=jnp.float32)
    return {"data": data, "indices": indices, "updates": updates}


def reference(data, indices, updates):
    # Faithful ScatterND (overwrite semantics), mirroring TorchScatterNdFunc:
    #   output = data.clone()
    #   idx = indices.reshape(-1, indices.shape[-1]).T  -> per-dim index lists
    #   upd = updates.reshape(-1, *updates.shape[indices.ndim - 1:])
    #   output[idx] = upd
    ind_dim = indices.ndim
    idx = indices.reshape(-1, indices.shape[-1])
    upd = updates.reshape((-1,) + updates.shape[ind_dim - 1:])
    index_tuple = tuple(idx[:, i] for i in range(idx.shape[1]))
    output = data.at[index_tuple].set(upd)
    return output

if __name__ == "__main__":
    import jax
    _d = setup_inputs()
    print(jax.jit(kernel)(*tuple(_d.values())))

</pallas_src>

<mosaic_0001>
#map = affine_map<(d0, d1) -> (0, 0)>
#map1 = affine_map<(d0, d1) -> (0)>
module attributes {stable_mosaic.version = 14 : i64} {
  func.func @_scatter_nd_sc(%arg0: i32, %arg1: i32, %arg2: memref<64x1000000xf32, #tpu.memory_space<hbm>>, %arg3: memref<16384xi32, #tpu.memory_space<hbm>>, %arg4: memref<1048576xf32, #tpu.memory_space<hbm>>, %arg5: memref<64x1000000xf32, #tpu.memory_space<hbm>>, %arg6: memref<2x1024xi32, #tpu.memory_space<vmem>>, %arg7: memref<31760xi32, #tpu.memory_space<vmem>>, %arg8: memref<16400xi32, #tpu.memory_space<vmem>>, %arg9: memref<4x64x128xf32, #tpu.memory_space<vmem>>, %arg10: memref<64x128xf32, #tpu.memory_space<vmem>>, %arg11: memref<37888xf32, #tpu.memory_space<vmem>>, %arg12: memref<!tpu.dma_semaphore, #tpu.memory_space<semaphore_mem>>, %arg13: memref<!tpu.dma_semaphore, #tpu.memory_space<semaphore_mem>>, %arg14: memref<!tpu.dma_semaphore, #tpu.memory_space<semaphore_mem>>, %arg15: memref<!tpu.dma_semaphore, #tpu.memory_space<semaphore_mem>>, %arg16: memref<!tpu.dma_semaphore, #tpu.memory_space<semaphore_mem>>, %arg17: memref<!tpu.dma_semaphore, #tpu.memory_space<semaphore_mem>>) attributes {dimension_semantics = [#tpu.dimension_semantics<core_parallel>, #tpu.dimension_semantics<subcore_parallel>], iteration_bounds = array<i64: 2, 16>, scalar_prefetch = 0 : i64, scratch_operands = 12 : i64, tpu.core_type = #tpu.core_type<sc_vector_subcore>, window_params = [{transform_indices = #map}, {transform_indices = #map1}, {transform_indices = #map1}, {transform_indices = #map}]} {
    %mul3A = arith.constant 2 : i32
    %mul3A_0 = arith.muli %arg1, %mul3A : i32
    %add3A = arith.addi %mul3A_0, %arg0 : i32
    %mul3A_1 = arith.constant 31232 : i32
    %mul3A_2 = arith.muli %add3A, %mul3A_1 : i32
    %multiple_of3A = tpu.assume_multiple %mul3A_2, 128 : i32
    %eq3A = arith.constant 31 : i32
    %eq3A_3 = arith.cmpi eq, %add3A, %eq3A : i32
    %jit3A = arith.constant 31744 : i32
    %jit3A_4 = arith.constant 31232 : i32
    %select_n3A = arith.select %eq3A_3, %jit3A, %jit3A_4 : i32
    %jit3A_5 = arith.constant 248 : i32
    %jit3A_6 = arith.constant 244 : i32
    %select_n3A_7 = arith.select %eq3A_3, %jit3A_5, %jit3A_6 : i32
    %iota3A = tpu.iota {dimensions = array<i32: 0>} : vector<16xi32>
    %broadcast_in_dim3A = arith.constant -1 : i32
    %broadcast_in_dim3A_8 = vector.broadcast %broadcast_in_dim3A : i32 to vector<16xi32>
    %scan3A = arith.constant 0 : i32
    %scan3A_9 = arith.constant 0 : i32
    %scan3A_10 = arith.constant 1984 : i32
    %scan3A_11 = arith.addi %scan3A_9, %scan3A_10 : i32
    %scan3A_12 = arith.constant 8 : i32
    scf.for %scan3A_213 = %scan3A_9 to %scan3A_11 step %scan3A_12  : i32 {
      %mul3A_214 = arith.constant 16 : i32
      %mul3A_215 = arith.muli %scan3A_213, %mul3A_214 : i32
      %swap3A_216 = arith.index_cast %mul3A_215 : i32 to index
      %swap3A_217 = tpu.vector_load %arg7[%swap3A_216] {strides = array<i32>} : memref<31760xi32, #tpu.memory_space<vmem>>, vector<16xi32>,
      tpu.vector_store %arg7[%swap3A_216], %broadcast_in_dim3A_8 {strides = array<i32>} : memref<31760xi32, #tpu.memory_space<vmem>>, vector<16xi32>,
      %scan3A_218 = arith.constant 1 : i32
      %scan3A_219 = arith.addi %scan3A_213, %scan3A_218 : i32
      %mul3A_220 = arith.constant 16 : i32
      %mul3A_221 = arith.muli %scan3A_219, %mul3A_220 : i32
      %swap3A_222 = arith.index_cast %mul3A_221 : i32 to index
      %swap3A_223 = tpu.vector_load %arg7[%swap3A_222] {strides = array<i32>} : memref<31760xi32, #tpu.memory_space<vmem>>, vector<16xi32>,
      tpu.vector_store %arg7[%swap3A_222], %broadcast_in_dim3A_8 {strides = array<i32>} : memref<31760xi32, #tpu.memory_space<vmem>>, vector<16xi32>,
      %scan3A_224 = arith.constant 2 : i32
      %scan3A_225 = arith.addi %scan3A_213, %scan3A_224 : i32
      %mul3A_226 = arith.constant 16 : i32
      %mul3A_227 = arith.muli %scan3A_225, %mul3A_226 : i32
      %swap3A_228 = arith.index_cast %mul3A_227 : i32 to index
      %swap3A_229 = tpu.vector_load %arg7[%swap3A_228] {strides = array<i32>} : memref<31760xi32, #tpu.memory_space<vmem>>, vector<16xi32>,
      tpu.vector_store %arg7[%swap3A_228], %broadcast_in_dim3A_8 {strides = array<i32>} : memref<31760xi32, #tpu.memory_space<vmem>>, vector<16xi32>,
      %scan3A_230 = arith.constant 3 : i32
      %scan3A_231 = arith.addi %scan3A_213, %scan3A_230 : i32
      %mul3A_232 = arith.constant 16 : i32
      %mul3A_233 = arith.muli %scan3A_231, %mul3A_232 : i32
      %swap3A_234 = arith.index_cast %mul3A_233 : i32 to index
      %swap3A_235 = tpu.vector_load %arg7[%swap3A_234] {strides = array<i32>} : memref<31760xi32, #tpu.memory_space<vmem>>, vector<16xi32>,
      tpu.vector_store %arg7[%swap3A_234], %broadcast_in_dim3A_8 {strides = array<i32>} : memref<31760xi32, #tpu.memory_space<vmem>>, vector<16xi32>,
      %scan3A_236 = arith.constant 4 : i32
      %scan3A_237 = arith.addi %scan3A_213, %scan3A_236 : i32
      %mul3A_238 = arith.constant 16 : i32
      %mul3A_239 = arith.muli %scan3A_237, %mul3A_238 : i32
      %swap3A_240 = arith.index_cast %mul3A_239 : i32 to index
      %swap3A_241 = tpu.vector_load %arg7[%swap3A_240] {strides = array<i32>} : memref<31760xi32, #tpu.memory_space<vmem>>, vector<16xi32>,
      tpu.vector_store %arg7[%swap3A_240], %broadcast_in_dim3A_8 {strides = array<i32>} : memref<31760xi32, #tpu.memory_space<vmem>>, vector<16xi32>,
      %scan3A_242 = arith.constant 5 : i32
      %scan3A_243 = arith.addi %scan3A_213, %scan3A_242 : i32
      %mul3A_244 = arith.constant 16 : i32
      %mul3A_245 = arith.muli %scan3A_243, %mul3A_244 : i32
      %swap3A_246 = arith.index_cast %mul3A_245 : i32 to index
      %swap3A_247 = tpu.vector_load %arg7[%swap3A_246] {strides = array<i32>} : memref<31760xi32, #tpu.memory_space<vmem>>, vector<16xi32>,
      tpu.vector_store %arg7[%swap3A_246], %broadcast_in_dim3A_8 {strides = array<i32>} : memref<31760xi32, #tpu.memory_space<vmem>>, vector<16xi32>,
      %scan3A_248 = arith.constant 6 : i32
      %scan3A_249 = arith.addi %scan3A_213, %scan3A_248 : i32
      %mul3A_250 = arith.constant 16 : i32
      %mul3A_251 = arith.muli %scan3A_249, %mul3A_250 : i32
      %swap3A_252 = arith.index_cast %mul3A_251 : i32 to index
      %swap3A_253 = tpu.vector_load %arg7[%swap3A_252] {strides = array<i32>} : memref<31760xi32, #tpu.memory_space<vmem>>, vector<16xi32>,
      tpu.vector_store %arg7[%swap3A_252], %broadcast_in_dim3A_8 {strides = array<i32>} : memref<31760xi32, #tpu.memory_space<vmem>>, vector<16xi32>,
      %scan3A_254 = arith.constant 7 : i32
      %scan3A_255 = arith.addi %scan3A_213, %scan3A_254 : i32
      %mul3A_256 = arith.constant 16 : i32
      %mul3A_257 = arith.muli %scan3A_255, %mul3A_256 : i32
      %swap3A_258 = arith.index_cast %mul3A_257 : i32 to index
      %swap3A_259 = tpu.vector_load %arg7[%swap3A_258] {strides = array<i32>} : memref<31760xi32, #tpu.memory_space<vmem>>, vector<16xi32>,
      tpu.vector_store %arg7[%swap3A_258], %broadcast_in_dim3A_8 {strides = array<i32>} : memref<31760xi32, #tpu.memory_space<vmem>>, vector<16xi32>,
    }
    %scan3A_13 = arith.constant 1984 : i32
    %scan3A_14 = arith.addi %scan3A_9, %scan3A_13 : i32
    %mul3A_15 = arith.constant 16 : i32
    %mul3A_16 = arith.muli %scan3A_14, %mul3A_15 : i32
    %swap3A = arith.index_cast %mul3A_16 : i32 to index
    %swap3A_17 = tpu.vector_load %arg7[%swap3A] {strides = array<i32>} : memref<31760xi32, #tpu.memory_space<vmem>>, vector<16xi32>,
    tpu.vector_store %arg7[%swap3A], %broadcast_in_dim3A_8 {strides = array<i32>} : memref<31760xi32, #tpu.memory_space<vmem>>, vector<16xi32>,
    %scan3A_18 = arith.constant 1985 : i32
    %dma_start3A = arith.constant 0 : i32
    %dma_start3A_19 = arith.constant 0 : i32
    %dma_start3A_20 = tpu.memref_slice %arg6[%dma_start3A, %dma_start3A_19] : memref<2x1024xi32, #tpu.memory_space<vmem>> -> memref<1x1024xi32, #tpu.memory_space<vmem>>
    %dma_start3A_21 = tpu.memref_squeeze %dma_start3A_20 : memref<1x1024xi32, #tpu.memory_space<vmem>> -> memref<1024xi32, #tpu.memory_space<vmem>>
    %dma_start3A_22 = arith.constant 0 : i32
    %dma_start3A_23 = tpu.memref_slice %arg3[%dma_start3A_22] : memref<16384xi32, #tpu.memory_space<hbm>> -> memref<1024xi32, #tpu.memory_space<hbm>>
    %dma_start3A_24 = arith.constant 0 : i32
    %dma_start3A_25 = tpu.memref_slice %arg6[%dma_start3A, %dma_start3A_24] : memref<2x1024xi32, #tpu.memory_space<vmem>> -> memref<1x1024xi32, #tpu.memory_space<vmem>>
    %dma_start3A_26 = tpu.memref_squeeze %dma_start3A_25 : memref<1x1024xi32, #tpu.memory_space<vmem>> -> memref<1024xi32, #tpu.memory_space<vmem>>
    %dma_start3A_27 = arith.constant 0 : i32
    %dma_start3A_28 = tpu.memref_slice %arg3[%dma_start3A_27] : memref<16384xi32, #tpu.memory_space<hbm>> -> memref<1024xi32, #tpu.memory_space<hbm>>
    tpu.enqueue_dma source(%dma_start3A_28 : memref<1024xi32, #tpu.memory_space<hbm>>) target(%dma_start3A_26 : memref<1024xi32, #tpu.memory_space<vmem>>) target_semaphore(%arg12 : memref<!tpu.dma_semaphore, #tpu.memory_space<semaphore_mem>>)
    %scan3A_29 = arith.constant 0 : i32
    %scan3A_30 = arith.constant 0 : i32
    %scan3A_31 = arith.constant 16 : i32
    %scan3A_32 = arith.addi %scan3A_30, %scan3A_31 : i32
    %scan3A_33 = arith.constant 1 : i32
    scf.for %scan3A_213 = %scan3A_30 to %scan3A_32 step %scan3A_33  : i32 {
      %and3A_214 = arith.constant 1 : i32
      %and3A_215 = arith.andi %scan3A_213, %and3A_214 : i32
      %mul3A_216 = arith.constant 1024 : i32
      %mul3A_217 = arith.muli %scan3A_213, %mul3A_216 : i32
      %dma_wait3A_218 = arith.constant 0 : i32
      %dma_wait3A_219 = tpu.memref_slice %arg6[%and3A_215, %dma_wait3A_218] : memref<2x1024xi32, #tpu.memory_space<vmem>> -> memref<1x1024xi32, #tpu.memory_space<vmem>>
      %dma_wait3A_220 = tpu.memref_squeeze %dma_wait3A_219 : memref<1x1024xi32, #tpu.memory_space<vmem>> -> memref<1024xi32, #tpu.memory_space<vmem>>
      %dma_wait3A_221 = tpu.memref_slice %arg3[%mul3A_217] : memref<16384xi32, #tpu.memory_space<hbm>> -> memref<1024xi32, #tpu.memory_space<hbm>>
      %dma_wait3A_222 = arith.constant 0 : i32
      %dma_wait3A_223 = tpu.memref_slice %arg6[%and3A_215, %dma_wait3A_222] : memref<2x1024xi32, #tpu.memory_space<vmem>> -> memref<1x1024xi32, #tpu.memory_space<vmem>>
      %dma_wait3A_224 = tpu.memref_squeeze %dma_wait3A_223 : memref<1x1024xi32, #tpu.memory_space<vmem>> -> memref<1024xi32, #tpu.memory_space<vmem>>
      %dma_wait3A_225 = tpu.memref_slice %arg3[%mul3A_217] : memref<16384xi32, #tpu.memory_space<hbm>> -> memref<1024xi32, #tpu.memory_space<hbm>>
      tpu.wait_dma2 semaphore(%arg12 : memref<!tpu.dma_semaphore, #tpu.memory_space<semaphore_mem>>) src(%dma_wait3A_225 : memref<1024xi32, #tpu.memory_space<hbm>>) dst(%dma_wait3A_224 : memref<1024xi32, #tpu.memory_space<vmem>>)
      %add3A_226 = arith.constant 1 : i32
      %add3A_227 = arith.addi %scan3A_213, %add3A_226 : i32
      %lt3A_228 = arith.constant 16 : i32
      %lt3A_229 = arith.cmpi slt, %add3A_227, %lt3A_228 : i32
      %convert_element_type3A = arith.extui %lt3A_229 : i1 to i32
      %cond3A = arith.constant 0 : i32
      %cond3A_230 = arith.cmpi ne, %convert_element_type3A, %cond3A : i32
      scf.if %cond3A_230 {
        %add3A_237 = arith.constant 1 : i32
        %add3A_238 = arith.addi %scan3A_213, %add3A_237 : i32
        %mul3A_239 = arith.constant 1024 : i32
        %mul3A_240 = arith.muli %add3A_238, %mul3A_239 : i32
        %sub3A_241 = arith.constant 1 : i32
        %sub3A_242 = arith.subi %sub3A_241, %and3A_215 : i32
        %dma_start3A_243 = arith.constant 0 : i32
        %dma_start3A_244 = tpu.memref_slice %arg6[%sub3A_242, %dma_start3A_243] : memref<2x1024xi32, #tpu.memory_space<vmem>> -> memref<1x1024xi32, #tpu.memory_space<vmem>>
        %dma_start3A_245 = tpu.memref_squeeze %dma_start3A_244 : memref<1x1024xi32, #tpu.memory_space<vmem>> -> memref<1024xi32, #tpu.memory_space<vmem>>
        %dma_start3A_246 = tpu.memref_slice %arg3[%mul3A_240] : memref<16384xi32, #tpu.memory_space<hbm>> -> memref<1024xi32, #tpu.memory_space<hbm>>
        %dma_start3A_247 = arith.constant 0 : i32
        %dma_start3A_248 = tpu.memref_slice %arg6[%sub3A_242, %dma_start3A_247] : memref<2x1024xi32, #tpu.memory_space<vmem>> -> memref<1x1024xi32, #tpu.memory_space<vmem>>
        %dma_start3A_249 = tpu.memref_squeeze %dma_start3A_248 : memref<1x1024xi32, #tpu.memory_space<vmem>> -> memref<1024xi32, #tpu.memory_space<vmem>>
        %dma_start3A_250 = tpu.memref_slice %arg3[%mul3A_240] : memref<16384xi32, #tpu.memory_space<hbm>> -> memref<1024xi32, #tpu.memory_space<hbm>>
        tpu.enqueue_dma source(%dma_start3A_250 : memref<1024xi32, #tpu.memory_space<hbm>>) target(%dma_start3A_249 : memref<1024xi32, #tpu.memory_space<vmem>>) target_semaphore(%arg12 : memref<!tpu.dma_semaphore, #tpu.memory_space<semaphore_mem>>)
      } else {
      }
      %scan3A_231 = arith.constant 0 : i32
      %scan3A_232 = arith.constant 0 : i32
      %scan3A_233 = arith.constant 64 : i32
      %scan3A_234 = arith.addi %scan3A_232, %scan3A_233 : i32
      %scan3A_235 = arith.constant 2 : i32
      scf.for %scan3A_237 = %scan3A_232 to %scan3A_234 step %scan3A_235  : i32 {
        %mul3A_238 = arith.constant 16 : i32
        %mul3A_239 = arith.muli %scan3A_237, %mul3A_238 : i32
        %get3A_240 = arith.index_cast %and3A_215 : i32 to index
        %get3A_241 = arith.index_cast %mul3A_239 : i32 to index
        %get3A_242 = tpu.vector_load %arg6[%get3A_240, %get3A_241] {strides = array<i32>} : memref<2x1024xi32, #tpu.memory_space<vmem>>, vector<16xi32>,
        %sub3A_243 = vector.broadcast %multiple_of3A : i32 to vector<16xi32>
        %sub3A_244 = arith.subi %get3A_242, %sub3A_243 : vector<16xi32>
        %ge3A_245 = arith.constant 0 : i32
        %ge3A_246 = vector.broadcast %ge3A_245 : i32 to vector<16xi32>
        %ge3A_247 = arith.cmpi sge, %sub3A_244, %ge3A_246 : vector<16xi32>
        %lt3A_248 = vector.broadcast %select_n3A : i32 to vector<16xi32>
        %lt3A_249 = arith.cmpi slt, %sub3A_244, %lt3A_248 : vector<16xi32>
        %and3A_250 = arith.andi %ge3A_247, %lt3A_249 : vector<16xi1>
        %jit3A_251 = arith.constant 31744 : i32
        %broadcast_in_dim3A_252 = vector.broadcast %jit3A_251 : i32 to vector<16xi32>
        %select_n3A_253 = arith.select %and3A_250, %sub3A_244, %broadcast_in_dim3A_252 : vector<16xi1>, vector<16xi32>
        %mul3A_254 = arith.constant 1024 : i32
        %mul3A_255 = arith.muli %scan3A_213, %mul3A_254 : i32
        %mul3A_256 = arith.constant 16 : i32
        %mul3A_257 = arith.muli %scan3A_237, %mul3A_256 : i32
        %add3A_258 = arith.addi %mul3A_255, %mul3A_257 : i32
        %add3A_259 = vector.broadcast %add3A_258 : i32 to vector<16xi32>
        %add3A_260 = arith.addi %iota3A, %add3A_259 : vector<16xi32>
        tpu.vector_store_idx %arg7[%select_n3A_253], %add3A_260 : memref<31760xi32, #tpu.memory_space<vmem>>[vector<16xi32>], vector<16xi32>,
        %while3A_261 = arith.constant true
        %while3A_262 = scf.while (%while3A_290 = %while3A_261) : (i1) -> i1 {
          scf.condition(%while3A_290) %while3A_290 : i1
        } do {
        ^bb0(%while3A_290: i1):
          %gather3A = tpu.vector_load_idx %arg7[%select_n3A_253] : memref<31760xi32, #tpu.memory_space<vmem>>[vector<16xi32>], vector<16xi32>,
          %lt3A_291 = arith.cmpi slt, %gather3A, %add3A_260 : vector<16xi32>
          tpu.vector_store_idx %arg7[%select_n3A_253], %add3A_260 masked %lt3A_291 : memref<31760xi32, #tpu.memory_space<vmem>>[vector<16xi32>], vector<16xi32>, vector<16xi1>
          %all_reduce_population_count3A_292 = tpu.all_reduce %lt3A_291 {dim = 0 : i64, kind = #tpu.reduction_kind<sum>} : vector<16xi1> -> vector<16xi32>
          %slice3A_293 = vector.extract_strided_slice %all_reduce_population_count3A_292 {offsets = [0], sizes = [1], strides = [1]} : vector<16xi32> to vector<1xi32>
          %squeeze3A_294 = vector.extract %slice3A_293[0] : i32 from vector<1xi32>
          %gt3A = arith.constant 0 : i32
          %gt3A_295 = arith.cmpi sgt, %squeeze3A_294, %gt3A : i32
          scf.yield %gt3A_295 : i1
        }
        %scan3A_263 = arith.constant 1 : i32
        %scan3A_264 = arith.addi %scan3A_237, %scan3A_263 : i32
        %mul3A_265 = arith.constant 16 : i32
        %mul3A_266 = arith.muli %scan3A_264, %mul3A_265 : i32
        %get3A_267 = arith.index_cast %and3A_215 : i32 to index
        %get3A_268 = arith.index_cast %mul3A_266 : i32 to index
        %get3A_269 = tpu.vector_load %arg6[%get3A_267, %get3A_268] {strides = array<i32>} : memref<2x1024xi32, #tpu.memory_space<vmem>>, vector<16xi32>,
        %sub3A_270 = vector.broadcast %multiple_of3A : i32 to vector<16xi32>
        %sub3A_271 = arith.subi %get3A_269, %sub3A_270 : vector<16xi32>
        %ge3A_272 = arith.constant 0 : i32
        %ge3A_273 = vector.broadcast %ge3A_272 : i32 to vector<16xi32>
        %ge3A_274 = arith.cmpi sge, %sub3A_271, %ge3A_273 : vector<16xi32>
        %lt3A_275 = vector.broadcast %select_n3A : i32 to vector<16xi32>
        %lt3A_276 = arith.cmpi slt, %sub3A_271, %lt3A_275 : vector<16xi32>
        %and3A_277 = arith.andi %ge3A_274, %lt3A_276 : vector<16xi1>
        %jit3A_278 = arith.constant 31744 : i32
        %broadcast_in_dim3A_279 = vector.broadcast %jit3A_278 : i32 to vector<16xi32>
        %select_n3A_280 = arith.select %and3A_277, %sub3A_271, %broadcast_in_dim3A_279 : vector<16xi1>, vector<16xi32>
        %mul3A_281 = arith.constant 1024 : i32
        %mul3A_282 = arith.muli %scan3A_213, %mul3A_281 : i32
        %mul3A_283 = arith.constant 16 : i32
        %mul3A_284 = arith.muli %scan3A_264, %mul3A_283 : i32
        %add3A_285 = arith.addi %mul3A_282, %mul3A_284 : i32
        %add3A_286 = vector.broadcast %add3A_285 : i32 to vector<16xi32>
        %add3A_287 = arith.addi %iota3A, %add3A_286 : vector<16xi32>
        tpu.vector_store_idx %arg7[%select_n3A_280], %add3A_287 : memref<31760xi32, #tpu.memory_space<vmem>>[vector<16xi32>], vector<16xi32>,
        %while3A_288 = arith.constant true
        %while3A_289 = scf.while (%while3A_290 = %while3A_288) : (i1) -> i1 {
          scf.condition(%while3A_290) %while3A_290 : i1
        } do {
        ^bb0(%while3A_290: i1):
          %gather3A = tpu.vector_load_idx %arg7[%select_n3A_280] : memref<31760xi32, #tpu.memory_space<vmem>>[vector<16xi32>], vector<16xi32>,
          %lt3A_291 = arith.cmpi slt, %gather3A, %add3A_287 : vector<16xi32>
          tpu.vector_store_idx %arg7[%select_n3A_280], %add3A_287 masked %lt3A_291 : memref<31760xi32, #tpu.memory_space<vmem>>[vector<16xi32>], vector<16xi32>, vector<16xi1>
          %all_reduce_population_count3A_292 = tpu.all_reduce %lt3A_291 {dim = 0 : i64, kind = #tpu.reduction_kind<sum>} : vector<16xi1> -> vector<16xi32>
          %slice3A_293 = vector.extract_strided_slice %all_reduce_population_count3A_292 {offsets = [0], sizes = [1], strides = [1]} : vector<16xi32> to vector<1xi32>
          %squeeze3A_294 = vector.extract %slice3A_293[0] : i32 from vector<1xi32>
          %gt3A = arith.constant 0 : i32
          %gt3A_295 = arith.cmpi sgt, %squeeze3A_294, %gt3A : i32
          scf.yield %gt3A_295 : i1
        }
      }
      %scan3A_236 = arith.constant 64 : i32
    }
    %scan3A_34 = arith.constant 16 : i32
    %scan3A_35 = arith.constant 0 : i32
    %scan3A_36 = arith.constant 0 : i32
    %scan3A_37 = arith.constant 1984 : i32
    %scan3A_38 = arith.addi %scan3A_36, %scan3A_37 : i32
    %scan3A_39 = arith.constant 4 : i32
    %scan3A_40 = scf.for %scan3A_213 = %scan3A_36 to %scan3A_38 step %scan3A_39 iter_args(%scan3A_214 = %scan3A_35) -> (i32)  : i32 {
      %mul3A_215 = arith.constant 16 : i32
      %mul3A_216 = arith.muli %scan3A_213, %mul3A_215 : i32
      %get3A_217 = arith.index_cast %mul3A_216 : i32 to index
      %get3A_218 = tpu.vector_load %arg7[%get3A_217] {strides = array<i32>} : memref<31760xi32, #tpu.memory_space<vmem>>, vector<16xi32>,
      %mul3A_219 = arith.constant 16 : i32
      %mul3A_220 = arith.muli %scan3A_213, %mul3A_219 : i32
      %add3A_221 = vector.broadcast %mul3A_220 : i32 to vector<16xi32>
      %add3A_222 = arith.addi %iota3A, %add3A_221 : vector<16xi32>
      %ge3A_223 = arith.constant 0 : i32
      %ge3A_224 = vector.broadcast %ge3A_223 : i32 to vector<16xi32>
      %ge3A_225 = arith.cmpi sge, %get3A_218, %ge3A_224 : vector<16xi32>
      %lt3A_226 = vector.broadcast %select_n3A : i32 to vector<16xi32>
      %lt3A_227 = arith.cmpi slt, %add3A_222, %lt3A_226 : vector<16xi32>
      %and3A_228 = arith.andi %ge3A_225, %lt3A_227 : vector<16xi1>
      %add3A_229 = vector.broadcast %multiple_of3A : i32 to vector<16xi32>
      %add3A_230 = arith.addi %add3A_222, %add3A_229 : vector<16xi32>
      %swap3A_231 = arith.index_cast %scan3A_214 : i32 to index
      %swap3A_232 = tpu.vector_load %arg8[%swap3A_231] masked %and3A_228 {strides = array<i32>} : memref<16400xi32, #tpu.memory_space<vmem>>, vector<16xi32>, vector<16xi1>
      tpu.vector_store %arg8[%swap3A_231], %add3A_230 masked %and3A_228 {strides = array<i32>} : memref<16400xi32, #tpu.memory_space<vmem>>, vector<16xi32>, vector<16xi1>
      %all_reduce_population_count3A_233 = tpu.all_reduce %and3A_228 {dim = 0 : i64, kind = #tpu.reduction_kind<sum>} : vector<16xi1> -> vector<16xi32>
      %slice3A_234 = vector.extract_strided_slice %all_reduce_population_count3A_233 {offsets = [0], sizes = [1], strides = [1]} : vector<16xi32> to vector<1xi32>
      %squeeze3A_235 = vector.extract %slice3A_234[0] : i32 from vector<1xi32>
      %add3A_236 = arith.addi %scan3A_214, %squeeze3A_235 : i32
      %scan3A_237 = arith.constant 1 : i32
      %scan3A_238 = arith.addi %scan3A_213, %scan3A_237 : i32
      %mul3A_239 = arith.constant 16 : i32
      %mul3A_240 = arith.muli %scan3A_238, %mul3A_239 : i32
      %get3A_241 = arith.index_cast %mul3A_240 : i32 to index
      %get3A_242 = tpu.vector_load %arg7[%get3A_241] {strides = array<i32>} : memref<31760xi32, #tpu.memory_space<vmem>>, vector<16xi32>,
      %mul3A_243 = arith.constant 16 : i32
      %mul3A_244 = arith.muli %scan3A_238, %mul3A_243 : i32
      %add3A_245 = vector.broadcast %mul3A_244 : i32 to vector<16xi32>
      %add3A_246 = arith.addi %iota3A, %add3A_245 : vector<16xi32>
      %ge3A_247 = arith.constant 0 : i32
      %ge3A_248 = vector.broadcast %ge3A_247 : i32 to vector<16xi32>
      %ge3A_249 = arith.cmpi sge, %get3A_242, %ge3A_248 : vector<16xi32>
      %lt3A_250 = vector.broadcast %select_n3A : i32 to vector<16xi32>
      %lt3A_251 = arith.cmpi slt, %add3A_246, %lt3A_250 : vector<16xi32>
      %and3A_252 = arith.andi %ge3A_249, %lt3A_251 : vector<16xi1>
      %add3A_253 = vector.broadcast %multiple_of3A : i32 to vector<16xi32>
      %add3A_254 = arith.addi %add3A_246, %add3A_253 : vector<16xi32>
      %swap3A_255 = arith.index_cast %add3A_236 : i32 to index
      %swap3A_256 = tpu.vector_load %arg8[%swap3A_255] masked %and3A_252 {strides = array<i32>} : memref<16400xi32, #tpu.memory_space<vmem>>, vector<16xi32>, vector<16xi1>
      tpu.vector_store %arg8[%swap3A_255], %add3A_254 masked %and3A_252 {strides = array<i32>} : memref<16400xi32, #tpu.memory_space<vmem>>, vector<16xi32>, vector<16xi1>
      %all_reduce_population_count3A_257 = tpu.all_reduce %and3A_252 {dim = 0 : i64, kind = #tpu.reduction_kind<sum>} : vector<16xi1> -> vector<16xi32>
      %slice3A_258 = vector.extract_strided_slice %all_reduce_population_count3A_257 {offsets = [0], sizes = [1], strides = [1]} : vector<16xi32> to vector<1xi32>
      %squeeze3A_259 = vector.extract %slice3A_258[0] : i32 from vector<1xi32>
      %add3A_260 = arith.addi %add3A_236, %squeeze3A_259 : i32
      %scan3A_261 = arith.constant 2 : i32
      %scan3A_262 = arith.addi %scan3A_213, %scan3A_261 : i32
      %mul3A_263 = arith.constant 16 : i32
      %mul3A_264 = arith.muli %scan3A_262, %mul3A_263 : i32
      %get3A_265 = arith.index_cast %mul3A_264 : i32 to index
      %get3A_266 = tpu.vector_load %arg7[%get3A_265] {strides = array<i32>} : memref<31760xi32, #tpu.memory_space<vmem>>, vector<16xi32>,
      %mul3A_267 = arith.constant 16 : i32
      %mul3A_268 = arith.muli %scan3A_262, %mul3A_267 : i32
      %add3A_269 = vector.broadcast %mul3A_268 : i32 to vector<16xi32>
      %add3A_270 = arith.addi %iota3A, %add3A_269 : vector<16xi32>
      %ge3A_271 = arith.constant 0 : i32
      %ge3A_272 = vector.broadcast %ge3A_271 : i32 to vector<16xi32>
      %ge3A_273 = arith.cmpi sge, %get3A_266, %ge3A_272 : vector<16xi32>
      %lt3A_274 = vector.broadcast %select_n3A : i32 to vector<16xi32>
      %lt3A_275 = arith.cmpi slt, %add3A_270, %lt3A_274 : vector<16xi32>
      %and3A_276 = arith.andi %ge3A_273, %lt3A_275 : vector<16xi1>
      %add3A_277 = vector.broadcast %multiple_of3A : i32 to vector<16xi32>
      %add3A_278 = arith.addi %add3A_270, %add3A_277 : vector<16xi32>
      %swap3A_279 = arith.index_cast %add3A_260 : i32 to index
      %swap3A_280 = tpu.vector_load %arg8[%swap3A_279] masked %and3A_276 {strides = array<i32>} : memref<16400xi32, #tpu.memory_space<vmem>>, vector<16xi32>, vector<16xi1>
      tpu.vector_store %arg8[%swap3A_279], %add3A_278 masked %and3A_276 {strides = array<i32>} : memref<16400xi32, #tpu.memory_space<vmem>>, vector<16xi32>, vector<16xi1>
      %all_reduce_population_count3A_281 = tpu.all_reduce %and3A_276 {dim = 0 : i64, kind = #tpu.reduction_kind<sum>} : vector<16xi1> -> vector<16xi32>
      %slice3A_282 = vector.extract_strided_slice %all_reduce_population_count3A_281 {offsets = [0], sizes = [1], strides = [1]} : vector<16xi32> to vector<1xi32>
      %squeeze3A_283 = vector.extract %slice3A_282[0] : i32 from vector<1xi32>
      %add3A_284 = arith.addi %add3A_260, %squeeze3A_283 : i32
      %scan3A_285 = arith.constant 3 : i32
      %scan3A_286 = arith.addi %scan3A_213, %scan3A_285 : i32
      %mul3A_287 = arith.constant 16 : i32
      %mul3A_288 = arith.muli %scan3A_286, %mul3A_287 : i32
      %get3A_289 = arith.index_cast %mul3A_288 : i32 to index
      %get3A_290 = tpu.vector_load %arg7[%get3A_289] {strides = array<i32>} : memref<31760xi32, #tpu.memory_space<vmem>>, vector<16xi32>,
      %mul3A_291 = arith.constant 16 : i32
      %mul3A_292 = arith.muli %scan3A_286, %mul3A_291 : i32
      %add3A_293 = vector.broadcast %mul3A_292 : i32 to vector<16xi32>
      %add3A_294 = arith.addi %iota3A, %add3A_293 : vector<16xi32>
      %ge3A_295 = arith.constant 0 : i32
      %ge3A_296 = vector.broadcast %ge3A_295 : i32 to vector<16xi32>
      %ge3A_297 = arith.cmpi sge, %get3A_290, %ge3A_296 : vector<16xi32>
      %lt3A_298 = vector.broadcast %select_n3A : i32 to vector<16xi32>
      %lt3A_299 = arith.cmpi slt, %add3A_294, %lt3A_298 : vector<16xi32>
      %and3A_300 = arith.andi %ge3A_297, %lt3A_299 : vector<16xi1>
      %add3A_301 = vector.broadcast %multiple_of3A : i32 to vector<16xi32>
      %add3A_302 = arith.addi %add3A_294, %add3A_301 : vector<16xi32>
      %swap3A_303 = arith.index_cast %add3A_284 : i32 to index
      %swap3A_304 = tpu.vector_load %arg8[%swap3A_303] masked %and3A_300 {strides = array<i32>} : memref<16400xi32, #tpu.memory_space<vmem>>, vector<16xi32>, vector<16xi1>
      tpu.vector_store %arg8[%swap3A_303], %add3A_302 masked %and3A_300 {strides = array<i32>} : memref<16400xi32, #tpu.memory_space<vmem>>, vector<16xi32>, vector<16xi1>
      %all_reduce_population_count3A_305 = tpu.all_reduce %and3A_300 {dim = 0 : i64, kind = #tpu.reduction_kind<sum>} : vector<16xi1> -> vector<16xi32>
      %slice3A_306 = vector.extract_strided_slice %all_reduce_population_count3A_305 {offsets = [0], sizes = [1], strides = [1]} : vector<16xi32> to vector<1xi32>
      %squeeze3A_307 = vector.extract %slice3A_306[0] : i32 from vector<1xi32>
      %add3A_308 = arith.addi %add3A_284, %squeeze3A_307 : i32
      scf.yield %add3A_308 : i32
    }
    %scan3A_41 = arith.constant 1984 : i32
    %scan3A_42 = arith.addi %scan3A_36, %scan3A_41 : i32
    %mul3A_43 = arith.constant 16 : i32
    %mul3A_44 = arith.muli %scan3A_42, %mul3A_43 : i32
    %get3A = arith.index_cast %mul3A_44 : i32 to index
    %get3A_45 = tpu.vector_load %arg7[%get3A] {strides = array<i32>} : memref<31760xi32, #tpu.memory_space<vmem>>, vector<16xi32>,
    %mul3A_46 = arith.constant 16 : i32
    %mul3A_47 = arith.muli %scan3A_42, %mul3A_46 : i32
    %add3A_48 = vector.broadcast %mul3A_47 : i32 to vector<16xi32>
    %add3A_49 = arith.addi %iota3A, %add3A_48 : vector<16xi32>
    %ge3A = arith.constant 0 : i32
    %ge3A_50 = vector.broadcast %ge3A : i32 to vector<16xi32>
    %ge3A_51 = arith.cmpi sge, %get3A_45, %ge3A_50 : vector<16xi32>
    %lt3A = vector.broadcast %select_n3A : i32 to vector<16xi32>
    %lt3A_52 = arith.cmpi slt, %add3A_49, %lt3A : vector<16xi32>
    %and3A = arith.andi %ge3A_51, %lt3A_52 : vector<16xi1>
    %add3A_53 = vector.broadcast %multiple_of3A : i32 to vector<16xi32>
    %add3A_54 = arith.addi %add3A_49, %add3A_53 : vector<16xi32>
    %swap3A_55 = arith.index_cast %scan3A_40 : i32 to index
    %swap3A_56 = tpu.vector_load %arg8[%swap3A_55] masked %and3A {strides = array<i32>} : memref<16400xi32, #tpu.memory_space<vmem>>, vector<16xi32>, vector<16xi1>
    tpu.vector_store %arg8[%swap3A_55], %add3A_54 masked %and3A {strides = array<i32>} : memref<16400xi32, #tpu.memory_space<vmem>>, vector<16xi32>, vector<16xi1>
    %all_reduce_population_count3A = tpu.all_reduce %and3A {dim = 0 : i64, kind = #tpu.reduction_kind<sum>} : vector<16xi1> -> vector<16xi32>
    %slice3A = vector.extract_strided_slice %all_reduce_population_count3A {offsets = [0], sizes = [1], strides = [1]} : vector<16xi32> to vector<1xi32>
    %squeeze3A = vector.extract %slice3A[0] : i32 from vector<1xi32>
    %add3A_57 = arith.addi %scan3A_40, %squeeze3A : i32
    %scan3A_58 = arith.constant 1985 : i32
    %min3A = arith.constant 576 : i32
    %min3A_59 = arith.minsi %add3A_57, %min3A : i32
    %add3A_60 = arith.constant 16 : i32
    %add3A_61 = arith.addi %min3A_59, %add3A_60 : i32
    %sub3A = arith.constant 1 : i32
    %sub3A_62 = arith.subi %add3A_61, %sub3A : i32
    %jit3A_63 = arith.constant 16 : i32
    %div3A = arith.divsi %sub3A_62, %jit3A_63 : i32
    %sign3A = arith.constant 0 : i32
    %sign3A_64 = arith.cmpi sgt, %sub3A_62, %sign3A : i32
    %sign3A_65 = arith.extui %sign3A_64 : i1 to i32
    %sign3A_66 = arith.constant 0 : i32
    %sign3A_67 = arith.cmpi slt, %sub3A_62, %sign3A_66 : i32
    %sign3A_68 = arith.extui %sign3A_67 : i1 to i32
    %sign3A_69 = arith.subi %sign3A_65, %sign3A_68 : i32
    %sign3A_70 = arith.constant 0 : i32
    %sign3A_71 = arith.cmpi sgt, %jit3A_63, %sign3A_70 : i32
    %sign3A_72 = arith.extui %sign3A_71 : i1 to i32
    %sign3A_73 = arith.constant 0 : i32
    %sign3A_74 = arith.cmpi slt, %jit3A_63, %sign3A_73 : i32
    %sign3A_75 = arith.extui %sign3A_74 : i1 to i32
    %sign3A_76 = arith.subi %sign3A_72, %sign3A_75 : i32
    %ne3A = arith.cmpi ne, %sign3A_69, %sign3A_76 : i32
    %rem3A = arith.remsi %sub3A_62, %jit3A_63 : i32
    %ne3A_77 = arith.constant 0 : i32
    %ne3A_78 = arith.cmpi ne, %rem3A, %ne3A_77 : i32
    %and3A_79 = arith.andi %ne3A, %ne3A_78 : i1
    %sub3A_80 = arith.constant 1 : i32
    %sub3A_81 = arith.subi %div3A, %sub3A_80 : i32
    %select_n3A_82 = arith.select %and3A_79, %sub3A_81, %div3A : i32
    %while3A = arith.constant 0 : i32
    %while3A_83 = arith.constant 0 : i32
    %while3A_84 = arith.constant 0 : i32
    %while3A_85 = arith.subi %select_n3A_82, %while3A_84 : i32
    %while3A_86 = arith.addi %while3A_84, %while3A_85 : i32
    %while3A_87 = arith.constant 1 : i32
    %while3A_88 = arith.divsi %while3A_85, %while3A_87 : i32
    %while3A_89 = arith.muli %while3A_88, %while3A_87 : i32
    %while3A_90 = arith.addi %while3A_84, %while3A_89 : i32
    %while3A_91 = arith.constant 1 : i32
    scf.for %while3A_213 = %while3A_84 to %while3A_90 step %while3A_91  : i32 {
      %mul3A_214 = arith.constant 16 : i32
      %mul3A_215 = arith.muli %while3A_213, %mul3A_214 : i32
      %add3A_216 = arith.addi %while3A_83, %mul3A_215 : i32
      %mul3A_217 = arith.constant 16 : i32
      %mul3A_218 = arith.muli %while3A_213, %mul3A_217 : i32
      %add3A_219 = arith.constant 0 : i32
      %add3A_220 = arith.addi %mul3A_218, %add3A_219 : i32
      %add3A_221 = arith.constant 0 : i32
      %add3A_222 = arith.addi %add3A_216, %add3A_221 : i32
      %sub3A_223 = arith.constant 1 : i32
      %sub3A_224 = arith.subi %add3A_57, %sub3A_223 : i32
      %min3A_225 = arith.minsi %add3A_222, %sub3A_224 : i32
      %get3A_226 = arith.index_cast %min3A_225 : i32 to index
      %get3A_227 = tpu.vector_load %arg8[%get3A_226] {strides = array<i32>} : memref<16400xi32, #tpu.memory_space<vmem>>, vector<16xi32>,
      %slice3A_228 = vector.extract_strided_slice %get3A_227 {offsets = [0], sizes = [1], strides = [1]} : vector<16xi32> to vector<1xi32>
      %squeeze3A_229 = vector.extract %slice3A_228[0] : i32 from vector<1xi32>
      %sub3A_230 = arith.subi %squeeze3A_229, %multiple_of3A : i32
      %get3A_231 = arith.index_cast %sub3A_230 : i32 to index
      %get3A_232 = tpu.vector_load %arg7[%get3A_231] {strides = array<i32>} : memref<31760xi32, #tpu.memory_space<vmem>>, vector<16xi32>,
      %slice3A_233 = vector.extract_strided_slice %get3A_232 {offsets = [0], sizes = [1], strides = [1]} : vector<16xi32> to vector<1xi32>
      %squeeze3A_234 = vector.extract %slice3A_233[0] : i32 from vector<1xi32>
      %mul3A_235 = arith.constant 64 : i32
      %mul3A_236 = arith.muli %squeeze3A_234, %mul3A_235 : i32
      %mul3A_237 = arith.constant 64 : i32
      %mul3A_238 = arith.muli %add3A_220, %mul3A_237 : i32
      %dma_start3A_239 = tpu.memref_slice %arg11[%mul3A_238] : memref<37888xf32, #tpu.memory_space<vmem>> -> memref<64xf32, #tpu.memory_space<vmem>>
      %dma_start3A_240 = tpu.memref_slice %arg4[%mul3A_236] : memref<1048576xf32, #tpu.memory_space<hbm>> -> memref<64xf32, #tpu.memory_space<hbm>>
      %dma_start3A_241 = tpu.memref_slice %arg11[%mul3A_238] : memref<37888xf32, #tpu.memory_space<vmem>> -> memref<64xf32, #tpu.memory_space<vmem>>
      %dma_start3A_242 = tpu.memref_slice %arg4[%mul3A_236] : memref<1048576xf32, #tpu.memory_space<hbm>> -> memref<64xf32, #tpu.memory_space<hbm>>
      tpu.enqueue_dma source(%dma_start3A_242 : memref<64xf32, #tpu.memory_space<hbm>>) target(%dma_start3A_241 : memref<64xf32, #tpu.memory_space<vmem>>) target_semaphore(%arg17 : memref<!tpu.dma_semaphore, #tpu.memory_space<semaphore_mem>>)
      %mul3A_243 = arith.constant 16 : i32
      %mul3A_244 = arith.muli %while3A_213, %mul3A_243 : i32
      %add3A_245 = arith.constant 1 : i32
      %add3A_246 = arith.addi %mul3A_244, %add3A_245 : i32
      %add3A_247 = arith.constant 1 : i32
      %add3A_248 = arith.addi %add3A_216, %add3A_247 : i32
      %sub3A_249 = arith.constant 1 : i32
      %sub3A_250 = arith.subi %add3A_57, %sub3A_249 : i32
      %min3A_251 = arith.minsi %add3A_248, %sub3A_250 : i32
      %get3A_252 = arith.index_cast %min3A_251 : i32 to index
      %get3A_253 = tpu.vector_load %arg8[%get3A_252] {strides = array<i32>} : memref<16400xi32, #tpu.memory_space<vmem>>, vector<16xi32>,
      %slice3A_254 = vector.extract_strided_slice %get3A_253 {offsets = [0], sizes = [1], strides = [1]} : vector<16xi32> to vector<1xi32>
      %squeeze3A_255 = vector.extract %slice3A_254[0] : i32 from vector<1xi32>
      %sub3A_256 = arith.subi %squeeze3A_255, %multiple_of3A : i32
      %get3A_257 = arith.index_cast %sub3A_256 : i32 to index
      %get3A_258 = tpu.vector_load %arg7[%get3A_257] {strides = array<i32>} : memref<31760xi32, #tpu.memory_space<vmem>>, vector<16xi32>,
      %slice3A_259 = vector.extract_strided_slice %get3A_258 {offsets = [0], sizes = [1], strides = [1]} : vector<16xi32> to vector<1xi32>
      %squeeze3A_260 = vector.extract %slice3A_259[0] : i32 from vector<1xi32>
      %mul3A_261 = arith.constant 64 : i32
      %mul3A_262 = arith.muli %squeeze3A_260, %mul3A_261 : i32
      %mul3A_263 = arith.constant 64 : i32
      %mul3A_264 = arith.muli %add3A_246, %mul3A_263 : i32
      %dma_start3A_265 = tpu.memref_slice %arg11[%mul3A_264] : memref<37888xf32, #tpu.memory_space<vmem>> -> memref<64xf32, #tpu.memory_space<vmem>>
      %dma_start3A_266 = tpu.memref_slice %arg4[%mul3A_262] : memref<1048576xf32, #tpu.memory_space<hbm>> -> memref<64xf32, #tpu.memory_space<hbm>>
      %dma_start3A_267 = tpu.memref_slice %arg11[%mul3A_264] : memref<37888xf32, #tpu.memory_space<vmem>> -> memref<64xf32, #tpu.memory_space<vmem>>
      %dma_start3A_268 = tpu.memref_slice %arg4[%mul3A_262] : memref<1048576xf32, #tpu.memory_space<hbm>> -> memref<64xf32, #tpu.memory_space<hbm>>
      tpu.enqueue_dma source(%dma_start3A_268 : memref<64xf32, #tpu.memory_space<hbm>>) target(%dma_start3A_267 : memref<64xf32, #tpu.memory_space<vmem>>) target_semaphore(%arg17 : memref<!tpu.dma_semaphore, #tpu.memory_space<semaphore_mem>>)
      %mul3A_269 = arith.constant 16 : i32
      %mul3A_270 = arith.muli %while3A_213, %mul3A_269 : i32
      %add3A_271 = arith.constant 2 : i32
      %add3A_272 = arith.addi %mul3A_270, %add3A_271 : i32
      %add3A_273 = arith.constant 2 : i32
      %add3A_274 = arith.addi %add3A_216, %add3A_273 : i32
      %sub3A_275 = arith.constant 1 : i32
      %sub3A_276 = arith.subi %add3A_57, %sub3A_275 : i32
      %min3A_277 = arith.minsi %add3A_274, %sub3A_276 : i32
      %get3A_278 = arith.index_cast %min3A_277 : i32 to index
      %get3A_279 = tpu.vector_load %arg8[%get3A_278] {strides = array<i32>} : memref<16400xi32, #tpu.memory_space<vmem>>, vector<16xi32>,
      %slice3A_280 = vector.extract_strided_slice %get3A_279 {offsets = [0], sizes = [1], strides = [1]} : vector<16xi32> to vector<1xi32>
      %squeeze3A_281 = vector.extract %slice3A_280[0] : i32 from vector<1xi32>
      %sub3A_282 = arith.subi %squeeze3A_281, %multiple_of3A : i32
      %get3A_283 = arith.index_cast %sub3A_282 : i32 to index
      %get3A_284 = tpu.vector_load %arg7[%get3A_283] {strides = array<i32>} : memref<31760xi32, #tpu.memory_space<vmem>>, vector<16xi32>,
      %slice3A_285 = vector.extract_strided_slice %get3A_284 {offsets = [0], sizes = [1], strides = [1]} : vector<16xi32> to vector<1xi32>
      %squeeze3A_286 = vector.extract %slice3A_285[0] : i32 from vector<1xi32>
      %mul3A_287 = arith.constant 64 : i32
      %mul3A_288 = arith.muli %squeeze3A_286, %mul3A_287 : i32
      %mul3A_289 = arith.constant 64 : i32
      %mul3A_290 = arith.muli %add3A_272, %mul3A_289 : i32
      %dma_start3A_291 = tpu.memref_slice %arg11[%mul3A_290] : memref<37888xf32, #tpu.memory_space<vmem>> -> memref<64xf32, #tpu.memory_space<vmem>>
      %dma_start3A_292 = tpu.memref_slice %arg4[%mul3A_288] : memref<1048576xf32, #tpu.memory_space<hbm>> -> memref<64xf32, #tpu.memory_space<hbm>>
      %dma_start3A_293 = tpu.memref_slice %arg11[%mul3A_290] : memref<37888xf32, #tpu.memory_space<vmem>> -> memref<64xf32, #tpu.memory_space<vmem>>
      %dma_start3A_294 = tpu.memref_slice %arg4[%mul3A_288] : memref<1048576xf32, #tpu.memory_space<hbm>> -> memref<64xf32, #tpu.memory_space<hbm>>
      tpu.enqueue_dma source(%dma_start3A_294 : memref<64xf32, #tpu.memory_space<hbm>>) target(%dma_start3A_293 : memref<64xf32, #tpu.memory_space<vmem>>) target_semaphore(%arg17 : memref<!tpu.dma_semaphore, #tpu.memory_space<semaphore_mem>>)
      %mul3A_295 = arith.constant 16 : i32
      %mul3A_296 = arith.muli %while3A_213, %mul3A_295 : i32
      %add3A_297 = arith.constant 3 : i32
      %add3A_298 = arith.addi %mul3A_296, %add3A_297 : i32
      %add3A_299 = arith.constant 3 : i32
      %add3A_300 = arith.addi %add3A_216, %add3A_299 : i32
      %sub3A_301 = arith.constant 1 : i32
      %sub3A_302 = arith.subi %add3A_57, %sub3A_301 : i32
      %min3A_303 = arith.minsi %add3A_300, %sub3A_302 : i32
      %get3A_304 = arith.index_cast %min3A_303 : i32 to index
      %get3A_305 = tpu.vector_load %arg8[%get3A_304] {strides = array<i32>} : memref<16400xi32, #tpu.memory_space<vmem>>, vector<16xi32>,
      %slice3A_306 = vector.extract_strided_slice %get3A_305 {offsets = [0], sizes = [1], strides = [1]} : vector<16xi32> to vector<1xi32>
      %squeeze3A_307 = vector.extract %slice3A_306[0] : i32 from vector<1xi32>
      %sub3A_308 = arith.subi %squeeze3A_307, %multiple_of3A : i32
      %get3A_309 = arith.index_cast %sub3A_308 : i32 to index
      %get3A_310 = tpu.vector_load %arg7[%get3A_309] {strides = array<i32>} : memref<31760xi32, #tpu.memory_space<vmem>>, vector<16xi32>,
      %slice3A_311 = vector.extract_strided_slice %get3A_310 {offsets = [0], sizes = [1], strides = [1]} : vector<16xi32> to vector<1xi32>
      %squeeze3A_312 = vector.extract %slice3A_311[0] : i32 from vector<1xi32>
      %mul3A_313 = arith.constant 64 : i32
      %mul3A_314 = arith.muli %squeeze3A_312, %mul3A_313 : i32
      %mul3A_315 = arith.constant 64 : i32
      %mul3A_316 = arith.muli %add3A_298, %mul3A_315 : i32
      %dma_start3A_317 = tpu.memref_slice %arg11[%mul3A_316] : memref<37888xf32, #tpu.memory_space<vmem>> -> memref<64xf32, #tpu.memory_space<vmem>>
      %dma_start3A_318 = tpu.memref_slice %arg4[%mul3A_314] : memref<1048576xf32, #tpu.memory_space<hbm>> -> memref<64xf32, #tpu.memory_space<hbm>>
      %dma_start3A_319 = tpu.memref_slice %arg11[%mul3A_316] : memref<37888xf32, #tpu.memory_space<vmem>> -> memref<64xf32, #tpu.memory_space<vmem>>
      %dma_start3A_320 = tpu.memref_slice %arg4[%mul3A_314] : memref<1048576xf32, #tpu.memory_space<hbm>> -> memref<64xf32, #tpu.memory_space<hbm>>
      tpu.enqueue_dma source(%dma_start3A_320 : memref<64xf32, #tpu.memory_space<hbm>>) target(%dma_start3A_319 : memref<64xf32, #tpu.memory_space<vmem>>) target_semaphore(%arg17 : memref<!tpu.dma_semaphore, #tpu.memory_space<semaphore_mem>>)
      %mul3A_321 = arith.constant 16 : i32
      %mul3A_322 = arith.muli %while3A_213, %mul3A_321 : i32
      %add3A_323 = arith.constant 4 : i32
      %add3A_324 = arith.addi %mul3A_322, %add3A_323 : i32
      %add3A_325 = arith.constant 4 : i32
      %add3A_326 = arith.addi %add3A_216, %add3A_325 : i32
      %sub3A_327 = arith.constant 1 : i32
      %sub3A_328 = arith.subi %add3A_57, %sub3A_327 : i32
      %min3A_329 = arith.minsi %add3A_326, %sub3A_328 : i32
      %get3A_330 = arith.index_cast %min3A_329 : i32 to index
      %get3A_331 = tpu.vector_load %arg8[%get3A_330] {strides = array<i32>} : memref<16400xi32, #tpu.memory_space<vmem>>, vector<16xi32>,
      %slice3A_332 = vector.extract_strided_slice %get3A_331 {offsets = [0], sizes = [1], strides = [1]} : vector<16xi32> to vector<1xi32>
      %squeeze3A_333 = vector.extract %slice3A_332[0] : i32 from vector<1xi32>
      %sub3A_334 = arith.subi %squeeze3A_333, %multiple_of3A : i32
      %get3A_335 = arith.index_cast %sub3A_334 : i32 to index
      %get3A_336 = tpu.vector_load %arg7[%get3A_335] {strides = array<i32>} : memref<31760xi32, #tpu.memory_space<vmem>>, vector<16xi32>,
      %slice3A_337 = vector.extract_strided_slice %get3A_336 {offsets = [0], sizes = [1], strides = [1]} : vector<16xi32> to vector<1xi32>
      %squeeze3A_338 = vector.extract %slice3A_337[0] : i32 from vector<1xi32>
      %mul3A_339 = arith.constant 64 : i32
      %mul3A_340 = arith.muli %squeeze3A_338, %mul3A_339 : i32
      %mul3A_341 = arith.constant 64 : i32
      %mul3A_342 = arith.muli %add3A_324, %mul3A_341 : i32
      %dma_start3A_343 = tpu.memref_slice %arg11[%mul3A_342] : memref<37888xf32, #tpu.memory_space<vmem>> -> memref<64xf32, #tpu.memory_space<vmem>>
      %dma_start3A_344 = tpu.memref_slice %arg4[%mul3A_340] : memref<1048576xf32, #tpu.memory_space<hbm>> -> memref<64xf32, #tpu.memory_space<hbm>>
      %dma_start3A_345 = tpu.memref_slice %arg11[%mul3A_342] : memref<37888xf32, #tpu.memory_space<vmem>> -> memref<64xf32, #tpu.memory_space<vmem>>
      %dma_start3A_346 = tpu.memref_slice %arg4[%mul3A_340] : memref<1048576xf32, #tpu.memory_space<hbm>> -> memref<64xf32, #tpu.memory_space<hbm>>
      tpu.enqueue_dma source(%dma_start3A_346 : memref<64xf32, #tpu.memory_space<hbm>>) target(%dma_start3A_345 : memref<64xf32, #tpu.memory_space<vmem>>) target_semaphore(%arg17 : memref<!tpu.dma_semaphore, #tpu.memory_space<semaphore_mem>>)
      %mul3A_347 = arith.constant 16 : i32
      %mul3A_348 = arith.muli %while3A_213, %mul3A_347 : i32
      %add3A_349 = arith.constant 5 : i32
      %add3A_350 = arith.addi %mul3A_348, %add3A_349 : i32
      %add3A_351 = arith.constant 5 : i32
      %add3A_352 = arith.addi %add3A_216, %add3A_351 : i32
      %sub3A_353 = arith.constant 1 : i32
      %sub3A_354 = arith.subi %add3A_57, %sub3A_353 : i32
      %min3A_355 = arith.minsi %add3A_352, %sub3A_354 : i32
      %get3A_356 = arith.index_cast %min3A_355 : i32 to index
      %get3A_357 = tpu.vector_load %arg8[%get3A_356] {strides = array<i32>} : memref<16400xi32, #tpu.memory_space<vmem>>, vector<16xi32>,
      %slice3A_358 = vector.extract_strided_slice %get3A_357 {offsets = [0], sizes = [1], strides = [1]} : vector<16xi32> to vector<1xi32>
      %squeeze3A_359 = vector.extract %slice3A_358[0] : i32 from vector<1xi32>
      %sub3A_360 = arith.subi %squeeze3A_359, %multiple_of3A : i32
      %get3A_361 = arith.index_cast %sub3A_360 : i32 to index
      %get3A_362 = tpu.vector_load %arg7[%get3A_361] {strides = array<i32>} : memref<31760xi32, #tpu.memory_space<vmem>>, vector<16xi32>,
      %slice3A_363 = vector.extract_strided_slice %get3A_362 {offsets = [0], sizes = [1], strides = [1]} : vector<16xi32> to vector<1xi32>
      %squeeze3A_364 = vector.extract %slice3A_363[0] : i32 from vector<1xi32>
      %mul3A_365 = arith.constant 64 : i32
      %mul3A_366 = arith.muli %squeeze3A_364, %mul3A_365 : i32
      %mul3A_367 = arith.constant 64 : i32
      %mul3A_368 = arith.muli %add3A_350, %mul3A_367 : i32
      %dma_start3A_369 = tpu.memref_slice %arg11[%mul3A_368] : memref<37888xf32, #tpu.memory_space<vmem>> -> memref<64xf32, #tpu.memory_space<vmem>>
      %dma_start3A_370 = tpu.memref_slice %arg4[%mul3A_366] : memref<1048576xf32, #tpu.memory_space<hbm>> -> memref<64xf32, #tpu.memory_space<hbm>>
      %dma_start3A_371 = tpu.memref_slice %arg11[%mul3A_368] : memref<37888xf32, #tpu.memory_space<vmem>> -> memref<64xf32, #tpu.memory_space<vmem>>
      %dma_start3A_372 = tpu.memref_slice %arg4[%mul3A_366] : memref<1048576xf32, #tpu.memory_space<hbm>> -> memref<64xf32, #tpu.memory_space<hbm>>
      tpu.enqueue_dma source(%dma_start3A_372 : memref<64xf32, #tpu.memory_space<hbm>>) target(%dma_start3A_371 : memref<64xf32, #tpu.memory_space<vmem>>) target_semaphore(%arg17 : memref<!tpu.dma_semaphore, #tpu.memory_space<semaphore_mem>>)
      %mul3A_373 = arith.constant 16 : i32
      %mul3A_374 = arith.muli %while3A_213, %mul3A_373 : i32
      %add3A_375 = arith.constant 6 : i32
      %add3A_376 = arith.addi %mul3A_374, %add3A_375 : i32
      %add3A_377 = arith.constant 6 : i32
      %add3A_378 = arith.addi %add3A_216, %add3A_377 : i32
      %sub3A_379 = arith.constant 1 : i32
      %sub3A_380 = arith.subi %add3A_57, %sub3A_379 : i32
      %min3A_381 = arith.minsi %add3A_378, %sub3A_380 : i32
      %get3A_382 = arith.index_cast %min3A_381 : i32 to index
      %get3A_383 = tpu.vector_load %arg8[%get3A_382] {strides = array<i32>} : memref<16400xi32, #tpu.memory_space<vmem>>, vector<16xi32>,
      %slice3A_384 = vector.extract_strided_slice %get3A_383 {offsets = [0], sizes = [1], strides = [1]} : vector<16xi32> to vector<1xi32>
      %squeeze3A_385 = vector.extract %slice3A_384[0] : i32 from vector<1xi32>
      %sub3A_386 = arith.subi %squeeze3A_385, %multiple_of3A : i32
      %get3A_387 = arith.index_cast %sub3A_386 : i32 to index
      %get3A_388 = tpu.vector_load %arg7[%get3A_387] {strides = array<i32>} : memref<31760xi32, #tpu.memory_space<vmem>>, vector<16xi32>,
      %slice3A_389 = vector.extract_strided_slice %get3A_388 {offsets = [0], sizes = [1], strides = [1]} : vector<16xi32> to vector<1xi32>
      %squeeze3A_390 = vector.extract %slice3A_389[0] : i32 from vector<1xi32>
      %mul3A_391 = arith.constant 64 : i32
      %mul3A_392 = arith.muli %squeeze3A_390, %mul3A_391 : i32
      %mul3A_393 = arith.constant 64 : i32
      %mul3A_394 = arith.muli %add3A_376, %mul3A_393 : i32
      %dma_start3A_395 = tpu.memref_slice %arg11[%mul3A_394] : memref<37888xf32, #tpu.memory_space<vmem>> -> memref<64xf32, #tpu.memory_space<vmem>>
      %dma_start3A_396 = tpu.memref_slice %arg4[%mul3A_392] : memref<1048576xf32, #tpu.memory_space<hbm>> -> memref<64xf32, #tpu.memory_space<hbm>>
      %dma_start3A_397 = tpu.memref_slice %arg11[%mul3A_394] : memref<37888xf32, #tpu.memory_space<vmem>> -> memref<64xf32, #tpu.memory_space<vmem>>
      %dma_start3A_398 = tpu.memref_slice %arg4[%mul3A_392] : memref<1048576xf32, #tpu.memory_space<hbm>> -> memref<64xf32, #tpu.memory_space<hbm>>
      tpu.enqueue_dma source(%dma_start3A_398 : memref<64xf32, #tpu.memory_space<hbm>>) target(%dma_start3A_397 : memref<64xf32, #tpu.memory_space<vmem>>) target_semaphore(%arg17 : memref<!tpu.dma_semaphore, #tpu.memory_space<semaphore_mem>>)
      %mul3A_399 = arith.constant 16 : i32
      %mul3A_400 = arith.muli %while3A_213, %mul3A_399 : i32
      %add3A_401 = arith.constant 7 : i32
      %add3A_402 = arith.addi %mul3A_400, %add3A_401 : i32
      %add3A_403 = arith.constant 7 : i32
      %add3A_404 = arith.addi %add3A_216, %add3A_403 : i32
      %sub3A_405 = arith.constant 1 : i32
      %sub3A_406 = arith.subi %add3A_57, %sub3A_405 : i32
      %min3A_407 = arith.minsi %add3A_404, %sub3A_406 : i32
      %get3A_408 = arith.index_cast %min3A_407 : i32 to index
      %get3A_409 = tpu.vector_load %arg8[%get3A_408] {strides = array<i32>} : memref<16400xi32, #tpu.memory_space<vmem>>, vector<16xi32>,
      %slice3A_410 = vector.extract_strided_slice %get3A_409 {offsets = [0], sizes = [1], strides = [1]} : vector<16xi32> to vector<1xi32>
      %squeeze3A_411 = vector.extract %slice3A_410[0] : i32 from vector<1xi32>
      %sub3A_412 = arith.subi %squeeze3A_411, %multiple_of3A : i32
      %get3A_413 = arith.index_cast %sub3A_412 : i32 to index
      %get3A_414 = tpu.vector_load %arg7[%get3A_413] {strides = array<i32>} : memref<31760xi32, #tpu.memory_space<vmem>>, vector<16xi32>,
      %slice3A_415 = vector.extract_strided_slice %get3A_414 {offsets = [0], sizes = [1], strides = [1]} : vector<16xi32> to vector<1xi32>
      %squeeze3A_416 = vector.extract %slice3A_415[0] : i32 from vector<1xi32>
      %mul3A_417 = arith.constant 64 : i32
      %mul3A_418 = arith.muli %squeeze3A_416, %mul3A_417 : i32
      %mul3A_419 = arith.constant 64 : i32
      %mul3A_420 = arith.muli %add3A_402, %mul3A_419 : i32
      %dma_start3A_421 = tpu.memref_slice %arg11[%mul3A_420] : memref<37888xf32, #tpu.memory_space<vmem>> -> memref<64xf32, #tpu.memory_space<vmem>>
      %dma_start3A_422 = tpu.memref_slice %arg4[%mul3A_418] : memref<1048576xf32, #tpu.memory_space<hbm>> -> memref<64xf32, #tpu.memory_space<hbm>>
      %dma_start3A_423 = tpu.memref_slice %arg11[%mul3A_420] : memref<37888xf32, #tpu.memory_space<vmem>> -> memref<64xf32, #tpu.memory_space<vmem>>
      %dma_start3A_424 = tpu.memref_slice %arg4[%mul3A_418] : memref<1048576xf32, #tpu.memory_space<hbm>> -> memref<64xf32, #tpu.memory_space<hbm>>
      tpu.enqueue_dma source(%dma_start3A_424 : memref<64xf32, #tpu.memory_space<hbm>>) target(%dma_start3A_423 : memref<64xf32, #tpu.memory_space<vmem>>) target_semaphore(%arg17 : memref<!tpu.dma_semaphore, #tpu.memory_space<semaphore_mem>>)
      %mul3A_425 = arith.constant 16 : i32
      %mul3A_426 = arith.muli %while3A_213, %mul3A_425 : i32
      %add3A_427 = arith.constant 8 : i32
      %add3A_428 = arith.addi %mul3A_426, %add3A_427 : i32
      %add3A_429 = arith.constant 8 : i32
      %add3A_430 = arith.addi %add3A_216, %add3A_429 : i32
      %sub3A_431 = arith.constant 1 : i32
      %sub3A_432 = arith.subi %add3A_57, %sub3A_431 : i32
      %min3A_433 = arith.minsi %add3A_430, %sub3A_432 : i32
      %get3A_434 = arith.index_cast %min3A_433 : i32 to index
      %get3A_435 = tpu.vector_load %arg8[%get3A_434] {strides = array<i32>} : memref<16400xi32, #tpu.memory_space<vmem>>, vector<16xi32>,
      %slice3A_436 = vector.extract_strided_slice %get3A_435 {offsets = [0], sizes = [1], strides = [1]} : vector<16xi32> to vector<1xi32>
      %squeeze3A_437 = vector.extract %slice3A_436[0] : i32 from vector<1xi32>
      %sub3A_438 = arith.subi %squeeze3A_437, %multiple_of3A : i32
      %get3A_439 = arith.index_cast %sub3A_438 : i32 to index
      %get3A_440 = tpu.vector_load %arg7[%get3A_439] {strides = array<i32>} : memref<31760xi32, #tpu.memory_space<vmem>>, vector<16xi32>,
      %slice3A_441 = vector.extract_strided_slice %get3A_440 {offsets = [0], sizes = [1], strides = [1]} : vector<16xi32> to vector<1xi32>
      %squeeze3A_442 = vector.extract %slice3A_441[0] : i32 from vector<1xi32>
      %mul3A_443 = arith.constant 64 : i32
      %mul3A_444 = arith.muli %squeeze3A_442, %mul3A_443 : i32
      %mul3A_445 = arith.constant 64 : i32
      %mul3A_446 = arith.muli %add3A_428, %mul3A_445 : i32
      %dma_start3A_447 = tpu.memref_slice %arg11[%mul3A_446] : memref<37888xf32, #tpu.memory_space<vmem>> -> memref<64xf32, #tpu.memory_space<vmem>>
      %dma_start3A_448 = tpu.memref_slice %arg4[%mul3A_444] : memref<1048576xf32, #tpu.memory_space<hbm>> -> memref<64xf32, #tpu.memory_space<hbm>>
      %dma_start3A_449 = tpu.memref_slice %arg11[%mul3A_446] : memref<37888xf32, #tpu.memory_space<vmem>> -> memref<64xf32, #tpu.memory_space<vmem>>
      %dma_start3A_450 = tpu.memref_slice %arg4[%mul3A_444] : memref<1048576xf32, #tpu.memory_space<hbm>> -> memref<64xf32, #tpu.memory_space<hbm>>
      tpu.enqueue_dma source(%dma_start3A_450 : memref<64xf32, #tpu.memory_space<hbm>>) target(%dma_start3A_449 : memref<64xf32, #tpu.memory_space<vmem>>) target_semaphore(%arg17 : memref<!tpu.dma_semaphore, #tpu.memory_space<semaphore_mem>>)
      %mul3A_451 = arith.constant 16 : i32
      %mul3A_452 = arith.muli %while3A_213, %mul3A_451 : i32
      %add3A_453 = arith.constant 9 : i32
      %add3A_454 = arith.addi %mul3A_452, %add3A_453 : i32
      %add3A_455 = arith.constant 9 : i32
      %add3A_456 = arith.addi %add3A_216, %add3A_455 : i32
      %sub3A_457 = arith.constant 1 : i32
      %sub3A_458 = arith.subi %add3A_57, %sub3A_457 : i32
      %min3A_459 = arith.minsi %add3A_456, %sub3A_458 : i32
      %get3A_460 = arith.index_cast %min3A_459 : i32 to index
      %get3A_461 = tpu.vector_load %arg8[%get3A_460] {strides = array<i32>} : memref<16400xi32, #tpu.memory_space<vmem>>, vector<16xi32>,
      %slice3A_462 = vector.extract_strided_slice %get3A_461 {offsets = [0], sizes = [1], strides = [1]} : vector<16xi32> to vector<1xi32>
      %squeeze3A_463 = vector.extract %slice3A_462[0] : i32 from vector<1xi32>
      %sub3A_464 = arith.subi %squeeze3A_463, %multiple_of3A : i32
      %get3A_465 = arith.index_cast %sub3A_464 : i32 to index
      %get3A_466 = tpu.vector_load %arg7[%get3A_465] {strides = array<i32>} : memref<31760xi32, #tpu.memory_space<vmem>>, vector<16xi32>,
      %slice3A_467 = vector.extract_strided_slice %get3A_466 {offsets = [0], sizes = [1], strides = [1]} : vector<16xi32> to vector<1xi32>
      %squeeze3A_468 = vector.extract %slice3A_467[0] : i32 from vector<1xi32>
      %mul3A_469 = arith.constant 64 : i32
      %mul3A_470 = arith.muli %squeeze3A_468, %mul3A_469 : i32
      %mul3A_471 = arith.constant 64 : i32
      %mul3A_472 = arith.muli %add3A_454, %mul3A_471 : i32
      %dma_start3A_473 = tpu.memref_slice %arg11[%mul3A_472] : memref<37888xf32, #tpu.memory_space<vmem>> -> memref<64xf32, #tpu.memory_space<vmem>>
      %dma_start3A_474 = tpu.memref_slice %arg4[%mul3A_470] : memref<1048576xf32, #tpu.memory_space<hbm>> -> memref<64xf32, #tpu.memory_space<hbm>>
      %dma_start3A_475 = tpu.memref_slice %arg11[%mul3A_472] : memref<37888xf32, #tpu.memory_space<vmem>> -> memref<64xf32, #tpu.memory_space<vmem>>
      %dma_start3A_476 = tpu.memref_slice %arg4[%mul3A_470] : memref<1048576xf32, #tpu.memory_space<hbm>> -> memref<64xf32, #tpu.memory_space<hbm>>
      tpu.enqueue_dma source(%dma_start3A_476 : memref<64xf32, #tpu.memory_space<hbm>>) target(%dma_start3A_475 : memref<64xf32, #tpu.memory_space<vmem>>) target_semaphore(%arg17 : memref<!tpu.dma_semaphore, #tpu.memory_space<semaphore_mem>>)
      %mul3A_477 = arith.constant 16 : i32
      %mul3A_478 = arith.muli %while3A_213, %mul3A_477 : i32
      %add3A_479 = arith.constant 10 : i32
      %add3A_480 = arith.addi %mul3A_478, %add3A_479 : i32
      %add3A_481 = arith.constant 10 : i32
      %add3A_482 = arith.addi %add3A_216, %add3A_481 : i32
      %sub3A_483 = arith.constant 1 : i32
      %sub3A_484 = arith.subi %add3A_57, %sub3A_483 : i32
      %min3A_485 = arith.minsi %add3A_482, %sub3A_484 : i32
      %get3A_486 = arith.index_cast %min3A_485 : i32 to index
      %get3A_487 = tpu.vector_load %arg8[%get3A_486] {strides = array<i32>} : memref<16400xi32, #tpu.memory_space<vmem>>, vector<16xi32>,
      %slice3A_488 = vector.extract_strided_slice %get3A_487 {offsets = [0], sizes = [1], strides = [1]} : vector<16xi32> to vector<1xi32>
      %squeeze3A_489 = vector.extract %slice3A_488[0] : i32 from vector<1xi32>
      %sub3A_490 = arith.subi %squeeze3A_489, %multiple_of3A : i32
      %get3A_491 = arith.index_cast %sub3A_490 : i32 to index
      %get3A_492 = tpu.vector_load %arg7[%get3A_491] {strides = array<i32>} : memref<31760xi32, #tpu.memory_space<vmem>>, vector<16xi32>,
      %slice3A_493 = vector.extract_strided_slice %get3A_492 {offsets = [0], sizes = [1], strides = [1]} : vector<16xi32> to vector<1xi32>
      %squeeze3A_494 = vector.extract %slice3A_493[0] : i32 from vector<1xi32>
      %mul3A_495 = arith.constant 64 : i32
      %mul3A_496 = arith.muli %squeeze3A_494, %mul3A_495 : i32
      %mul3A_497 = arith.constant 64 : i32
      %mul3A_498 = arith.muli %add3A_480, %mul3A_497 : i32
      %dma_start3A_499 = tpu.memref_slice %arg11[%mul3A_498] : memref<37888xf32, #tpu.memory_space<vmem>> -> memref<64xf32, #tpu.memory_space<vmem>>
      %dma_start3A_500 = tpu.memref_slice %arg4[%mul3A_496] : memref<1048576xf32, #tpu.memory_space<hbm>> -> memref<64xf32, #tpu.memory_space<hbm>>
      %dma_start3A_501 = tpu.memref_slice %arg11[%mul3A_498] : memref<37888xf32, #tpu.memory_space<vmem>> -> memref<64xf32, #tpu.memory_space<vmem>>
      %dma_start3A_502 = tpu.memref_slice %arg4[%mul3A_496] : memref<1048576xf32, #tpu.memory_space<hbm>> -> memref<64xf32, #tpu.memory_space<hbm>>
      tpu.enqueue_dma source(%dma_start3A_502 : memref<64xf32, #tpu.memory_space<hbm>>) target(%dma_start3A_501 : memref<64xf32, #tpu.memory_space<vmem>>) target_semaphore(%arg17 : memref<!tpu.dma_semaphore, #tpu.memory_space<semaphore_mem>>)
      %mul3A_503 = arith.constant 16 : i32
      %mul3A_504 = arith.muli %while3A_213, %mul3A_503 : i32
      %add3A_505 = arith.constant 11 : i32
      %add3A_506 = arith.addi %mul3A_504, %add3A_505 : i32
      %add3A_507 = arith.constant 11 : i32
      %add3A_508 = arith.addi %add3A_216, %add3A_507 : i32
      %sub3A_509 = arith.constant 1 : i32
      %sub3A_510 = arith.subi %add3A_57, %sub3A_509 : i32
      %min3A_511 = arith.minsi %add3A_508, %sub3A_510 : i32
      %get3A_512 = arith.index_cast %min3A_511 : i32 to index
      %get3A_513 = tpu.vector_load %arg8[%get3A_512] {strides = array<i32>} : memref<16400xi32, #tpu.memory_space<vmem>>, vector<16xi32>,
      %slice3A_514 = vector.extract_strided_slice %get3A_513 {offsets = [0], sizes = [1], strides = [1]} : vector<16xi32> to vector<1xi32>
      %squeeze3A_515 = vector.extract %slice3A_514[0] : i32 from vector<1xi32>
      %sub3A_516 = arith.subi %squeeze3A_515, %multiple_of3A : i32
      %get3A_517 = arith.index_cast %sub3A_516 : i32 to index
      %get3A_518 = tpu.vector_load %arg7[%get3A_517] {strides = array<i32>} : memref<31760xi32, #tpu.memory_space<vmem>>, vector<16xi32>,
      %slice3A_519 = vector.extract_strided_slice %get3A_518 {offsets = [0], sizes = [1], strides = [1]} : vector<16xi32> to vector<1xi32>
      %squeeze3A_520 = vector.extract %slice3A_519[0] : i32 from vector<1xi32>
      %mul3A_521 = arith.constant 64 : i32
      %mul3A_522 = arith.muli %squeeze3A_520, %mul3A_521 : i32
      %mul3A_523 = arith.constant 64 : i32
      %mul3A_524 = arith.muli %add3A_506, %mul3A_523 : i32
      %dma_start3A_525 = tpu.memref_slice %arg11[%mul3A_524] : memref<37888xf32, #tpu.memory_space<vmem>> -> memref<64xf32, #tpu.memory_space<vmem>>
      %dma_start3A_526 = tpu.memref_slice %arg4[%mul3A_522] : memref<1048576xf32, #tpu.memory_space<hbm>> -> memref<64xf32, #tpu.memory_space<hbm>>
      %dma_start3A_527 = tpu.memref_slice %arg11[%mul3A_524] : memref<37888xf32, #tpu.memory_space<vmem>> -> memref<64xf32, #tpu.memory_space<vmem>>
      %dma_start3A_528 = tpu.memref_slice %arg4[%mul3A_522] : memref<1048576xf32, #tpu.memory_space<hbm>> -> memref<64xf32, #tpu.memory_space<hbm>>
      tpu.enqueue_dma source(%dma_start3A_528 : memref<64xf32, #tpu.memory_space<hbm>>) target(%dma_start3A_527 : memref<64xf32, #tpu.memory_space<vmem>>) target_semaphore(%arg17 : memref<!tpu.dma_semaphore, #tpu.memory_space<semaphore_mem>>)
      %mul3A_529 = arith.constant 16 : i32
      %mul3A_530 = arith.muli %while3A_213, %mul3A_529 : i32
      %add3A_531 = arith.constant 12 : i32
      %add3A_532 = arith.addi %mul3A_530, %add3A_531 : i32
      %add3A_533 = arith.constant 12 : i32
      %add3A_534 = arith.addi %add3A_216, %add3A_533 : i32
      %sub3A_535 = arith.constant 1 : i32
      %sub3A_536 = arith.subi %add3A_57, %sub3A_535 : i32
      %min3A_537 = arith.minsi %add3A_534, %sub3A_536 : i32
      %get3A_538 = arith.index_cast %min3A_537 : i32 to index
      %get3A_539 = tpu.vector_load %arg8[%get3A_538] {strides = array<i32>} : memref<16400xi32, #tpu.memory_space<vmem>>, vector<16xi32>,
      %slice3A_540 = vector.extract_strided_slice %get3A_539 {offsets = [0], sizes = [1], strides = [1]} : vector<16xi32> to vector<1xi32>
      %squeeze3A_541 = vector.extract %slice3A_540[0] : i32 from vector<1xi32>
      %sub3A_542 = arith.subi %squeeze3A_541, %multiple_of3A : i32
      %get3A_543 = arith.index_cast %sub3A_542 : i32 to index
      %get3A_544 = tpu.vector_load %arg7[%get3A_543] {strides = array<i32>} : memref<31760xi32, #tpu.memory_space<vmem>>, vector<16xi32>,
      %slice3A_545 = vector.extract_strided_slice %get3A_544 {offsets = [0], sizes = [1], strides = [1]} : vector<16xi32> to vector<1xi32>
      %squeeze3A_546 = vector.extract %slice3A_545[0] : i32 from vector<1xi32>
      %mul3A_547 = arith.constant 64 : i32
      %mul3A_548 = arith.muli %squeeze3A_546, %mul3A_547 : i32
      %mul3A_549 = arith.constant 64 : i32
      %mul3A_550 = arith.muli %add3A_532, %mul3A_549 : i32
      %dma_start3A_551 = tpu.memref_slice %arg11[%mul3A_550] : memref<37888xf32, #tpu.memory_space<vmem>> -> memref<64xf32, #tpu.memory_space<vmem>>
      %dma_start3A_552 = tpu.memref_slice %arg4[%mul3A_548] : memref<1048576xf32, #tpu.memory_space<hbm>> -> memref<64xf32, #tpu.memory_space<hbm>>
      %dma_start3A_553 = tpu.memref_slice %arg11[%mul3A_550] : memref<37888xf32, #tpu.memory_space<vmem>> -> memref<64xf32, #tpu.memory_space<vmem>>
      %dma_start3A_554 = tpu.memref_slice %arg4[%mul3A_548] : memref<1048576xf32, #tpu.memory_space<hbm>> -> memref<64xf32, #tpu.memory_space<hbm>>
      tpu.enqueue_dma source(%dma_start3A_554 : memref<64xf32, #tpu.memory_space<hbm>>) target(%dma_start3A_553 : memref<64xf32, #tpu.memory_space<vmem>>) target_semaphore(%arg17 : memref<!tpu.dma_semaphore, #tpu.memory_space<semaphore_mem>>)
      %mul3A_555 = arith.constant 16 : i32
      %mul3A_556 = arith.muli %while3A_213, %mul3A_555 : i32
      %add3A_557 = arith.constant 13 : i32
      %add3A_558 = arith.addi %mul3A_556, %add3A_557 : i32
      %add3A_559 = arith.constant 13 : i32
      %add3A_560 = arith.addi %add3A_216, %add3A_559 : i32
      %sub3A_561 = arith.constant 1 : i32
      %sub3A_562 = arith.subi %add3A_57, %sub3A_561 : i32
      %min3A_563 = arith.minsi %add3A_560, %sub3A_562 : i32
      %get3A_564 = arith.index_cast %min3A_563 : i32 to index
      %get3A_565 = tpu.vector_load %arg8[%get3A_564] {strides = array<i32>} : memref<16400xi32, #tpu.memory_space<vmem>>, vector<16xi32>,
      %slice3A_566 = vector.extract_strided_slice %get3A_565 {offsets = [0], sizes = [1], strides = [1]} : vector<16xi32> to vector<1xi32>
      %squeeze3A_567 = vector.extract %slice3A_566[0] : i32 from vector<1xi32>
      %sub3A_568 = arith.subi %squeeze3A_567, %multiple_of3A : i32
      %get3A_569 = arith.index_cast %sub3A_568 : i32 to index
      %get3A_570 = tpu.vector_load %arg7[%get3A_569] {strides = array<i32>} : memref<31760xi32, #tpu.memory_space<vmem>>, vector<16xi32>,
      %slice3A_571 = vector.extract_strided_slice %get3A_570 {offsets = [0], sizes = [1], strides = [1]} : vector<16xi32> to vector<1xi32>
      %squeeze3A_572 = vector.extract %slice3A_571[0] : i32 from vector<1xi32>
      %mul3A_573 = arith.constant 64 : i32
      %mul3A_574 = arith.muli %squeeze3A_572, %mul3A_573 : i32
      %mul3A_575 = arith.constant 64 : i32
      %mul3A_576 = arith.muli %add3A_558, %mul3A_575 : i32
      %dma_start3A_577 = tpu.memref_slice %arg11[%mul3A_576] : memref<37888xf32, #tpu.memory_space<vmem>> -> memref<64xf32, #tpu.memory_space<vmem>>
      %dma_start3A_578 = tpu.memref_slice %arg4[%mul3A_574] : memref<1048576xf32, #tpu.memory_space<hbm>> -> memref<64xf32, #tpu.memory_space<hbm>>
      %dma_start3A_579 = tpu.memref_slice %arg11[%mul3A_576] : memref<37888xf32, #tpu.memory_space<vmem>> -> memref<64xf32, #tpu.memory_space<vmem>>
      %dma_start3A_580 = tpu.memref_slice %arg4[%mul3A_574] : memref<1048576xf32, #tpu.memory_space<hbm>> -> memref<64xf32, #tpu.memory_space<hbm>>
      tpu.enqueue_dma source(%dma_start3A_580 : memref<64xf32, #tpu.memory_space<hbm>>) target(%dma_start3A_579 : memref<64xf32, #tpu.memory_space<vmem>>) target_semaphore(%arg17 : memref<!tpu.dma_semaphore, #tpu.memory_space<semaphore_mem>>)
      %mul3A_581 = arith.constant 16 : i32
      %mul3A_582 = arith.muli %while3A_213, %mul3A_581 : i32
      %add3A_583 = arith.constant 14 : i32
      %add3A_584 = arith.addi %mul3A_582, %add3A_583 : i32
      %add3A_585 = arith.constant 14 : i32
      %add3A_586 = arith.addi %add3A_216, %add3A_585 : i32
      %sub3A_587 = arith.constant 1 : i32
      %sub3A_588 = arith.subi %add3A_57, %sub3A_587 : i32
      %min3A_589 = arith.minsi %add3A_586, %sub3A_588 : i32
      %get3A_590 = arith.index_cast %min3A_589 : i32 to index
      %get3A_591 = tpu.vector_load %arg8[%get3A_590] {strides = array<i32>} : memref<16400xi32, #tpu.memory_space<vmem>>, vector<16xi32>,
      %slice3A_592 = vector.extract_strided_slice %get3A_591 {offsets = [0], sizes = [1], strides = [1]} : vector<16xi32> to vector<1xi32>
      %squeeze3A_593 = vector.extract %slice3A_592[0] : i32 from vector<1xi32>
      %sub3A_594 = arith.subi %squeeze3A_593, %multiple_of3A : i32
      %get3A_595 = arith.index_cast %sub3A_594 : i32 to index
      %get3A_596 = tpu.vector_load %arg7[%get3A_595] {strides = array<i32>} : memref<31760xi32, #tpu.memory_space<vmem>>, vector<16xi32>,
      %slice3A_597 = vector.extract_strided_slice %get3A_596 {offsets = [0], sizes = [1], strides = [1]} : vector<16xi32> to vector<1xi32>
      %squeeze3A_598 = vector.extract %slice3A_597[0] : i32 from vector<1xi32>
      %mul3A_599 = arith.constant 64 : i32
      %mul3A_600 = arith.muli %squeeze3A_598, %mul3A_599 : i32
      %mul3A_601 = arith.constant 64 : i32
      %mul3A_602 = arith.muli %add3A_584, %mul3A_601 : i32
      %dma_start3A_603 = tpu.memref_slice %arg11[%mul3A_602] : memref<37888xf32, #tpu.memory_space<vmem>> -> memref<64xf32, #tpu.memory_space<vmem>>
      %dma_start3A_604 = tpu.memref_slice %arg4[%mul3A_600] : memref<1048576xf32, #tpu.memory_space<hbm>> -> memref<64xf32, #tpu.memory_space<hbm>>
      %dma_start3A_605 = tpu.memref_slice %arg11[%mul3A_602] : memref<37888xf32, #tpu.memory_space<vmem>> -> memref<64xf32, #tpu.memory_space<vmem>>
      %dma_start3A_606 = tpu.memref_slice %arg4[%mul3A_600] : memref<1048576xf32, #tpu.memory_space<hbm>> -> memref<64xf32, #tpu.memory_space<hbm>>
      tpu.enqueue_dma source(%dma_start3A_606 : memref<64xf32, #tpu.memory_space<hbm>>) target(%dma_start3A_605 : memref<64xf32, #tpu.memory_space<vmem>>) target_semaphore(%arg17 : memref<!tpu.dma_semaphore, #tpu.memory_space<semaphore_mem>>)
      %mul3A_607 = arith.constant 16 : i32
      %mul3A_608 = arith.muli %while3A_213, %mul3A_607 : i32
      %add3A_609 = arith.constant 15 : i32
      %add3A_610 = arith.addi %mul3A_608, %add3A_609 : i32
      %add3A_611 = arith.constant 15 : i32
      %add3A_612 = arith.addi %add3A_216, %add3A_611 : i32
      %sub3A_613 = arith.constant 1 : i32
      %sub3A_614 = arith.subi %add3A_57, %sub3A_613 : i32
      %min3A_615 = arith.minsi %add3A_612, %sub3A_614 : i32
      %get3A_616 = arith.index_cast %min3A_615 : i32 to index
      %get3A_617 = tpu.vector_load %arg8[%get3A_616] {strides = array<i32>} : memref<16400xi32, #tpu.memory_space<vmem>>, vector<16xi32>,
      %slice3A_618 = vector.extract_strided_slice %get3A_617 {offsets = [0], sizes = [1], strides = [1]} : vector<16xi32> to vector<1xi32>
      %squeeze3A_619 = vector.extract %slice3A_618[0] : i32 from vector<1xi32>
      %sub3A_620 = arith.subi %squeeze3A_619, %multiple_of3A : i32
      %get3A_621 = arith.index_cast %sub3A_620 : i32 to index
      %get3A_622 = tpu.vector_load %arg7[%get3A_621] {strides = array<i32>} : memref<31760xi32, #tpu.memory_space<vmem>>, vector<16xi32>,
      %slice3A_623 = vector.extract_strided_slice %get3A_622 {offsets = [0], sizes = [1], strides = [1]} : vector<16xi32> to vector<1xi32>
      %squeeze3A_624 = vector.extract %slice3A_623[0] : i32 from vector<1xi32>
      %mul3A_625 = arith.constant 64 : i32
      %mul3A_626 = arith.muli %squeeze3A_624, %mul3A_625 : i32
      %mul3A_627 = arith.constant 64 : i32
      %mul3A_628 = arith.muli %add3A_610, %mul3A_627 : i32
      %dma_start3A_629 = tpu.memref_slice %arg11[%mul3A_628] : memref<37888xf32, #tpu.memory_space<vmem>> -> memref<64xf32, #tpu.memory_space<vmem>>
      %dma_start3A_630 = tpu.memref_slice %arg4[%mul3A_626] : memref<1048576xf32, #tpu.memory_space<hbm>> -> memref<64xf32, #tpu.memory_space<hbm>>
      %dma_start3A_631 = tpu.memref_slice %arg11[%mul3A_628] : memref<37888xf32, #tpu.memory_space<vmem>> -> memref<64xf32, #tpu.memory_space<vmem>>
      %dma_start3A_632 = tpu.memref_slice %arg4[%mul3A_626] : memref<1048576xf32, #tpu.memory_space<hbm>> -> memref<64xf32, #tpu.memory_space<hbm>>
      tpu.enqueue_dma source(%dma_start3A_632 : memref<64xf32, #tpu.memory_space<hbm>>) target(%dma_start3A_631 : memref<64xf32, #tpu.memory_space<vmem>>) target_semaphore(%arg17 : memref<!tpu.dma_semaphore, #tpu.memory_space<semaphore_mem>>)
      %mul3A_633 = arith.constant 16 : i32
      %mul3A_634 = arith.muli %while3A_213, %mul3A_633 : i32
      %add3A_635 = arith.constant 0 : i32
      %add3A_636 = arith.addi %mul3A_634, %add3A_635 : i32
      %mul3A_637 = arith.constant 64 : i32
      %mul3A_638 = arith.muli %add3A_636, %mul3A_637 : i32
      %dma_wait3A_639 = tpu.memref_slice %arg11[%mul3A_638] : memref<37888xf32, #tpu.memory_space<vmem>> -> memref<64xf32, #tpu.memory_space<vmem>>
      %dma_wait3A_640 = arith.constant 0 : i32
      %dma_wait3A_641 = tpu.memref_slice %arg4[%dma_wait3A_640] : memref<1048576xf32, #tpu.memory_space<hbm>> -> memref<64xf32, #tpu.memory_space<hbm>>
      %dma_wait3A_642 = tpu.memref_slice %arg11[%mul3A_638] : memref<37888xf32, #tpu.memory_space<vmem>> -> memref<64xf32, #tpu.memory_space<vmem>>
      %dma_wait3A_643 = arith.constant 0 : i32
      %dma_wait3A_644 = tpu.memref_slice %arg4[%dma_wait3A_643] : memref<1048576xf32, #tpu.memory_space<hbm>> -> memref<64xf32, #tpu.memory_space<hbm>>
      tpu.wait_dma2 semaphore(%arg17 : memref<!tpu.dma_semaphore, #tpu.memory_space<semaphore_mem>>) src(%dma_wait3A_644 : memref<64xf32, #tpu.memory_space<hbm>>) dst(%dma_wait3A_642 : memref<64xf32, #tpu.memory_space<vmem>>)
      %mul3A_645 = arith.constant 16 : i32
      %mul3A_646 = arith.muli %while3A_213, %mul3A_645 : i32
      %add3A_647 = arith.constant 1 : i32
      %add3A_648 = arith.addi %mul3A_646, %add3A_647 : i32
      %mul3A_649 = arith.constant 64 : i32
      %mul3A_650 = arith.muli %add3A_648, %mul3A_649 : i32
      %dma_wait3A_651 = tpu.memref_slice %arg11[%mul3A_650] : memref<37888xf32, #tpu.memory_space<vmem>> -> memref<64xf32, #tpu.memory_space<vmem>>
      %dma_wait3A_652 = arith.constant 0 : i32
      %dma_wait3A_653 = tpu.memref_slice %arg4[%dma_wait3A_652] : memref<1048576xf32, #tpu.memory_space<hbm>> -> memref<64xf32, #tpu.memory_space<hbm>>
      %dma_wait3A_654 = tpu.memref_slice %arg11[%mul3A_650] : memref<37888xf32, #tpu.memory_space<vmem>> -> memref<64xf32, #tpu.memory_space<vmem>>
      %dma_wait3A_655 = arith.constant 0 : i32
      %dma_wait3A_656 = tpu.memref_slice %arg4[%dma_wait3A_655] : memref<1048576xf32, #tpu.memory_space<hbm>> -> memref<64xf32, #tpu.memory_space<hbm>>
      tpu.wait_dma2 semaphore(%arg17 : memref<!tpu.dma_semaphore, #tpu.memory_space<semaphore_mem>>) src(%dma_wait3A_656 : memref<64xf32, #tpu.memory_space<hbm>>) dst(%dma_wait3A_654 : memref<64xf32, #tpu.memory_space<vmem>>)
      %mul3A_657 = arith.constant 16 : i32
      %mul3A_658 = arith.muli %while3A_213, %mul3A_657 : i32
      %add3A_659 = arith.constant 2 : i32
      %add3A_660 = arith.addi %mul3A_658, %add3A_659 : i32
      %mul3A_661 = arith.constant 64 : i32
      %mul3A_662 = arith.muli %add3A_660, %mul3A_661 : i32
      %dma_wait3A_663 = tpu.memref_slice %arg11[%mul3A_662] : memref<37888xf32, #tpu.memory_space<vmem>> -> memref<64xf32, #tpu.memory_space<vmem>>
      %dma_wait3A_664 = arith.constant 0 : i32
      %dma_wait3A_665 = tpu.memref_slice %arg4[%dma_wait3A_664] : memref<1048576xf32, #tpu.memory_space<hbm>> -> memref<64xf32, #tpu.memory_space<hbm>>
      %dma_wait3A_666 = tpu.memref_slice %arg11[%mul3A_662] : memref<37888xf32, #tpu.memory_space<vmem>> -> memref<64xf32, #tpu.memory_space<vmem>>
      %dma_wait3A_667 = arith.constant 0 : i32
      %dma_wait3A_668 = tpu.memref_slice %arg4[%dma_wait3A_667] : memref<1048576xf32, #tpu.memory_space<hbm>> -> memref<64xf32, #tpu.memory_space<hbm>>
      tpu.wait_dma2 semaphore(%arg17 : memref<!tpu.dma_semaphore, #tpu.memory_space<semaphore_mem>>) src(%dma_wait3A_668 : memref<64xf32, #tpu.memory_space<hbm>>) dst(%dma_wait3A_666 : memref<64xf32, #tpu.memory_space<vmem>>)
      %mul3A_669 = arith.constant 16 : i32
      %mul3A_670 = arith.muli %while3A_213, %mul3A_669 : i32
      %add3A_671 = arith.constant 3 : i32
      %add3A_672 = arith.addi %mul3A_670, %add3A_671 : i32
      %mul3A_673 = arith.constant 64 : i32
      %mul3A_674 = arith.muli %add3A_672, %mul3A_673 : i32
      %dma_wait3A_675 = tpu.memref_slice %arg11[%mul3A_674] : memref<37888xf32, #tpu.memory_space<vmem>> -> memref<64xf32, #tpu.memory_space<vmem>>
      %dma_wait3A_676 = arith.constant 0 : i32
      %dma_wait3A_677 = tpu.memref_slice %arg4[%dma_wait3A_676] : memref<1048576xf32, #tpu.memory_space<hbm>> -> memref<64xf32, #tpu.memory_space<hbm>>
      %dma_wait3A_678 = tpu.memref_slice %arg11[%mul3A_674] : memref<37888xf32, #tpu.memory_space<vmem>> -> memref<64xf32, #tpu.memory_space<vmem>>
      %dma_wait3A_679 = arith.constant 0 : i32
      %dma_wait3A_680 = tpu.memref_slice %arg4[%dma_wait3A_679] : memref<1048576xf32, #tpu.memory_space<hbm>> -> memref<64xf32, #tpu.memory_space<hbm>>
      tpu.wait_dma2 semaphore(%arg17 : memref<!tpu.dma_semaphore, #tpu.memory_space<semaphore_mem>>) src(%dma_wait3A_680 : memref<64xf32, #tpu.memory_space<hbm>>) dst(%dma_wait3A_678 : memref<64xf32, #tpu.memory_space<vmem>>)
      %mul3A_681 = arith.constant 16 : i32
      %mul3A_682 = arith.muli %while3A_213, %mul3A_681 : i32
      %add3A_683 = arith.constant 4 : i32
      %add3A_684 = arith.addi %mul3A_682, %add3A_683 : i32
      %mul3A_685 = arith.constant 64 : i32
      %mul3A_686 = arith.muli %add3A_684, %mul3A_685 : i32
      %dma_wait3A_687 = tpu.memref_slice %arg11[%mul3A_686] : memref<37888xf32, #tpu.memory_space<vmem>> -> memref<64xf32, #tpu.memory_space<vmem>>
      %dma_wait3A_688 = arith.constant 0 : i32
      %dma_wait3A_689 = tpu.memref_slice %arg4[%dma_wait3A_688] : memref<1048576xf32, #tpu.memory_space<hbm>> -> memref<64xf32, #tpu.memory_space<hbm>>
      %dma_wait3A_690 = tpu.memref_slice %arg11[%mul3A_686] : memref<37888xf32, #tpu.memory_space<vmem>> -> memref<64xf32, #tpu.memory_space<vmem>>
      %dma_wait3A_691 = arith.constant 0 : i32
      %dma_wait3A_692 = tpu.memref_slice %arg4[%dma_wait3A_691] : memref<1048576xf32, #tpu.memory_space<hbm>> -> memref<64xf32, #tpu.memory_space<hbm>>
      tpu.wait_dma2 semaphore(%arg17 : memref<!tpu.dma_semaphore, #tpu.memory_space<semaphore_mem>>) src(%dma_wait3A_692 : memref<64xf32, #tpu.memory_space<hbm>>) dst(%dma_wait3A_690 : memref<64xf32, #tpu.memory_space<vmem>>)
      %mul3A_693 = arith.constant 16 : i32
      %mul3A_694 = arith.muli %while3A_213, %mul3A_693 : i32
      %add3A_695 = arith.constant 5 : i32
      %add3A_696 = arith.addi %mul3A_694, %add3A_695 : i32
      %mul3A_697 = arith.constant 64 : i32
      %mul3A_698 = arith.muli %add3A_696, %mul3A_697 : i32
      %dma_wait3A_699 = tpu.memref_slice %arg11[%mul3A_698] : memref<37888xf32, #tpu.memory_space<vmem>> -> memref<64xf32, #tpu.memory_space<vmem>>
      %dma_wait3A_700 = arith.constant 0 : i32
      %dma_wait3A_701 = tpu.memref_slice %arg4[%dma_wait3A_700] : memref<1048576xf32, #tpu.memory_space<hbm>> -> memref<64xf32, #tpu.memory_space<hbm>>
      %dma_wait3A_702 = tpu.memref_slice %arg11[%mul3A_698] : memref<37888xf32, #tpu.memory_space<vmem>> -> memref<64xf32, #tpu.memory_space<vmem>>
      %dma_wait3A_703 = arith.constant 0 : i32
      %dma_wait3A_704 = tpu.memref_slice %arg4[%dma_wait3A_703] : memref<1048576xf32, #tpu.memory_space<hbm>> -> memref<64xf32, #tpu.memory_space<hbm>>
      tpu.wait_dma2 semaphore(%arg17 : memref<!tpu.dma_semaphore, #tpu.memory_space<semaphore_mem>>) src(%dma_wait3A_704 : memref<64xf32, #tpu.memory_space<hbm>>) dst(%dma_wait3A_702 : memref<64xf32, #tpu.memory_space<vmem>>)
      %mul3A_705 = arith.constant 16 : i32
      %mul3A_706 = arith.muli %while3A_213, %mul3A_705 : i32
      %add3A_707 = arith.constant 6 : i32
      %add3A_708 = arith.addi %mul3A_706, %add3A_707 : i32
      %mul3A_709 = arith.constant 64 : i32
      %mul3A_710 = arith.muli %add3A_708, %mul3A_709 : i32
      %dma_wait3A_711 = tpu.memref_slice %arg11[%mul3A_710] : memref<37888xf32, #tpu.memory_space<vmem>> -> memref<64xf32, #tpu.memory_space<vmem>>
      %dma_wait3A_712 = arith.constant 0 : i32
      %dma_wait3A_713 = tpu.memref_slice %arg4[%dma_wait3A_712] : memref<1048576xf32, #tpu.memory_space<hbm>> -> memref<64xf32, #tpu.memory_space<hbm>>
      %dma_wait3A_714 = tpu.memref_slice %arg11[%mul3A_710] : memref<37888xf32, #tpu.memory_space<vmem>> -> memref<64xf32, #tpu.memory_space<vmem>>
      %dma_wait3A_715 = arith.constant 0 : i32
      %dma_wait3A_716 = tpu.memref_slice %arg4[%dma_wait3A_715] : memref<1048576xf32, #tpu.memory_space<hbm>> -> memref<64xf32, #tpu.memory_space<hbm>>
      tpu.wait_dma2 semaphore(%arg17 : memref<!tpu.dma_semaphore, #tpu.memory_space<semaphore_mem>>) src(%dma_wait3A_716 : memref<64xf32, #tpu.memory_space<hbm>>) dst(%dma_wait3A_714 : memref<64xf32, #tpu.memory_space<vmem>>)
      %mul3A_717 = arith.constant 16 : i32
      %mul3A_718 = arith.muli %while3A_213, %mul3A_717 : i32
      %add3A_719 = arith.constant 7 : i32
      %add3A_720 = arith.addi %mul3A_718, %add3A_719 : i32
      %mul3A_721 = arith.constant 64 : i32
      %mul3A_722 = arith.muli %add3A_720, %mul3A_721 : i32
      %dma_wait3A_723 = tpu.memref_slice %arg11[%mul3A_722] : memref<37888xf32, #tpu.memory_space<vmem>> -> memref<64xf32, #tpu.memory_space<vmem>>
      %dma_wait3A_724 = arith.constant 0 : i32
      %dma_wait3A_725 = tpu.memref_slice %arg4[%dma_wait3A_724] : memref<1048576xf32, #tpu.memory_space<hbm>> -> memref<64xf32, #tpu.memory_space<hbm>>
      %dma_wait3A_726 = tpu.memref_slice %arg11[%mul3A_722] : memref<37888xf32, #tpu.memory_space<vmem>> -> memref<64xf32, #tpu.memory_space<vmem>>
      %dma_wait3A_727 = arith.constant 0 : i32
      %dma_wait3A_728 = tpu.memref_slice %arg4[%dma_wait3A_727] : memref<1048576xf32, #tpu.memory_space<hbm>> -> memref<64xf32, #tpu.memory_space<hbm>>
      tpu.wait_dma2 semaphore(%arg17 : memref<!tpu.dma_semaphore, #tpu.memory_space<semaphore_mem>>) src(%dma_wait3A_728 : memref<64xf32, #tpu.memory_space<hbm>>) dst(%dma_wait3A_726 : memref<64xf32, #tpu.memory_space<vmem>>)
      %mul3A_729 = arith.constant 16 : i32
      %mul3A_730 = arith.muli %while3A_213, %mul3A_729 : i32
      %add3A_731 = arith.constant 8 : i32
      %add3A_732 = arith.addi %mul3A_730, %add3A_731 : i32
      %mul3A_733 = arith.constant 64 : i32
      %mul3A_734 = arith.muli %add3A_732, %mul3A_733 : i32
      %dma_wait3A_735 = tpu.memref_slice %arg11[%mul3A_734] : memref<37888xf32, #tpu.memory_space<vmem>> -> memref<64xf32, #tpu.memory_space<vmem>>
      %dma_wait3A_736 = arith.constant 0 : i32
      %dma_wait3A_737 = tpu.memref_slice %arg4[%dma_wait3A_736] : memref<1048576xf32, #tpu.memory_space<hbm>> -> memref<64xf32, #tpu.memory_space<hbm>>
      %dma_wait3A_738 = tpu.memref_slice %arg11[%mul3A_734] : memref<37888xf32, #tpu.memory_space<vmem>> -> memref<64xf32, #tpu.memory_space<vmem>>
      %dma_wait3A_739 = arith.constant 0 : i32
      %dma_wait3A_740 = tpu.memref_slice %arg4[%dma_wait3A_739] : memref<1048576xf32, #tpu.memory_space<hbm>> -> memref<64xf32, #tpu.memory_space<hbm>>
      tpu.wait_dma2 semaphore(%arg17 : memref<!tpu.dma_semaphore, #tpu.memory_space<semaphore_mem>>) src(%dma_wait3A_740 : memref<64xf32, #tpu.memory_space<hbm>>) dst(%dma_wait3A_738 : memref<64xf32, #tpu.memory_space<vmem>>)
      %mul3A_741 = arith.constant 16 : i32
      %mul3A_742 = arith.muli %while3A_213, %mul3A_741 : i32
      %add3A_743 = arith.constant 9 : i32
      %add3A_744 = arith.addi %mul3A_742, %add3A_743 : i32
      %mul3A_745 = arith.constant 64 : i32
      %mul3A_746 = arith.muli %add3A_744, %mul3A_745 : i32
      %dma_wait3A_747 = tpu.memref_slice %arg11[%mul3A_746] : memref<37888xf32, #tpu.memory_space<vmem>> -> memref<64xf32, #tpu.memory_space<vmem>>
      %dma_wait3A_748 = arith.constant 0 : i32
      %dma_wait3A_749 = tpu.memref_slice %arg4[%dma_wait3A_748] : memref<1048576xf32, #tpu.memory_space<hbm>> -> memref<64xf32, #tpu.memory_space<hbm>>
      %dma_wait3A_750 = tpu.memref_slice %arg11[%mul3A_746] : memref<37888xf32, #tpu.memory_space<vmem>> -> memref<64xf32, #tpu.memory_space<vmem>>
      %dma_wait3A_751 = arith.constant 0 : i32
      %dma_wait3A_752 = tpu.memref_slice %arg4[%dma_wait3A_751] : memref<1048576xf32, #tpu.memory_space<hbm>> -> memref<64xf32, #tpu.memory_space<hbm>>
      tpu.wait_dma2 semaphore(%arg17 : memref<!tpu.dma_semaphore, #tpu.memory_space<semaphore_mem>>) src(%dma_wait3A_752 : memref<64xf32, #tpu.memory_space<hbm>>) dst(%dma_wait3A_750 : memref<64xf32, #tpu.memory_space<vmem>>)
      %mul3A_753 = arith.constant 16 : i32
      %mul3A_754 = arith.muli %while3A_213, %mul3A_753 : i32
      %add3A_755 = arith.constant 10 : i32
      %add3A_756 = arith.addi %mul3A_754, %add3A_755 : i32
      %mul3A_757 = arith.constant 64 : i32
      %mul3A_758 = arith.muli %add3A_756, %mul3A_757 : i32
      %dma_wait3A_759 = tpu.memref_slice %arg11[%mul3A_758] : memref<37888xf32, #tpu.memory_space<vmem>> -> memref<64xf32, #tpu.memory_space<vmem>>
      %dma_wait3A_760 = arith.constant 0 : i32
      %dma_wait3A_761 = tpu.memref_slice %arg4[%dma_wait3A_760] : memref<1048576xf32, #tpu.memory_space<hbm>> -> memref<64xf32, #tpu.memory_space<hbm>>
      %dma_wait3A_762 = tpu.memref_slice %arg11[%mul3A_758] : memref<37888xf32, #tpu.memory_space<vmem>> -> memref<64xf32, #tpu.memory_space<vmem>>
      %dma_wait3A_763 = arith.constant 0 : i32
      %dma_wait3A_764 = tpu.memref_slice %arg4[%dma_wait3A_763] : memref<1048576xf32, #tpu.memory_space<hbm>> -> memref<64xf32, #tpu.memory_space<hbm>>
      tpu.wait_dma2 semaphore(%arg17 : memref<!tpu.dma_semaphore, #tpu.memory_space<semaphore_mem>>) src(%dma_wait3A_764 : memref<64xf32, #tpu.memory_space<hbm>>) dst(%dma_wait3A_762 : memref<64xf32, #tpu.memory_space<vmem>>)
      %mul3A_765 = arith.constant 16 : i32
      %mul3A_766 = arith.muli %while3A_213, %mul3A_765 : i32
      %add3A_767 = arith.constant 11 : i32
      %add3A_768 = arith.addi %mul3A_766, %add3A_767 : i32
      %mul3A_769 = arith.constant 64 : i32
      %mul3A_770 = arith.muli %add3A_768, %mul3A_769 : i32
      %dma_wait3A_771 = tpu.memref_slice %arg11[%mul3A_770] : memref<37888xf32, #tpu.memory_space<vmem>> -> memref<64xf32, #tpu.memory_space<vmem>>
      %dma_wait3A_772 = arith.constant 0 : i32
      %dma_wait3A_773 = tpu.memref_slice %arg4[%dma_wait3A_772] : memref<1048576xf32, #tpu.memory_space<hbm>> -> memref<64xf32, #tpu.memory_space<hbm>>
      %dma_wait3A_774 = tpu.memref_slice %arg11[%mul3A_770] : memref<37888xf32, #tpu.memory_space<vmem>> -> memref<64xf32, #tpu.memory_space<vmem>>
      %dma_wait3A_775 = arith.constant 0 : i32
      %dma_wait3A_776 = tpu.memref_slice %arg4[%dma_wait3A_775] : memref<1048576xf32, #tpu.memory_space<hbm>> -> memref<64xf32, #tpu.memory_space<hbm>>
      tpu.wait_dma2 semaphore(%arg17 : memref<!tpu.dma_semaphore, #tpu.memory_space<semaphore_mem>>) src(%dma_wait3A_776 : memref<64xf32, #tpu.memory_space<hbm>>) dst(%dma_wait3A_774 : memref<64xf32, #tpu.memory_space<vmem>>)
      %mul3A_777 = arith.constant 16 : i32
      %mul3A_778 = arith.muli %while3A_213, %mul3A_777 : i32
      %add3A_779 = arith.constant 12 : i32
      %add3A_780 = arith.addi %mul3A_778, %add3A_779 : i32
      %mul3A_781 = arith.constant 64 : i32
      %mul3A_782 = arith.muli %add3A_780, %mul3A_781 : i32
      %dma_wait3A_783 = tpu.memref_slice %arg11[%mul3A_782] : memref<37888xf32, #tpu.memory_space<vmem>> -> memref<64xf32, #tpu.memory_space<vmem>>
      %dma_wait3A_784 = arith.constant 0 : i32
      %dma_wait3A_785 = tpu.memref_slice %arg4[%dma_wait3A_784] : memref<1048576xf32, #tpu.memory_space<hbm>> -> memref<64xf32, #tpu.memory_space<hbm>>
      %dma_wait3A_786 = tpu.memref_slice %arg11[%mul3A_782] : memref<37888xf32, #tpu.memory_space<vmem>> -> memref<64xf32, #tpu.memory_space<vmem>>
      %dma_wait3A_787 = arith.constant 0 : i32
      %dma_wait3A_788 = tpu.memref_slice %arg4[%dma_wait3A_787] : memref<1048576xf32, #tpu.memory_space<hbm>> -> memref<64xf32, #tpu.memory_space<hbm>>
      tpu.wait_dma2 semaphore(%arg17 : memref<!tpu.dma_semaphore, #tpu.memory_space<semaphore_mem>>) src(%dma_wait3A_788 : memref<64xf32, #tpu.memory_space<hbm>>) dst(%dma_wait3A_786 : memref<64xf32, #tpu.memory_space<vmem>>)
      %mul3A_789 = arith.constant 16 : i32
      %mul3A_790 = arith.muli %while3A_213, %mul3A_789 : i32
      %add3A_791 = arith.constant 13 : i32
      %add3A_792 = arith.addi %mul3A_790, %add3A_791 : i32
      %mul3A_793 = arith.constant 64 : i32
      %mul3A_794 = arith.muli %add3A_792, %mul3A_793 : i32
      %dma_wait3A_795 = tpu.memref_slice %arg11[%mul3A_794] : memref<37888xf32, #tpu.memory_space<vmem>> -> memref<64xf32, #tpu.memory_space<vmem>>
      %dma_wait3A_796 = arith.constant 0 : i32
      %dma_wait3A_797 = tpu.memref_slice %arg4[%dma_wait3A_796] : memref<1048576xf32, #tpu.memory_space<hbm>> -> memref<64xf32, #tpu.memory_space<hbm>>
      %dma_wait3A_798 = tpu.memref_slice %arg11[%mul3A_794] : memref<37888xf32, #tpu.memory_space<vmem>> -> memref<64xf32, #tpu.memory_space<vmem>>
      %dma_wait3A_799 = arith.constant 0 : i32
      %dma_wait3A_800 = tpu.memref_slice %arg4[%dma_wait3A_799] : memref<1048576xf32, #tpu.memory_space<hbm>> -> memref<64xf32, #tpu.memory_space<hbm>>
      tpu.wait_dma2 semaphore(%arg17 : memref<!tpu.dma_semaphore, #tpu.memory_space<semaphore_mem>>) src(%dma_wait3A_800 : memref<64xf32, #tpu.memory_space<hbm>>) dst(%dma_wait3A_798 : memref<64xf32, #tpu.memory_space<vmem>>)
      %mul3A_801 = arith.constant 16 : i32
      %mul3A_802 = arith.muli %while3A_213, %mul3A_801 : i32
      %add3A_803 = arith.constant 14 : i32
      %add3A_804 = arith.addi %mul3A_802, %add3A_803 : i32
      %mul3A_805 = arith.constant 64 : i32
      %mul3A_806 = arith.muli %add3A_804, %mul3A_805 : i32
      %dma_wait3A_807 = tpu.memref_slice %arg11[%mul3A_806] : memref<37888xf32, #tpu.memory_space<vmem>> -> memref<64xf32, #tpu.memory_space<vmem>>
      %dma_wait3A_808 = arith.constant 0 : i32
      %dma_wait3A_809 = tpu.memref_slice %arg4[%dma_wait3A_808] : memref<1048576xf32, #tpu.memory_space<hbm>> -> memref<64xf32, #tpu.memory_space<hbm>>
      %dma_wait3A_810 = tpu.memref_slice %arg11[%mul3A_806] : memref<37888xf32, #tpu.memory_space<vmem>> -> memref<64xf32, #tpu.memory_space<vmem>>
      %dma_wait3A_811 = arith.constant 0 : i32
      %dma_wait3A_812 = tpu.memref_slice %arg4[%dma_wait3A_811] : memref<1048576xf32, #tpu.memory_space<hbm>> -> memref<64xf32, #tpu.memory_space<hbm>>
      tpu.wait_dma2 semaphore(%arg17 : memref<!tpu.dma_semaphore, #tpu.memory_space<semaphore_mem>>) src(%dma_wait3A_812 : memref<64xf32, #tpu.memory_space<hbm>>) dst(%dma_wait3A_810 : memref<64xf32, #tpu.memory_space<vmem>>)
      %mul3A_813 = arith.constant 16 : i32
      %mul3A_814 = arith.muli %while3A_213, %mul3A_813 : i32
      %add3A_815 = arith.constant 15 : i32
      %add3A_816 = arith.addi %mul3A_814, %add3A_815 : i32
      %mul3A_817 = arith.constant 64 : i32
      %mul3A_818 = arith.muli %add3A_816, %mul3A_817 : i32
      %dma_wait3A_819 = tpu.memref_slice %arg11[%mul3A_818] : memref<37888xf32, #tpu.memory_space<vmem>> -> memref<64xf32, #tpu.memory_space<vmem>>
      %dma_wait3A_820 = arith.constant 0 : i32
      %dma_wait3A_821 = tpu.memref_slice %arg4[%dma_wait3A_820] : memref<1048576xf32, #tpu.memory_space<hbm>> -> memref<64xf32, #tpu.memory_space<hbm>>
      %dma_wait3A_822 = tpu.memref_slice %arg11[%mul3A_818] : memref<37888xf32, #tpu.memory_space<vmem>> -> memref<64xf32, #tpu.memory_space<vmem>>
      %dma_wait3A_823 = arith.constant 0 : i32
      %dma_wait3A_824 = tpu.memref_slice %arg4[%dma_wait3A_823] : memref<1048576xf32, #tpu.memory_space<hbm>> -> memref<64xf32, #tpu.memory_space<hbm>>
      tpu.wait_dma2 semaphore(%arg17 : memref<!tpu.dma_semaphore, #tpu.memory_space<semaphore_mem>>) src(%dma_wait3A_824 : memref<64xf32, #tpu.memory_space<hbm>>) dst(%dma_wait3A_822 : memref<64xf32, #tpu.memory_space<vmem>>)
    }
    %while3A_92 = arith.constant 1 : i32
    scf.for %while3A_213 = %while3A_90 to %while3A_86 step %while3A_92  : i32 {
      %mul3A_214 = arith.constant 16 : i32
      %mul3A_215 = arith.muli %while3A_213, %mul3A_214 : i32
      %add3A_216 = arith.addi %while3A_83, %mul3A_215 : i32
      %mul3A_217 = arith.constant 16 : i32
      %mul3A_218 = arith.muli %while3A_213, %mul3A_217 : i32
      %add3A_219 = arith.constant 0 : i32
      %add3A_220 = arith.addi %mul3A_218, %add3A_219 : i32
      %add3A_221 = arith.constant 0 : i32
      %add3A_222 = arith.addi %add3A_216, %add3A_221 : i32
      %sub3A_223 = arith.constant 1 : i32
      %sub3A_224 = arith.subi %add3A_57, %sub3A_223 : i32
      %min3A_225 = arith.minsi %add3A_222, %sub3A_224 : i32
      %get3A_226 = arith.index_cast %min3A_225 : i32 to index
      %get3A_227 = tpu.vector_load %arg8[%get3A_226] {strides = array<i32>} : memref<16400xi32, #tpu.memory_space<vmem>>, vector<16xi32>,
      %slice3A_228 = vector.extract_strided_slice %get3A_227 {offsets = [0], sizes = [1], strides = [1]} : vector<16xi32> to vector<1xi32>
      %squeeze3A_229 = vector.extract %slice3A_228[0] : i32 from vector<1xi32>
      %sub3A_230 = arith.subi %squeeze3A_229, %multiple_of3A : i32
      %get3A_231 = arith.index_cast %sub3A_230 : i32 to index
      %get3A_232 = tpu.vector_load %arg7[%get3A_231] {strides = array<i32>} : memref<31760xi32, #tpu.memory_space<vmem>>, vector<16xi32>,
      %slice3A_233 = vector.extract_strided_slice %get3A_232 {offsets = [0], sizes = [1], strides = [1]} : vector<16xi32> to vector<1xi32>
      %squeeze3A_234 = vector.extract %slice3A_233[0] : i32 from vector<1xi32>
      %mul3A_235 = arith.constant 64 : i32
      %mul3A_236 = arith.muli %squeeze3A_234, %mul3A_235 : i32
      %mul3A_237 = arith.constant 64 : i32
      %mul3A_238 = arith.muli %add3A_220, %mul3A_237 : i32
      %dma_start3A_239 = tpu.memref_slice %arg11[%mul3A_238] : memref<37888xf32, #tpu.memory_space<vmem>> -> memref<64xf32, #tpu.memory_space<vmem>>
      %dma_start3A_240 = tpu.memref_slice %arg4[%mul3A_236] : memref<1048576xf32, #tpu.memory_space<hbm>> -> memref<64xf32, #tpu.memory_space<hbm>>
      %dma_start3A_241 = tpu.memref_slice %arg11[%mul3A_238] : memref<37888xf32, #tpu.memory_space<vmem>> -> memref<64xf32, #tpu.memory_space<vmem>>
      %dma_start3A_242 = tpu.memref_slice %arg4[%mul3A_236] : memref<1048576xf32, #tpu.memory_space<hbm>> -> memref<64xf32, #tpu.memory_space<hbm>>
      tpu.enqueue_dma source(%dma_start3A_242 : memref<64xf32, #tpu.memory_space<hbm>>) target(%dma_start3A_241 : memref<64xf32, #tpu.memory_space<vmem>>) target_semaphore(%arg17 : memref<!tpu.dma_semaphore, #tpu.memory_space<semaphore_mem>>)
      %mul3A_243 = arith.constant 16 : i32
      %mul3A_244 = arith.muli %while3A_213, %mul3A_243 : i32
      %add3A_245 = arith.constant 1 : i32
      %add3A_246 = arith.addi %mul3A_244, %add3A_245 : i32
      %add3A_247 = arith.constant 1 : i32
      %add3A_248 = arith.addi %add3A_216, %add3A_247 : i32
      %sub3A_249 = arith.constant 1 : i32
      %sub3A_250 = arith.subi %add3A_57, %sub3A_249 : i32
      %min3A_251 = arith.minsi %add3A_248, %sub3A_250 : i32
      %get3A_252 = arith.index_cast %min3A_251 : i32 to index
      %get3A_253 = tpu.vector_load %arg8[%get3A_252] {strides = array<i32>} : memref<16400xi32, #tpu.memory_space<vmem>>, vector<16xi32>,
      %slice3A_254 = vector.extract_strided_slice %get3A_253 {offsets = [0], sizes = [1], strides = [1]} : vector<16xi32> to vector<1xi32>
      %squeeze3A_255 = vector.extract %slice3A_254[0] : i32 from vector<1xi32>
      %sub3A_256 = arith.subi %squeeze3A_255, %multiple_of3A : i32
      %get3A_257 = arith.index_cast %sub3A_256 : i32 to index
      %get3A_258 = tpu.vector_load %arg7[%get3A_257] {strides = array<i32>} : memref<31760xi32, #tpu.memory_space<vmem>>, vector<16xi32>,
      %slice3A_259 = vector.extract_strided_slice %get3A_258 {offsets = [0], sizes = [1], strides = [1]} : vector<16xi32> to vector<1xi32>
      %squeeze3A_260 = vector.extract %slice3A_259[0] : i32 from vector<1xi32>
      %mul3A_261 = arith.constant 64 : i32
      %mul3A_262 = arith.muli %squeeze3A_260, %mul3A_261 : i32
      %mul3A_263 = arith.constant 64 : i32
      %mul3A_264 = arith.muli %add3A_246, %mul3A_263 : i32
      %dma_start3A_265 = tpu.memref_slice %arg11[%mul3A_264] : memref<37888xf32, #tpu.memory_space<vmem>> -> memref<64xf32, #tpu.memory_space<vmem>>
      %dma_start3A_266 = tpu.memref_slice %arg4[%mul3A_262] : memref<1048576xf32, #tpu.memory_space<hbm>> -> memref<64xf32, #tpu.memory_space<hbm>>
      %dma_start3A_267 = tpu.memref_slice %arg11[%mul3A_264] : memref<37888xf32, #tpu.memory_space<vmem>> -> memref<64xf32, #tpu.memory_space<vmem>>
      %dma_start3A_268 = tpu.memref_slice %arg4[%mul3A_262] : memref<1048576xf32, #tpu.memory_space<hbm>> -> memref<64xf32, #tpu.memory_space<hbm>>
      tpu.enqueue_dma source(%dma_start3A_268 : memref<64xf32, #tpu.memory_space<hbm>>) target(%dma_start3A_267 : memref<64xf32, #tpu.memory_space<vmem>>) target_semaphore(%arg17 : memref<!tpu.dma_semaphore, #tpu.memory_space<semaphore_mem>>)
      %mul3A_269 = arith.constant 16 : i32
      %mul3A_270 = arith.muli %while3A_213, %mul3A_269 : i32
      %add3A_271 = arith.constant 2 : i32
      %add3A_272 = arith.addi %mul3A_270, %add3A_271 : i32
      %add3A_273 = arith.constant 2 : i32
      %add3A_274 = arith.addi %add3A_216, %add3A_273 : i32
      %sub3A_275 = arith.constant 1 : i32
      %sub3A_276 = arith.subi %add3A_57, %sub3A_275 : i32
      %min3A_277 = arith.minsi %add3A_274, %sub3A_276 : i32
      %get3A_278 = arith.index_cast %min3A_277 : i32 to index
      %get3A_279 = tpu.vector_load %arg8[%get3A_278] {strides = array<i32>} : memref<16400xi32, #tpu.memory_space<vmem>>, vector<16xi32>,
      %slice3A_280 = vector.extract_strided_slice %get3A_279 {offsets = [0], sizes = [1], strides = [1]} : vector<16xi32> to vector<1xi32>
      %squeeze3A_281 = vector.extract %slice3A_280[0] : i32 from vector<1xi32>
      %sub3A_282 = arith.subi %squeeze3A_281, %multiple_of3A : i32
      %get3A_283 = arith.index_cast %sub3A_282 : i32 to index
      %get3A_284 = tpu.vector_load %arg7[%get3A_283] {strides = array<i32>} : memref<31760xi32, #tpu.memory_space<vmem>>, vector<16xi32>,
      %slice3A_285 = vector.extract_strided_slice %get3A_284 {offsets = [0], sizes = [1], strides = [1]} : vector<16xi32> to vector<1xi32>
      %squeeze3A_286 = vector.extract %slice3A_285[0] : i32 from vector<1xi32>
      %mul3A_287 = arith.constant 64 : i32
      %mul3A_288 = arith.muli %squeeze3A_286, %mul3A_287 : i32
      %mul3A_289 = arith.constant 64 : i32
      %mul3A_290 = arith.muli %add3A_272, %mul3A_289 : i32
      %dma_start3A_291 = tpu.memref_slice %arg11[%mul3A_290] : memref<37888xf32, #tpu.memory_space<vmem>> -> memref<64xf32, #tpu.memory_space<vmem>>
      %dma_start3A_292 = tpu.memref_slice %arg4[%mul3A_288] : memref<1048576xf32, #tpu.memory_space<hbm>> -> memref<64xf32, #tpu.memory_space<hbm>>
      %dma_start3A_293 = tpu.memref_slice %arg11[%mul3A_290] : memref<37888xf32, #tpu.memory_space<vmem>> -> memref<64xf32, #tpu.memory_space<vmem>>
      %dma_start3A_294 = tpu.memref_slice %arg4[%mul3A_288] : memref<1048576xf32, #tpu.memory_space<hbm>> -> memref<64xf32, #tpu.memory_space<hbm>>
      tpu.enqueue_dma source(%dma_start3A_294 : memref<64xf32, #tpu.memory_space<hbm>>) target(%dma_start3A_293 : memref<64xf32, #tpu.memory_space<vmem>>) target_semaphore(%arg17 : memref<!tpu.dma_semaphore, #tpu.memory_space<semaphore_mem>>)
      %mul3A_295 = arith.constant 16 : i32
      %mul3A_296 = arith.muli %while3A_213, %mul3A_295 : i32
      %add3A_297 = arith.constant 3 : i32
      %add3A_298 = arith.addi %mul3A_296, %add3A_297 : i32
      %add3A_299 = arith.constant 3 : i32
      %add3A_300 = arith.addi %add3A_216, %add3A_299 : i32
      %sub3A_301 = arith.constant 1 : i32
      %sub3A_302 = arith.subi %add3A_57, %sub3A_301 : i32
      %min3A_303 = arith.minsi %add3A_300, %sub3A_302 : i32
      %get3A_304 = arith.index_cast %min3A_303 : i32 to index
      %get3A_305 = tpu.vector_load %arg8[%get3A_304] {strides = array<i32>} : memref<16400xi32, #tpu.memory_space<vmem>>, vector<16xi32>,
      %slice3A_306 = vector.extract_strided_slice %get3A_305 {offsets = [0], sizes = [1], strides = [1]} : vector<16xi32> to vector<1xi32>
      %squeeze3A_307 = vector.extract %slice3A_306[0] : i32 from vector<1xi32>
      %sub3A_308 = arith.subi %squeeze3A_307, %multiple_of3A : i32
      %get3A_309 = arith.index_cast %sub3A_308 : i32 to index
      %get3A_310 = tpu.vector_load %arg7[%get3A_309] {strides = array<i32>} : memref<31760xi32, #tpu.memory_space<vmem>>, vector<16xi32>,
      %slice3A_311 = vector.extract_strided_slice %get3A_310 {offsets = [0], sizes = [1], strides = [1]} : vector<16xi32> to vector<1xi32>
      %squeeze3A_312 = vector.extract %slice3A_311[0] : i32 from vector<1xi32>
      %mul3A_313 = arith.constant 64 : i32
      %mul3A_314 = arith.muli %squeeze3A_312, %mul3A_313 : i32
      %mul3A_315 = arith.constant 64 : i32
      %mul3A_316 = arith.muli %add3A_298, %mul3A_315 : i32
      %dma_start3A_317 = tpu.memref_slice %arg11[%mul3A_316] : memref<37888xf32, #tpu.memory_space<vmem>> -> memref<64xf32, #tpu.memory_space<vmem>>
      %dma_start3A_318 = tpu.memref_slice %arg4[%mul3A_314] : memref<1048576xf32, #tpu.memory_space<hbm>> -> memref<64xf32, #tpu.memory_space<hbm>>
      %dma_start3A_319 = tpu.memref_slice %arg11[%mul3A_316] : memref<37888xf32, #tpu.memory_space<vmem>> -> memref<64xf32, #tpu.memory_space<vmem>>
      %dma_start3A_320 = tpu.memref_slice %arg4[%mul3A_314] : memref<1048576xf32, #tpu.memory_space<hbm>> -> memref<64xf32, #tpu.memory_space<hbm>>
      tpu.enqueue_dma source(%dma_start3A_320 : memref<64xf32, #tpu.memory_space<hbm>>) target(%dma_start3A_319 : memref<64xf32, #tpu.memory_space<vmem>>) target_semaphore(%arg17 : memref<!tpu.dma_semaphore, #tpu.memory_space<semaphore_mem>>)
      %mul3A_321 = arith.constant 16 : i32
      %mul3A_322 = arith.muli %while3A_213, %mul3A_321 : i32
      %add3A_323 = arith.constant 4 : i32
      %add3A_324 = arith.addi %mul3A_322, %add3A_323 : i32
      %add3A_325 = arith.constant 4 : i32
      %add3A_326 = arith.addi %add3A_216, %add3A_325 : i32
      %sub3A_327 = arith.constant 1 : i32
      %sub3A_328 = arith.subi %add3A_57, %sub3A_327 : i32
      %min3A_329 = arith.minsi %add3A_326, %sub3A_328 : i32
      %get3A_330 = arith.index_cast %min3A_329 : i32 to index
      %get3A_331 = tpu.vector_load %arg8[%get3A_330] {strides = array<i32>} : memref<16400xi32, #tpu.memory_space<vmem>>, vector<16xi32>,
      %slice3A_332 = vector.extract_strided_slice %get3A_331 {offsets = [0], sizes = [1], strides = [1]} : vector<16xi32> to vector<1xi32>
      %squeeze3A_333 = vector.extract %slice3A_332[0] : i32 from vector<1xi32>
      %sub3A_334 = arith.subi %squeeze3A_333, %multiple_of3A : i32
      %get3A_335 = arith.index_cast %sub3A_334 : i32 to index
      %get3A_336 = tpu.vector_load %arg7[%get3A_335] {strides = array<i32>} : memref<31760xi32, #tpu.memory_space<vmem>>, vector<16xi32>,
      %slice3A_337 = vector.extract_strided_slice %get3A_336 {offsets = [0], sizes = [1], strides = [1]} : vector<16xi32> to vector<1xi32>
      %squeeze3A_338 = vector.extract %slice3A_337[0] : i32 from vector<1xi32>
      %mul3A_339 = arith.constant 64 : i32
      %mul3A_340 = arith.muli %squeeze3A_338, %mul3A_339 : i32
      %mul3A_341 = arith.constant 64 : i32
      %mul3A_342 = arith.muli %add3A_324, %mul3A_341 : i32
      %dma_start3A_343 = tpu.memref_slice %arg11[%mul3A_342] : memref<37888xf32, #tpu.memory_space<vmem>> -> memref<64xf32, #tpu.memory_space<vmem>>
      %dma_start3A_344 = tpu.memref_slice %arg4[%mul3A_340] : memref<1048576xf32, #tpu.memory_space<hbm>> -> memref<64xf32, #tpu.memory_space<hbm>>
      %dma_start3A_345 = tpu.memref_slice %arg11[%mul3A_342] : memref<37888xf32, #tpu.memory_space<vmem>> -> memref<64xf32, #tpu.memory_space<vmem>>
      %dma_start3A_346 = tpu.memref_slice %arg4[%mul3A_340] : memref<1048576xf32, #tpu.memory_space<hbm>> -> memref<64xf32, #tpu.memory_space<hbm>>
      tpu.enqueue_dma source(%dma_start3A_346 : memref<64xf32, #tpu.memory_space<hbm>>) target(%dma_start3A_345 : memref<64xf32, #tpu.memory_space<vmem>>) target_semaphore(%arg17 : memref<!tpu.dma_semaphore, #tpu.memory_space<semaphore_mem>>)
      %mul3A_347 = arith.constant 16 : i32
      %mul3A_348 = arith.muli %while3A_213, %mul3A_347 : i32
      %add3A_349 = arith.constant 5 : i32
      %add3A_350 = arith.addi %mul3A_348, %add3A_349 : i32
      %add3A_351 = arith.constant 5 : i32
      %add3A_352 = arith.addi %add3A_216, %add3A_351 : i32
      %sub3A_353 = arith.constant 1 : i32
      %sub3A_354 = arith.subi %add3A_57, %sub3A_353 : i32
      %min3A_355 = arith.minsi %add3A_352, %sub3A_354 : i32
      %get3A_356 = arith.index_cast %min3A_355 : i32 to index
      %get3A_357 = tpu.vector_load %arg8[%get3A_356] {strides = array<i32>} : memref<16400xi32, #tpu.memory_space<vmem>>, vector<16xi32>,
      %slice3A_358 = vector.extract_strided_slice %get3A_357 {offsets = [0], sizes = [1], strides = [1]} : vector<16xi32> to vector<1xi32>
      %squeeze3A_359 = vector.extract %slice3A_358[0] : i32 from vector<1xi32>
      %sub3A_360 = arith.subi %squeeze3A_359, %multiple_of3A : i32
      %get3A_361 = arith.index_cast %sub3A_360 : i32 to index
      %get3A_362 = tpu.vector_load %arg7[%get3A_361] {strides = array<i32>} : memref<31760xi32, #tpu.memory_space<vmem>>, vector<16xi32>,
      %slice3A_363 = vector.extract_strided_slice %get3A_362 {offsets = [0], sizes = [1], strides = [1]} : vector<16xi32> to vector<1xi32>
      %squeeze3A_364 = vector.extract %slice3A_363[0] : i32 from vector<1xi32>
      %mul3A_365 = arith.constant 64 : i32
      %mul3A_366 = arith.muli %squeeze3A_364, %mul3A_365 : i32
      %mul3A_367 = arith.constant 64 : i32
      %mul3A_368 = arith.muli %add3A_350, %mul3A_367 : i32
      %dma_start3A_369 = tpu.memref_slice %arg11[%mul3A_368] : memref<37888xf32, #tpu.memory_space<vmem>> -> memref<64xf32, #tpu.memory_space<vmem>>
      %dma_start3A_370 = tpu.memref_slice %arg4[%mul3A_366] : memref<1048576xf32, #tpu.memory_space<hbm>> -> memref<64xf32, #tpu.memory_space<hbm>>
      %dma_start3A_371 = tpu.memref_slice %arg11[%mul3A_368] : memref<37888xf32, #tpu.memory_space<vmem>> -> memref<64xf32, #tpu.memory_space<vmem>>
      %dma_start3A_372 = tpu.memref_slice %arg4[%mul3A_366] : memref<1048576xf32, #tpu.memory_space<hbm>> -> memref<64xf32, #tpu.memory_space<hbm>>
      tpu.enqueue_dma source(%dma_start3A_372 : memref<64xf32, #tpu.memory_space<hbm>>) target(%dma_start3A_371 : memref<64xf32, #tpu.memory_space<vmem>>) target_semaphore(%arg17 : memref<!tpu.dma_semaphore, #tpu.memory_space<semaphore_mem>>)
      %mul3A_373 = arith.constant 16 : i32
      %mul3A_374 = arith.muli %while3A_213, %mul3A_373 : i32
      %add3A_375 = arith.constant 6 : i32
      %add3A_376 = arith.addi %mul3A_374, %add3A_375 : i32
      %add3A_377 = arith.constant 6 : i32
      %add3A_378 = arith.addi %add3A_216, %add3A_377 : i32
      %sub3A_379 = arith.constant 1 : i32
      %sub3A_380 = arith.subi %add3A_57, %sub3A_379 : i32
      %min3A_381 = arith.minsi %add3A_378, %sub3A_380 : i32
      %get3A_382 = arith.index_cast %min3A_381 : i32 to index
      %get3A_383 = tpu.vector_load %arg8[%get3A_382] {strides = array<i32>} : memref<16400xi32, #tpu.memory_space<vmem>>, vector<16xi32>,
      %slice3A_384 = vector.extract_strided_slice %get3A_383 {offsets = [0], sizes = [1], strides = [1]} : vector<16xi32> to vector<1xi32>
      %squeeze3A_385 = vector.extract %slice3A_384[0] : i32 from vector<1xi32>
      %sub3A_386 = arith.subi %squeeze3A_385, %multiple_of3A : i32
      %get3A_387 = arith.index_cast %sub3A_386 : i32 to index
      %get3A_388 = tpu.vector_load %arg7[%get3A_387] {strides = array<i32>} : memref<31760xi32, #tpu.memory_space<vmem>>, vector<16xi32>,
      %slice3A_389 = vector.extract_strided_slice %get3A_388 {offsets = [0], sizes = [1], strides = [1]} : vector<16xi32> to vector<1xi32>
      %squeeze3A_390 = vector.extract %slice3A_389[0] : i32 from vector<1xi32>
      %mul3A_391 = arith.constant 64 : i32
      %mul3A_392 = arith.muli %squeeze3A_390, %mul3A_391 : i32
      %mul3A_393 = arith.constant 64 : i32
      %mul3A_394 = arith.muli %add3A_376, %mul3A_393 : i32
      %dma_start3A_395 = tpu.memref_slice %arg11[%mul3A_394] : memref<37888xf32, #tpu.memory_space<vmem>> -> memref<64xf32, #tpu.memory_space<vmem>>
      %dma_start3A_396 = tpu.memref_slice %arg4[%mul3A_392] : memref<1048576xf32, #tpu.memory_space<hbm>> -> memref<64xf32, #tpu.memory_space<hbm>>
      %dma_start3A_397 = tpu.memref_slice %arg11[%mul3A_394] : memref<37888xf32, #tpu.memory_space<vmem>> -> memref<64xf32, #tpu.memory_space<vmem>>
      %dma_start3A_398 = tpu.memref_slice %arg4[%mul3A_392] : memref<1048576xf32, #tpu.memory_space<hbm>> -> memref<64xf32, #tpu.memory_space<hbm>>
      tpu.enqueue_dma source(%dma_start3A_398 : memref<64xf32, #tpu.memory_space<hbm>>) target(%dma_start3A_397 : memref<64xf32, #tpu.memory_space<vmem>>) target_semaphore(%arg17 : memref<!tpu.dma_semaphore, #tpu.memory_space<semaphore_mem>>)
      %mul3A_399 = arith.constant 16 : i32
      %mul3A_400 = arith.muli %while3A_213, %mul3A_399 : i32
      %add3A_401 = arith.constant 7 : i32
      %add3A_402 = arith.addi %mul3A_400, %add3A_401 : i32
      %add3A_403 = arith.constant 7 : i32
      %add3A_404 = arith.addi %add3A_216, %add3A_403 : i32
      %sub3A_405 = arith.constant 1 : i32
      %sub3A_406 = arith.subi %add3A_57, %sub3A_405 : i32
      %min3A_407 = arith.minsi %add3A_404, %sub3A_406 : i32
      %get3A_408 = arith.index_cast %min3A_407 : i32 to index
      %get3A_409 = tpu.vector_load %arg8[%get3A_408] {strides = array<i32>} : memref<16400xi32, #tpu.memory_space<vmem>>, vector<16xi32>,
      %slice3A_410 = vector.extract_strided_slice %get3A_409 {offsets = [0], sizes = [1], strides = [1]} : vector<16xi32> to vector<1xi32>
      %squeeze3A_411 = vector.extract %slice3A_410[0] : i32 from vector<1xi32>
      %sub3A_412 = arith.subi %squeeze3A_411, %multiple_of3A : i32
      %get3A_413 = arith.index_cast %sub3A_412 : i32 to index
      %get3A_414 = tpu.vector_load %arg7[%get3A_413] {strides = array<i32>} : memref<31760xi32, #tpu.memory_space<vmem>>, vector<16xi32>,
      %slice3A_415 = vector.extract_strided_slice %get3A_414 {offsets = [0], sizes = [1], strides = [1]} : vector<16xi32> to vector<1xi32>
      %squeeze3A_416 = vector.extract %slice3A_415[0] : i32 from vector<1xi32>
      %mul3A_417 = arith.constant 64 : i32
      %mul3A_418 = arith.muli %squeeze3A_416, %mul3A_417 : i32
      %mul3A_419 = arith.constant 64 : i32
      %mul3A_420 = arith.muli %add3A_402, %mul3A_419 : i32
      %dma_start3A_421 = tpu.memref_slice %arg11[%mul3A_420] : memref<37888xf32, #tpu.memory_space<vmem>> -> memref<64xf32, #tpu.memory_space<vmem>>
      %dma_start3A_422 = tpu.memref_slice %arg4[%mul3A_418] : memref<1048576xf32, #tpu.memory_space<hbm>> -> memref<64xf32, #tpu.memory_space<hbm>>
      %dma_start3A_423 = tpu.memref_slice %arg11[%mul3A_420] : memref<37888xf32, #tpu.memory_space<vmem>> -> memref<64xf32, #tpu.memory_space<vmem>>
      %dma_start3A_424 = tpu.memref_slice %arg4[%mul3A_418] : memref<1048576xf32, #tpu.memory_space<hbm>> -> memref<64xf32, #tpu.memory_space<hbm>>
      tpu.enqueue_dma source(%dma_start3A_424 : memref<64xf32, #tpu.memory_space<hbm>>) target(%dma_start3A_423 : memref<64xf32, #tpu.memory_space<vmem>>) target_semaphore(%arg17 : memref<!tpu.dma_semaphore, #tpu.memory_space<semaphore_mem>>)
      %mul3A_425 = arith.constant 16 : i32
      %mul3A_426 = arith.muli %while3A_213, %mul3A_425 : i32
      %add3A_427 = arith.constant 8 : i32
      %add3A_428 = arith.addi %mul3A_426, %add3A_427 : i32
      %add3A_429 = arith.constant 8 : i32
      %add3A_430 = arith.addi %add3A_216, %add3A_429 : i32
      %sub3A_431 = arith.constant 1 : i32
      %sub3A_432 = arith.subi %add3A_57, %sub3A_431 : i32
      %min3A_433 = arith.minsi %add3A_430, %sub3A_432 : i32
      %get3A_434 = arith.index_cast %min3A_433 : i32 to index
      %get3A_435 = tpu.vector_load %arg8[%get3A_434] {strides = array<i32>} : memref<16400xi32, #tpu.memory_space<vmem>>, vector<16xi32>,
      %slice3A_436 = vector.extract_strided_slice %get3A_435 {offsets = [0], sizes = [1], strides = [1]} : vector<16xi32> to vector<1xi32>
      %squeeze3A_437 = vector.extract %slice3A_436[0] : i32 from vector<1xi32>
      %sub3A_438 = arith.subi %squeeze3A_437, %multiple_of3A : i32
      %get3A_439 = arith.index_cast %sub3A_438 : i32 to index
      %get3A_440 = tpu.vector_load %arg7[%get3A_439] {strides = array<i32>} : memref<31760xi32, #tpu.memory_space<vmem>>, vector<16xi32>,
      %slice3A_441 = vector.extract_strided_slice %get3A_440 {offsets = [0], sizes = [1], strides = [1]} : vector<16xi32> to vector<1xi32>
      %squeeze3A_442 = vector.extract %slice3A_441[0] : i32 from vector<1xi32>
      %mul3A_443 = arith.constant 64 : i32
      %mul3A_444 = arith.muli %squeeze3A_442, %mul3A_443 : i32
      %mul3A_445 = arith.constant 64 : i32
      %mul3A_446 = arith.muli %add3A_428, %mul3A_445 : i32
      %dma_start3A_447 = tpu.memref_slice %arg11[%mul3A_446] : memref<37888xf32, #tpu.memory_space<vmem>> -> memref<64xf32, #tpu.memory_space<vmem>>
      %dma_start3A_448 = tpu.memref_slice %arg4[%mul3A_444] : memref<1048576xf32, #tpu.memory_space<hbm>> -> memref<64xf32, #tpu.memory_space<hbm>>
      %dma_start3A_449 = tpu.memref_slice %arg11[%mul3A_446] : memref<37888xf32, #tpu.memory_space<vmem>> -> memref<64xf32, #tpu.memory_space<vmem>>
      %dma_start3A_450 = tpu.memref_slice %arg4[%mul3A_444] : memref<1048576xf32, #tpu.memory_space<hbm>> -> memref<64xf32, #tpu.memory_space<hbm>>
      tpu.enqueue_dma source(%dma_start3A_450 : memref<64xf32, #tpu.memory_space<hbm>>) target(%dma_start3A_449 : memref<64xf32, #tpu.memory_space<vmem>>) target_semaphore(%arg17 : memref<!tpu.dma_semaphore, #tpu.memory_space<semaphore_mem>>)
      %mul3A_451 = arith.constant 16 : i32
      %mul3A_452 = arith.muli %while3A_213, %mul3A_451 : i32
      %add3A_453 = arith.constant 9 : i32
      %add3A_454 = arith.addi %mul3A_452, %add3A_453 : i32
      %add3A_455 = arith.constant 9 : i32
      %add3A_456 = arith.addi %add3A_216, %add3A_455 : i32
      %sub3A_457 = arith.constant 1 : i32
      %sub3A_458 = arith.subi %add3A_57, %sub3A_457 : i32
      %min3A_459 = arith.minsi %add3A_456, %sub3A_458 : i32
      %get3A_460 = arith.index_cast %min3A_459 : i32 to index
      %get3A_461 = tpu.vector_load %arg8[%get3A_460] {strides = array<i32>} : memref<16400xi32, #tpu.memory_space<vmem>>, vector<16xi32>,
      %slice3A_462 = vector.extract_strided_slice %get3A_461 {offsets = [0], sizes = [1], strides = [1]} : vector<16xi32> to vector<1xi32>
      %squeeze3A_463 = vector.extract %slice3A_462[0] : i32 from vector<1xi32>
      %sub3A_464 = arith.subi %squeeze3A_463, %multiple_of3A : i32
      %get3A_465 = arith.index_cast %sub3A_464 : i32 to index
      %get3A_466 = tpu.vector_load %arg7[%get3A_465] {strides = array<i32>} : memref<31760xi32, #tpu.memory_space<vmem>>, vector<16xi32>,
      %slice3A_467 = vector.extract_strided_slice %get3A_466 {offsets = [0], sizes = [1], strides = [1]} : vector<16xi32> to vector<1xi32>
      %squeeze3A_468 = vector.extract %slice3A_467[0] : i32 from vector<1xi32>
      %mul3A_469 = arith.constant 64 : i32
      %mul3A_470 = arith.muli %squeeze3A_468, %mul3A_469 : i32
      %mul3A_471 = arith.constant 64 : i32
      %mul3A_472 = arith.muli %add3A_454, %mul3A_471 : i32
      %dma_start3A_473 = tpu.memref_slice %arg11[%mul3A_472] : memref<37888xf32, #tpu.memory_space<vmem>> -> memref<64xf32, #tpu.memory_space<vmem>>
      %dma_start3A_474 = tpu.memref_slice %arg4[%mul3A_470] : memref<1048576xf32, #tpu.memory_space<hbm>> -> memref<64xf32, #tpu.memory_space<hbm>>
      %dma_start3A_475 = tpu.memref_slice %arg11[%mul3A_472] : memref<37888xf32, #tpu.memory_space<vmem>> -> memref<64xf32, #tpu.memory_space<vmem>>
      %dma_start3A_476 = tpu.memref_slice %arg4[%mul3A_470] : memref<1048576xf32, #tpu.memory_space<hbm>> -> memref<64xf32, #tpu.memory_space<hbm>>
      tpu.enqueue_dma source(%dma_start3A_476 : memref<64xf32, #tpu.memory_space<hbm>>) target(%dma_start3A_475 : memref<64xf32, #tpu.memory_space<vmem>>) target_semaphore(%arg17 : memref<!tpu.dma_semaphore, #tpu.memory_space<semaphore_mem>>)
      %mul3A_477 = arith.constant 16 : i32
      %mul3A_478 = arith.muli %while3A_213, %mul3A_477 : i32
      %add3A_479 = arith.constant 10 : i32
      %add3A_480 = arith.addi %mul3A_478, %add3A_479 : i32
      %add3A_481 = arith.constant 10 : i32
      %add3A_482 = arith.addi %add3A_216, %add3A_481 : i32
      %sub3A_483 = arith.constant 1 : i32
      %sub3A_484 = arith.subi %add3A_57, %sub3A_483 : i32
      %min3A_485 = arith.minsi %add3A_482, %sub3A_484 : i32
      %get3A_486 = arith.index_cast %min3A_485 : i32 to index
      %get3A_487 = tpu.vector_load %arg8[%get3A_486] {strides = array<i32>} : memref<16400xi32, #tpu.memory_space<vmem>>, vector<16xi32>,
      %slice3A_488 = vector.extract_strided_slice %get3A_487 {offsets = [0], sizes = [1], strides = [1]} : vector<16xi32> to vector<1xi32>
      %squeeze3A_489 = vector.extract %slice3A_488[0] : i32 from vector<1xi32>
      %sub3A_490 = arith.subi %squeeze3A_489, %multiple_of3A : i32
      %get3A_491 = arith.index_cast %sub3A_490 : i32 to index
      %get3A_492 = tpu.vector_load %arg7[%get3A_491] {strides = array<i32>} : memref<31760xi32, #tpu.memory_space<vmem>>, vector<16xi32>,
      %slice3A_493 = vector.extract_strided_slice %get3A_492 {offsets = [0], sizes = [1], strides = [1]} : vector<16xi32> to vector<1xi32>
      %squeeze3A_494 = vector.extract %slice3A_493[0] : i32 from vector<1xi32>
      %mul3A_495 = arith.constant 64 : i32
      %mul3A_496 = arith.muli %squeeze3A_494, %mul3A_495 : i32
      %mul3A_497 = arith.constant 64 : i32
      %mul3A_498 = arith.muli %add3A_480, %mul3A_497 : i32
      %dma_start3A_499 = tpu.memref_slice %arg11[%mul3A_498] : memref<37888xf32, #tpu.memory_space<vmem>> -> memref<64xf32, #tpu.memory_space<vmem>>
      %dma_start3A_500 = tpu.memref_slice %arg4[%mul3A_496] : memref<1048576xf32, #tpu.memory_space<hbm>> -> memref<64xf32, #tpu.memory_space<hbm>>
      %dma_start3A_501 = tpu.memref_slice %arg11[%mul3A_498] : memref<37888xf32, #tpu.memory_space<vmem>> -> memref<64xf32, #tpu.memory_space<vmem>>
      %dma_start3A_502 = tpu.memref_slice %arg4[%mul3A_496] : memref<1048576xf32, #tpu.memory_space<hbm>> -> memref<64xf32, #tpu.memory_space<hbm>>
      tpu.enqueue_dma source(%dma_start3A_502 : memref<64xf32, #tpu.memory_space<hbm>>) target(%dma_start3A_501 : memref<64xf32, #tpu.memory_space<vmem>>) target_semaphore(%arg17 : memref<!tpu.dma_semaphore, #tpu.memory_space<semaphore_mem>>)
      %mul3A_503 = arith.constant 16 : i32
      %mul3A_504 = arith.muli %while3A_213, %mul3A_503 : i32
      %add3A_505 = arith.constant 11 : i32
      %add3A_506 = arith.addi %mul3A_504, %add3A_505 : i32
      %add3A_507 = arith.constant 11 : i32
      %add3A_508 = arith.addi %add3A_216, %add3A_507 : i32
      %sub3A_509 = arith.constant 1 : i32
      %sub3A_510 = arith.subi %add3A_57, %sub3A_509 : i32
      %min3A_511 = arith.minsi %add3A_508, %sub3A_510 : i32
      %get3A_512 = arith.index_cast %min3A_511 : i32 to index
      %get3A_513 = tpu.vector_load %arg8[%get3A_512] {strides = array<i32>} : memref<16400xi32, #tpu.memory_space<vmem>>, vector<16xi32>,
      %slice3A_514 = vector.extract_strided_slice %get3A_513 {offsets = [0], sizes = [1], strides = [1]} : vector<16xi32> to vector<1xi32>
      %squeeze3A_515 = vector.extract %slice3A_514[0] : i32 from vector<1xi32>
      %sub3A_516 = arith.subi %squeeze3A_515, %multiple_of3A : i32
      %get3A_517 = arith.index_cast %sub3A_516 : i32 to index
      %get3A_518 = tpu.vector_load %arg7[%get3A_517] {strides = array<i32>} : memref<31760xi32, #tpu.memory_space<vmem>>, vector<16xi32>,
      %slice3A_519 = vector.extract_strided_slice %get3A_518 {offsets = [0], sizes = [1], strides = [1]} : vector<16xi32> to vector<1xi32>
      %squeeze3A_520 = vector.extract %slice3A_519[0] : i32 from vector<1xi32>
      %mul3A_521 = arith.constant 64 : i32
      %mul3A_522 = arith.muli %squeeze3A_520, %mul3A_521 : i32
      %mul3A_523 = arith.constant 64 : i32
      %mul3A_524 = arith.muli %add3A_506, %mul3A_523 : i32
      %dma_start3A_525 = tpu.memref_slice %arg11[%mul3A_524] : memref<37888xf32, #tpu.memory_space<vmem>> -> memref<64xf32, #tpu.memory_space<vmem>>
      %dma_start3A_526 = tpu.memref_slice %arg4[%mul3A_522] : memref<1048576xf32, #tpu.memory_space<hbm>> -> memref<64xf32, #tpu.memory_space<hbm>>
      %dma_start3A_527 = tpu.memref_slice %arg11[%mul3A_524] : memref<37888xf32, #tpu.memory_space<vmem>> -> memref<64xf32, #tpu.memory_space<vmem>>
      %dma_start3A_528 = tpu.memref_slice %arg4[%mul3A_522] : memref<1048576xf32, #tpu.memory_space<hbm>> -> memref<64xf32, #tpu.memory_space<hbm>>
      tpu.enqueue_dma source(%dma_start3A_528 : memref<64xf32, #tpu.memory_space<hbm>>) target(%dma_start3A_527 : memref<64xf32, #tpu.memory_space<vmem>>) target_semaphore(%arg17 : memref<!tpu.dma_semaphore, #tpu.memory_space<semaphore_mem>>)
      %mul3A_529 = arith.constant 16 : i32
      %mul3A_530 = arith.muli %while3A_213, %mul3A_529 : i32
      %add3A_531 = arith.constant 12 : i32
      %add3A_532 = arith.addi %mul3A_530, %add3A_531 : i32
      %add3A_533 = arith.constant 12 : i32
      %add3A_534 = arith.addi %add3A_216, %add3A_533 : i32
      %sub3A_535 = arith.constant 1 : i32
      %sub3A_536 = arith.subi %add3A_57, %sub3A_535 : i32
      %min3A_537 = arith.minsi %add3A_534, %sub3A_536 : i32
      %get3A_538 = arith.index_cast %min3A_537 : i32 to index
      %get3A_539 = tpu.vector_load %arg8[%get3A_538] {strides = array<i32>} : memref<16400xi32, #tpu.memory_space<vmem>>, vector<16xi32>,
      %slice3A_540 = vector.extract_strided_slice %get3A_539 {offsets = [0], sizes = [1], strides = [1]} : vector<16xi32> to vector<1xi32>
      %squeeze3A_541 = vector.extract %slice3A_540[0] : i32 from vector<1xi32>
      %sub3A_542 = arith.subi %squeeze3A_541, %multiple_of3A : i32
      %get3A_543 = arith.index_cast %sub3A_542 : i32 to index
      %get3A_544 = tpu.vector_load %arg7[%get3A_543] {strides = array<i32>} : memref<31760xi32, #tpu.memory_space<vmem>>, vector<16xi32>,
      %slice3A_545 = vector.extract_strided_slice %get3A_544 {offsets = [0], sizes = [1], strides = [1]} : vector<16xi32> to vector<1xi32>
      %squeeze3A_546 = vector.extract %slice3A_545[0] : i32 from vector<1xi32>
      %mul3A_547 = arith.constant 64 : i32
      %mul3A_548 = arith.muli %squeeze3A_546, %mul3A_547 : i32
      %mul3A_549 = arith.constant 64 : i32
      %mul3A_550 = arith.muli %add3A_532, %mul3A_549 : i32
      %dma_start3A_551 = tpu.memref_slice %arg11[%mul3A_550] : memref<37888xf32, #tpu.memory_space<vmem>> -> memref<64xf32, #tpu.memory_space<vmem>>
      %dma_start3A_552 = tpu.memref_slice %arg4[%mul3A_548] : memref<1048576xf32, #tpu.memory_space<hbm>> -> memref<64xf32, #tpu.memory_space<hbm>>
      %dma_start3A_553 = tpu.memref_slice %arg11[%mul3A_550] : memref<37888xf32, #tpu.memory_space<vmem>> -> memref<64xf32, #tpu.memory_space<vmem>>
      %dma_start3A_554 = tpu.memref_slice %arg4[%mul3A_548] : memref<1048576xf32, #tpu.memory_space<hbm>> -> memref<64xf32, #tpu.memory_space<hbm>>
      tpu.enqueue_dma source(%dma_start3A_554 : memref<64xf32, #tpu.memory_space<hbm>>) target(%dma_start3A_553 : memref<64xf32, #tpu.memory_space<vmem>>) target_semaphore(%arg17 : memref<!tpu.dma_semaphore, #tpu.memory_space<semaphore_mem>>)
      %mul3A_555 = arith.constant 16 : i32
      %mul3A_556 = arith.muli %while3A_213, %mul3A_555 : i32
      %add3A_557 = arith.constant 13 : i32
      %add3A_558 = arith.addi %mul3A_556, %add3A_557 : i32
      %add3A_559 = arith.constant 13 : i32
      %add3A_560 = arith.addi %add3A_216, %add3A_559 : i32
      %sub3A_561 = arith.constant 1 : i32
      %sub3A_562 = arith.subi %add3A_57, %sub3A_561 : i32
      %min3A_563 = arith.minsi %add3A_560, %sub3A_562 : i32
      %get3A_564 = arith.index_cast %min3A_563 : i32 to index
      %get3A_565 = tpu.vector_load %arg8[%get3A_564] {strides = array<i32>} : memref<16400xi32, #tpu.memory_space<vmem>>, vector<16xi32>,
      %slice3A_566 = vector.extract_strided_slice %get3A_565 {offsets = [0], sizes = [1], strides = [1]} : vector<16xi32> to vector<1xi32>
      %squeeze3A_567 = vector.extract %slice3A_566[0] : i32 from vector<1xi32>
      %sub3A_568 = arith.subi %squeeze3A_567, %multiple_of3A : i32
      %get3A_569 = arith.index_cast %sub3A_568 : i32 to index
      %get3A_570 = tpu.vector_load %arg7[%get3A_569] {strides = array<i32>} : memref<31760xi32, #tpu.memory_space<vmem>>, vector<16xi32>,
      %slice3A_571 = vector.extract_strided_slice %get3A_570 {offsets = [0], sizes = [1], strides = [1]} : vector<16xi32> to vector<1xi32>
      %squeeze3A_572 = vector.extract %slice3A_571[0] : i32 from vector<1xi32>
      %mul3A_573 = arith.constant 64 : i32
      %mul3A_574 = arith.muli %squeeze3A_572, %mul3A_573 : i32
      %mul3A_575 = arith.constant 64 : i32
      %mul3A_576 = arith.muli %add3A_558, %mul3A_575 : i32
      %dma_start3A_577 = tpu.memref_slice %arg11[%mul3A_576] : memref<37888xf32, #tpu.memory_space<vmem>> -> memref<64xf32, #tpu.memory_space<vmem>>
      %dma_start3A_578 = tpu.memref_slice %arg4[%mul3A_574] : memref<1048576xf32, #tpu.memory_space<hbm>> -> memref<64xf32, #tpu.memory_space<hbm>>
      %dma_start3A_579 = tpu.memref_slice %arg11[%mul3A_576] : memref<37888xf32, #tpu.memory_space<vmem>> -> memref<64xf32, #tpu.memory_space<vmem>>
      %dma_start3A_580 = tpu.memref_slice %arg4[%mul3A_574] : memref<1048576xf32, #tpu.memory_space<hbm>> -> memref<64xf32, #tpu.memory_space<hbm>>
      tpu.enqueue_dma source(%dma_start3A_580 : memref<64xf32, #tpu.memory_space<hbm>>) target(%dma_start3A_579 : memref<64xf32, #tpu.memory_space<vmem>>) target_semaphore(%arg17 : memref<!tpu.dma_semaphore, #tpu.memory_space<semaphore_mem>>)
      %mul3A_581 = arith.constant 16 : i32
      %mul3A_582 = arith.muli %while3A_213, %mul3A_581 : i32
      %add3A_583 = arith.constant 14 : i32
      %add3A_584 = arith.addi %mul3A_582, %add3A_583 : i32
      %add3A_585 = arith.constant 14 : i32
      %add3A_586 = arith.addi %add3A_216, %add3A_585 : i32
      %sub3A_587 = arith.constant 1 : i32
      %sub3A_588 = arith.subi %add3A_57, %sub3A_587 : i32
      %min3A_589 = arith.minsi %add3A_586, %sub3A_588 : i32
      %get3A_590 = arith.index_cast %min3A_589 : i32 to index
      %get3A_591 = tpu.vector_load %arg8[%get3A_590] {strides = array<i32>} : memref<16400xi32, #tpu.memory_space<vmem>>, vector<16xi32>,
      %slice3A_592 = vector.extract_strided_slice %get3A_591 {offsets = [0], sizes = [1], strides = [1]} : vector<16xi32> to vector<1xi32>
      %squeeze3A_593 = vector.extract %slice3A_592[0] : i32 from vector<1xi32>
      %sub3A_594 = arith.subi %squeeze3A_593, %multiple_of3A : i32
      %get3A_595 = arith.index_cast %sub3A_594 : i32 to index
      %get3A_596 = tpu.vector_load %arg7[%get3A_595] {strides = array<i32>} : memref<31760xi32, #tpu.memory_space<vmem>>, vector<16xi32>,
      %slice3A_597 = vector.extract_strided_slice %get3A_596 {offsets = [0], sizes = [1], strides = [1]} : vector<16xi32> to vector<1xi32>
      %squeeze3A_598 = vector.extract %slice3A_597[0] : i32 from vector<1xi32>
      %mul3A_599 = arith.constant 64 : i32
      %mul3A_600 = arith.muli %squeeze3A_598, %mul3A_599 : i32
      %mul3A_601 = arith.constant 64 : i32
      %mul3A_602 = arith.muli %add3A_584, %mul3A_601 : i32
      %dma_start3A_603 = tpu.memref_slice %arg11[%mul3A_602] : memref<37888xf32, #tpu.memory_space<vmem>> -> memref<64xf32, #tpu.memory_space<vmem>>
      %dma_start3A_604 = tpu.memref_slice %arg4[%mul3A_600] : memref<1048576xf32, #tpu.memory_space<hbm>> -> memref<64xf32, #tpu.memory_space<hbm>>
      %dma_start3A_605 = tpu.memref_slice %arg11[%mul3A_602] : memref<37888xf32, #tpu.memory_space<vmem>> -> memref<64xf32, #tpu.memory_space<vmem>>
      %dma_start3A_606 = tpu.memref_slice %arg4[%mul3A_600] : memref<1048576xf32, #tpu.memory_space<hbm>> -> memref<64xf32, #tpu.memory_space<hbm>>
      tpu.enqueue_dma source(%dma_start3A_606 : memref<64xf32, #tpu.memory_space<hbm>>) target(%dma_start3A_605 : memref<64xf32, #tpu.memory_space<vmem>>) target_semaphore(%arg17 : memref<!tpu.dma_semaphore, #tpu.memory_space<semaphore_mem>>)
      %mul3A_607 = arith.constant 16 : i32
      %mul3A_608 = arith.muli %while3A_213, %mul3A_607 : i32
      %add3A_609 = arith.constant 15 : i32
      %add3A_610 = arith.addi %mul3A_608, %add3A_609 : i32
      %add3A_611 = arith.constant 15 : i32
      %add3A_612 = arith.addi %add3A_216, %add3A_611 : i32
      %sub3A_613 = arith.constant 1 : i32
      %sub3A_614 = arith.subi %add3A_57, %sub3A_613 : i32
      %min3A_615 = arith.minsi %add3A_612, %sub3A_614 : i32
      %get3A_616 = arith.index_cast %min3A_615 : i32 to index
      %get3A_617 = tpu.vector_load %arg8[%get3A_616] {strides = array<i32>} : memref<16400xi32, #tpu.memory_space<vmem>>, vector<16xi32>,
      %slice3A_618 = vector.extract_strided_slice %get3A_617 {offsets = [0], sizes = [1], strides = [1]} : vector<16xi32> to vector<1xi32>
      %squeeze3A_619 = vector.extract %slice3A_618[0] : i32 from vector<1xi32>
      %sub3A_620 = arith.subi %squeeze3A_619, %multiple_of3A : i32
      %get3A_621 = arith.index_cast %sub3A_620 : i32 to index
      %get3A_622 = tpu.vector_load %arg7[%get3A_621] {strides = array<i32>} : memref<31760xi32, #tpu.memory_space<vmem>>, vector<16xi32>,
      %slice3A_623 = vector.extract_strided_slice %get3A_622 {offsets = [0], sizes = [1], strides = [1]} : vector<16xi32> to vector<1xi32>
      %squeeze3A_624 = vector.extract %slice3A_623[0] : i32 from vector<1xi32>
      %mul3A_625 = arith.constant 64 : i32
      %mul3A_626 = arith.muli %squeeze3A_624, %mul3A_625 : i32
      %mul3A_627 = arith.constant 64 : i32
      %mul3A_628 = arith.muli %add3A_610, %mul3A_627 : i32
      %dma_start3A_629 = tpu.memref_slice %arg11[%mul3A_628] : memref<37888xf32, #tpu.memory_space<vmem>> -> memref<64xf32, #tpu.memory_space<vmem>>
      %dma_start3A_630 = tpu.memref_slice %arg4[%mul3A_626] : memref<1048576xf32, #tpu.memory_space<hbm>> -> memref<64xf32, #tpu.memory_space<hbm>>
      %dma_start3A_631 = tpu.memref_slice %arg11[%mul3A_628] : memref<37888xf32, #tpu.memory_space<vmem>> -> memref<64xf32, #tpu.memory_space<vmem>>
      %dma_start3A_632 = tpu.memref_slice %arg4[%mul3A_626] : memref<1048576xf32, #tpu.memory_space<hbm>> -> memref<64xf32, #tpu.memory_space<hbm>>
      tpu.enqueue_dma source(%dma_start3A_632 : memref<64xf32, #tpu.memory_space<hbm>>) target(%dma_start3A_631 : memref<64xf32, #tpu.memory_space<vmem>>) target_semaphore(%arg17 : memref<!tpu.dma_semaphore, #tpu.memory_space<semaphore_mem>>)
      %mul3A_633 = arith.constant 16 : i32
      %mul3A_634 = arith.muli %while3A_213, %mul3A_633 : i32
      %add3A_635 = arith.constant 0 : i32
      %add3A_636 = arith.addi %mul3A_634, %add3A_635 : i32
      %mul3A_637 = arith.constant 64 : i32
      %mul3A_638 = arith.muli %add3A_636, %mul3A_637 : i32
      %dma_wait3A_639 = tpu.memref_slice %arg11[%mul3A_638] : memref<37888xf32, #tpu.memory_space<vmem>> -> memref<64xf32, #tpu.memory_space<vmem>>
      %dma_wait3A_640 = arith.constant 0 : i32
      %dma_wait3A_641 = tpu.memref_slice %arg4[%dma_wait3A_640] : memref<1048576xf32, #tpu.memory_space<hbm>> -> memref<64xf32, #tpu.memory_space<hbm>>
      %dma_wait3A_642 = tpu.memref_slice %arg11[%mul3A_638] : memref<37888xf32, #tpu.memory_space<vmem>> -> memref<64xf32, #tpu.memory_space<vmem>>
      %dma_wait3A_643 = arith.constant 0 : i32
      %dma_wait3A_644 = tpu.memref_slice %arg4[%dma_wait3A_643] : memref<1048576xf32, #tpu.memory_space<hbm>> -> memref<64xf32, #tpu.memory_space<hbm>>
      tpu.wait_dma2 semaphore(%arg17 : memref<!tpu.dma_semaphore, #tpu.memory_space<semaphore_mem>>) src(%dma_wait3A_644 : memref<64xf32, #tpu.memory_space<hbm>>) dst(%dma_wait3A_642 : memref<64xf32, #tpu.memory_space<vmem>>)
      %mul3A_645 = arith.constant 16 : i32
      %mul3A_646 = arith.muli %while3A_213, %mul3A_645 : i32
      %add3A_647 = arith.constant 1 : i32
      %add3A_648 = arith.addi %mul3A_646, %add3A_647 : i32
      %mul3A_649 = arith.constant 64 : i32
      %mul3A_650 = arith.muli %add3A_648, %mul3A_649 : i32
      %dma_wait3A_651 = tpu.memref_slice %arg11[%mul3A_650] : memref<37888xf32, #tpu.memory_space<vmem>> -> memref<64xf32, #tpu.memory_space<vmem>>
      %dma_wait3A_652 = arith.constant 0 : i32
      %dma_wait3A_653 = tpu.memref_slice %arg4[%dma_wait3A_652] : memref<1048576xf32, #tpu.memory_space<hbm>> -> memref<64xf32, #tpu.memory_space<hbm>>
      %dma_wait3A_654 = tpu.memref_slice %arg11[%mul3A_650] : memref<37888xf32, #tpu.memory_space<vmem>> -> memref<64xf32, #tpu.memory_space<vmem>>
      %dma_wait3A_655 = arith.constant 0 : i32
      %dma_wait3A_656 = tpu.memref_slice %arg4[%dma_wait3A_655] : memref<1048576xf32, #tpu.memory_space<hbm>> -> memref<64xf32, #tpu.memory_space<hbm>>
      tpu.wait_dma2 semaphore(%arg17 : memref<!tpu.dma_semaphore, #tpu.memory_space<semaphore_mem>>) src(%dma_wait3A_656 : memref<64xf32, #tpu.memory_space<hbm>>) dst(%dma_wait3A_654 : memref<64xf32, #tpu.memory_space<vmem>>)
      %mul3A_657 = arith.constant 16 : i32
      %mul3A_658 = arith.muli %while3A_213, %mul3A_657 : i32
      %add3A_659 = arith.constant 2 : i32
      %add3A_660 = arith.addi %mul3A_658, %add3A_659 : i32
      %mul3A_661 = arith.constant 64 : i32
      %mul3A_662 = arith.muli %add3A_660, %mul3A_661 : i32
      %dma_wait3A_663 = tpu.memref_slice %arg11[%mul3A_662] : memref<37888xf32, #tpu.memory_space<vmem>> -> memref<64xf32, #tpu.memory_space<vmem>>
      %dma_wait3A_664 = arith.constant 0 : i32
      %dma_wait3A_665 = tpu.memref_slice %arg4[%dma_wait3A_664] : memref<1048576xf32, #tpu.memory_space<hbm>> -> memref<64xf32, #tpu.memory_space<hbm>>
      %dma_wait3A_666 = tpu.memref_slice %arg11[%mul3A_662] : memref<37888xf32, #tpu.memory_space<vmem>> -> memref<64xf32, #tpu.memory_space<vmem>>
      %dma_wait3A_667 = arith.constant 0 : i32
      %dma_wait3A_668 = tpu.memref_slice %arg4[%dma_wait3A_667] : memref<1048576xf32, #tpu.memory_space<hbm>> -> memref<64xf32, #tpu.memory_space<hbm>>
      tpu.wait_dma2 semaphore(%arg17 : memref<!tpu.dma_semaphore, #tpu.memory_space<semaphore_mem>>) src(%dma_wait3A_668 : memref<64xf32, #tpu.memory_space<hbm>>) dst(%dma_wait3A_666 : memref<64xf32, #tpu.memory_space<vmem>>)
      %mul3A_669 = arith.constant 16 : i32
      %mul3A_670 = arith.muli %while3A_213, %mul3A_669 : i32
      %add3A_671 = arith.constant 3 : i32
      %add3A_672 = arith.addi %mul3A_670, %add3A_671 : i32
      %mul3A_673 = arith.constant 64 : i32
      %mul3A_674 = arith.muli %add3A_672, %mul3A_673 : i32
      %dma_wait3A_675 = tpu.memref_slice %arg11[%mul3A_674] : memref<37888xf32, #tpu.memory_space<vmem>> -> memref<64xf32, #tpu.memory_space<vmem>>
      %dma_wait3A_676 = arith.constant 0 : i32
      %dma_wait3A_677 = tpu.memref_slice %arg4[%dma_wait3A_676] : memref<1048576xf32, #tpu.memory_space<hbm>> -> memref<64xf32, #tpu.memory_space<hbm>>
      %dma_wait3A_678 = tpu.memref_slice %arg11[%mul3A_674] : memref<37888xf32, #tpu.memory_space<vmem>> -> memref<64xf32, #tpu.memory_space<vmem>>
      %dma_wait3A_679 = arith.constant 0 : i32
      %dma_wait3A_680 = tpu.memref_slice %arg4[%dma_wait3A_679] : memref<1048576xf32, #tpu.memory_space<hbm>> -> memref<64xf32, #tpu.memory_space<hbm>>
      tpu.wait_dma2 semaphore(%arg17 : memref<!tpu.dma_semaphore, #tpu.memory_space<semaphore_mem>>) src(%dma_wait3A_680 : memref<64xf32, #tpu.memory_space<hbm>>) dst(%dma_wait3A_678 : memref<64xf32, #tpu.memory_space<vmem>>)
      %mul3A_681 = arith.constant 16 : i32
      %mul3A_682 = arith.muli %while3A_213, %mul3A_681 : i32
      %add3A_683 = arith.constant 4 : i32
      %add3A_684 = arith.addi %mul3A_682, %add3A_683 : i32
      %mul3A_685 = arith.constant 64 : i32
      %mul3A_686 = arith.muli %add3A_684, %mul3A_685 : i32
      %dma_wait3A_687 = tpu.memref_slice %arg11[%mul3A_686] : memref<37888xf32, #tpu.memory_space<vmem>> -> memref<64xf32, #tpu.memory_space<vmem>>
      %dma_wait3A_688 = arith.constant 0 : i32
      %dma_wait3A_689 = tpu.memref_slice %arg4[%dma_wait3A_688] : memref<1048576xf32, #tpu.memory_space<hbm>> -> memref<64xf32, #tpu.memory_space<hbm>>
      %dma_wait3A_690 = tpu.memref_slice %arg11[%mul3A_686] : memref<37888xf32, #tpu.memory_space<vmem>> -> memref<64xf32, #tpu.memory_space<vmem>>
      %dma_wait3A_691 = arith.constant 0 : i32
      %dma_wait3A_692 = tpu.memref_slice %arg4[%dma_wait3A_691] : memref<1048576xf32, #tpu.memory_space<hbm>> -> memref<64xf32, #tpu.memory_space<hbm>>
      tpu.wait_dma2 semaphore(%arg17 : memref<!tpu.dma_semaphore, #tpu.memory_space<semaphore_mem>>) src(%dma_wait3A_692 : memref<64xf32, #tpu.memory_space<hbm>>) dst(%dma_wait3A_690 : memref<64xf32, #tpu.memory_space<vmem>>)
      %mul3A_693 = arith.constant 16 : i32
      %mul3A_694 = arith.muli %while3A_213, %mul3A_693 : i32
      %add3A_695 = arith.constant 5 : i32
      %add3A_696 = arith.addi %mul3A_694, %add3A_695 : i32
      %mul3A_697 = arith.constant 64 : i32
      %mul3A_698 = arith.muli %add3A_696, %mul3A_697 : i32
      %dma_wait3A_699 = tpu.memref_slice %arg11[%mul3A_698] : memref<37888xf32, #tpu.memory_space<vmem>> -> memref<64xf32, #tpu.memory_space<vmem>>
      %dma_wait3A_700 = arith.constant 0 : i32
      %dma_wait3A_701 = tpu.memref_slice %arg4[%dma_wait3A_700] : memref<1048576xf32, #tpu.memory_space<hbm>> -> memref<64xf32, #tpu.memory_space<hbm>>
      %dma_wait3A_702 = tpu.memref_slice %arg11[%mul3A_698] : memref<37888xf32, #tpu.memory_space<vmem>> -> memref<64xf32, #tpu.memory_space<vmem>>
      %dma_wait3A_703 = arith.constant 0 : i32
      %dma_wait3A_704 = tpu.memref_slice %arg4[%dma_wait3A_703] : memref<1048576xf32, #tpu.memory_space<hbm>> -> memref<64xf32, #tpu.memory_space<hbm>>
      tpu.wait_dma2 semaphore(%arg17 : memref<!tpu.dma_semaphore, #tpu.memory_space<semaphore_mem>>) src(%dma_wait3A_704 : memref<64xf32, #tpu.memory_space<hbm>>) dst(%dma_wait3A_702 : memref<64xf32, #tpu.memory_space<vmem>>)
      %mul3A_705 = arith.constant 16 : i32
      %mul3A_706 = arith.muli %while3A_213, %mul3A_705 : i32
      %add3A_707 = arith.constant 6 : i32
      %add3A_708 = arith.addi %mul3A_706, %add3A_707 : i32
      %mul3A_709 = arith.constant 64 : i32
      %mul3A_710 = arith.muli %add3A_708, %mul3A_709 : i32
      %dma_wait3A_711 = tpu.memref_slice %arg11[%mul3A_710] : memref<37888xf32, #tpu.memory_space<vmem>> -> memref<64xf32, #tpu.memory_space<vmem>>
      %dma_wait3A_712 = arith.constant 0 : i32
      %dma_wait3A_713 = tpu.memref_slice %arg4[%dma_wait3A_712] : memref<1048576xf32, #tpu.memory_space<hbm>> -> memref<64xf32, #tpu.memory_space<hbm>>
      %dma_wait3A_714 = tpu.memref_slice %arg11[%mul3A_710] : memref<37888xf32, #tpu.memory_space<vmem>> -> memref<64xf32, #tpu.memory_space<vmem>>
      %dma_wait3A_715 = arith.constant 0 : i32
      %dma_wait3A_716 = tpu.memref_slice %arg4[%dma_wait3A_715] : memref<1048576xf32, #tpu.memory_space<hbm>> -> memref<64xf32, #tpu.memory_space<hbm>>
      tpu.wait_dma2 semaphore(%arg17 : memref<!tpu.dma_semaphore, #tpu.memory_space<semaphore_mem>>) src(%dma_wait3A_716 : memref<64xf32, #tpu.memory_space<hbm>>) dst(%dma_wait3A_714 : memref<64xf32, #tpu.memory_space<vmem>>)
      %mul3A_717 = arith.constant 16 : i32
      %mul3A_718 = arith.muli %while3A_213, %mul3A_717 : i32
      %add3A_719 = arith.constant 7 : i32
      %add3A_720 = arith.addi %mul3A_718, %add3A_719 : i32
      %mul3A_721 = arith.constant 64 : i32
      %mul3A_722 = arith.muli %add3A_720, %mul3A_721 : i32
      %dma_wait3A_723 = tpu.memref_slice %arg11[%mul3A_722] : memref<37888xf32, #tpu.memory_space<vmem>> -> memref<64xf32, #tpu.memory_space<vmem>>
      %dma_wait3A_724 = arith.constant 0 : i32
      %dma_wait3A_725 = tpu.memref_slice %arg4[%dma_wait3A_724] : memref<1048576xf32, #tpu.memory_space<hbm>> -> memref<64xf32, #tpu.memory_space<hbm>>
      %dma_wait3A_726 = tpu.memref_slice %arg11[%mul3A_722] : memref<37888xf32, #tpu.memory_space<vmem>> -> memref<64xf32, #tpu.memory_space<vmem>>
      %dma_wait3A_727 = arith.constant 0 : i32
      %dma_wait3A_728 = tpu.memref_slice %arg4[%dma_wait3A_727] : memref<1048576xf32, #tpu.memory_space<hbm>> -> memref<64xf32, #tpu.memory_space<hbm>>
      tpu.wait_dma2 semaphore(%arg17 : memref<!tpu.dma_semaphore, #tpu.memory_space<semaphore_mem>>) src(%dma_wait3A_728 : memref<64xf32, #tpu.memory_space<hbm>>) dst(%dma_wait3A_726 : memref<64xf32, #tpu.memory_space<vmem>>)
      %mul3A_729 = arith.constant 16 : i32
      %mul3A_730 = arith.muli %while3A_213, %mul3A_729 : i32
      %add3A_731 = arith.constant 8 : i32
      %add3A_732 = arith.addi %mul3A_730, %add3A_731 : i32
      %mul3A_733 = arith.constant 64 : i32
      %mul3A_734 = arith.muli %add3A_732, %mul3A_733 : i32
      %dma_wait3A_735 = tpu.memref_slice %arg11[%mul3A_734] : memref<37888xf32, #tpu.memory_space<vmem>> -> memref<64xf32, #tpu.memory_space<vmem>>
      %dma_wait3A_736 = arith.constant 0 : i32
      %dma_wait3A_737 = tpu.memref_slice %arg4[%dma_wait3A_736] : memref<1048576xf32, #tpu.memory_space<hbm>> -> memref<64xf32, #tpu.memory_space<hbm>>
      %dma_wait3A_738 = tpu.memref_slice %arg11[%mul3A_734] : memref<37888xf32, #tpu.memory_space<vmem>> -> memref<64xf32, #tpu.memory_space<vmem>>
      %dma_wait3A_739 = arith.constant 0 : i32
      %dma_wait3A_740 = tpu.memref_slice %arg4[%dma_wait3A_739] : memref<1048576xf32, #tpu.memory_space<hbm>> -> memref<64xf32, #tpu.memory_space<hbm>>
      tpu.wait_dma2 semaphore(%arg17 : memref<!tpu.dma_semaphore, #tpu.memory_space<semaphore_mem>>) src(%dma_wait3A_740 : memref<64xf32, #tpu.memory_space<hbm>>) dst(%dma_wait3A_738 : memref<64xf32, #tpu.memory_space<vmem>>)
      %mul3A_741 = arith.constant 16 : i32
      %mul3A_742 = arith.muli %while3A_213, %mul3A_741 : i32
      %add3A_743 = arith.constant 9 : i32
      %add3A_744 = arith.addi %mul3A_742, %add3A_743 : i32
      %mul3A_745 = arith.constant 64 : i32
      %mul3A_746 = arith.muli %add3A_744, %mul3A_745 : i32
      %dma_wait3A_747 = tpu.memref_slice %arg11[%mul3A_746] : memref<37888xf32, #tpu.memory_space<vmem>> -> memref<64xf32, #tpu.memory_space<vmem>>
      %dma_wait3A_748 = arith.constant 0 : i32
      %dma_wait3A_749 = tpu.memref_slice %arg4[%dma_wait3A_748] : memref<1048576xf32, #tpu.memory_space<hbm>> -> memref<64xf32, #tpu.memory_space<hbm>>
      %dma_wait3A_750 = tpu.memref_slice %arg11[%mul3A_746] : memref<37888xf32, #tpu.memory_space<vmem>> -> memref<64xf32, #tpu.memory_space<vmem>>
      %dma_wait3A_751 = arith.constant 0 : i32
      %dma_wait3A_752 = tpu.memref_slice %arg4[%dma_wait3A_751] : memref<1048576xf32, #tpu.memory_space<hbm>> -> memref<64xf32, #tpu.memory_space<hbm>>
      tpu.wait_dma2 semaphore(%arg17 : memref<!tpu.dma_semaphore, #tpu.memory_space<semaphore_mem>>) src(%dma_wait3A_752 : memref<64xf32, #tpu.memory_space<hbm>>) dst(%dma_wait3A_750 : memref<64xf32, #tpu.memory_space<vmem>>)
      %mul3A_753 = arith.constant 16 : i32
      %mul3A_754 = arith.muli %while3A_213, %mul3A_753 : i32
      %add3A_755 = arith.constant 10 : i32
      %add3A_756 = arith.addi %mul3A_754, %add3A_755 : i32
      %mul3A_757 = arith.constant 64 : i32
      %mul3A_758 = arith.muli %add3A_756, %mul3A_757 : i32
      %dma_wait3A_759 = tpu.memref_slice %arg11[%mul3A_758] : memref<37888xf32, #tpu.memory_space<vmem>> -> memref<64xf32, #tpu.memory_space<vmem>>
      %dma_wait3A_760 = arith.constant 0 : i32
      %dma_wait3A_761 = tpu.memref_slice %arg4[%dma_wait3A_760] : memref<1048576xf32, #tpu.memory_space<hbm>> -> memref<64xf32, #tpu.memory_space<hbm>>
      %dma_wait3A_762 = tpu.memref_slice %arg11[%mul3A_758] : memref<37888xf32, #tpu.memory_space<vmem>> -> memref<64xf32, #tpu.memory_space<vmem>>
      %dma_wait3A_763 = arith.constant 0 : i32
      %dma_wait3A_764 = tpu.memref_slice %arg4[%dma_wait3A_763] : memref<1048576xf32, #tpu.memory_space<hbm>> -> memref<64xf32, #tpu.memory_space<hbm>>
      tpu.wait_dma2 semaphore(%arg17 : memref<!tpu.dma_semaphore, #tpu.memory_space<semaphore_mem>>) src(%dma_wait3A_764 : memref<64xf32, #tpu.memory_space<hbm>>) dst(%dma_wait3A_762 : memref<64xf32, #tpu.memory_space<vmem>>)
      %mul3A_765 = arith.constant 16 : i32
      %mul3A_766 = arith.muli %while3A_213, %mul3A_765 : i32
      %add3A_767 = arith.constant 11 : i32
      %add3A_768 = arith.addi %mul3A_766, %add3A_767 : i32
      %mul3A_769 = arith.constant 64 : i32
      %mul3A_770 = arith.muli %add3A_768, %mul3A_769 : i32
      %dma_wait3A_771 = tpu.memref_slice %arg11[%mul3A_770] : memref<37888xf32, #tpu.memory_space<vmem>> -> memref<64xf32, #tpu.memory_space<vmem>>
      %dma_wait3A_772 = arith.constant 0 : i32
      %dma_wait3A_773 = tpu.memref_slice %arg4[%dma_wait3A_772] : memref<1048576xf32, #tpu.memory_space<hbm>> -> memref<64xf32, #tpu.memory_space<hbm>>
      %dma_wait3A_774 = tpu.memref_slice %arg11[%mul3A_770] : memref<37888xf32, #tpu.memory_space<vmem>> -> memref<64xf32, #tpu.memory_space<vmem>>
      %dma_wait3A_775 = arith.constant 0 : i32
      %dma_wait3A_776 = tpu.memref_slice %arg4[%dma_wait3A_775] : memref<1048576xf32, #tpu.memory_space<hbm>> -> memref<64xf32, #tpu.memory_space<hbm>>
      tpu.wait_dma2 semaphore(%arg17 : memref<!tpu.dma_semaphore, #tpu.memory_space<semaphore_mem>>) src(%dma_wait3A_776 : memref<64xf32, #tpu.memory_space<hbm>>) dst(%dma_wait3A_774 : memref<64xf32, #tpu.memory_space<vmem>>)
      %mul3A_777 = arith.constant 16 : i32
      %mul3A_778 = arith.muli %while3A_213, %mul3A_777 : i32
      %add3A_779 = arith.constant 12 : i32
      %add3A_780 = arith.addi %mul3A_778, %add3A_779 : i32
      %mul3A_781 = arith.constant 64 : i32
      %mul3A_782 = arith.muli %add3A_780, %mul3A_781 : i32
      %dma_wait3A_783 = tpu.memref_slice %arg11[%mul3A_782] : memref<37888xf32, #tpu.memory_space<vmem>> -> memref<64xf32, #tpu.memory_space<vmem>>
      %dma_wait3A_784 = arith.constant 0 : i32
      %dma_wait3A_785 = tpu.memref_slice %arg4[%dma_wait3A_784] : memref<1048576xf32, #tpu.memory_space<hbm>> -> memref<64xf32, #tpu.memory_space<hbm>>
      %dma_wait3A_786 = tpu.memref_slice %arg11[%mul3A_782] : memref<37888xf32, #tpu.memory_space<vmem>> -> memref<64xf32, #tpu.memory_space<vmem>>
      %dma_wait3A_787 = arith.constant 0 : i32
      %dma_wait3A_788 = tpu.memref_slice %arg4[%dma_wait3A_787] : memref<1048576xf32, #tpu.memory_space<hbm>> -> memref<64xf32, #tpu.memory_space<hbm>>
      tpu.wait_dma2 semaphore(%arg17 : memref<!tpu.dma_semaphore, #tpu.memory_space<semaphore_mem>>) src(%dma_wait3A_788 : memref<64xf32, #tpu.memory_space<hbm>>) dst(%dma_wait3A_786 : memref<64xf32, #tpu.memory_space<vmem>>)
      %mul3A_789 = arith.constant 16 : i32
      %mul3A_790 = arith.muli %while3A_213, %mul3A_789 : i32
      %add3A_791 = arith.constant 13 : i32
      %add3A_792 = arith.addi %mul3A_790, %add3A_791 : i32
      %mul3A_793 = arith.constant 64 : i32
      %mul3A_794 = arith.muli %add3A_792, %mul3A_793 : i32
      %dma_wait3A_795 = tpu.memref_slice %arg11[%mul3A_794] : memref<37888xf32, #tpu.memory_space<vmem>> -> memref<64xf32, #tpu.memory_space<vmem>>
      %dma_wait3A_796 = arith.constant 0 : i32
      %dma_wait3A_797 = tpu.memref_slice %arg4[%dma_wait3A_796] : memref<1048576xf32, #tpu.memory_space<hbm>> -> memref<64xf32, #tpu.memory_space<hbm>>
      %dma_wait3A_798 = tpu.memref_slice %arg11[%mul3A_794] : memref<37888xf32, #tpu.memory_space<vmem>> -> memref<64xf32, #tpu.memory_space<vmem>>
      %dma_wait3A_799 = arith.constant 0 : i32
      %dma_wait3A_800 = tpu.memref_slice %arg4[%dma_wait3A_799] : memref<1048576xf32, #tpu.memory_space<hbm>> -> memref<64xf32, #tpu.memory_space<hbm>>
      tpu.wait_dma2 semaphore(%arg17 : memref<!tpu.dma_semaphore, #tpu.memory_space<semaphore_mem>>) src(%dma_wait3A_800 : memref<64xf32, #tpu.memory_space<hbm>>) dst(%dma_wait3A_798 : memref<64xf32, #tpu.memory_space<vmem>>)
      %mul3A_801 = arith.constant 16 : i32
      %mul3A_802 = arith.muli %while3A_213, %mul3A_801 : i32
      %add3A_803 = arith.constant 14 : i32
      %add3A_804 = arith.addi %mul3A_802, %add3A_803 : i32
      %mul3A_805 = arith.constant 64 : i32
      %mul3A_806 = arith.muli %add3A_804, %mul3A_805 : i32
      %dma_wait3A_807 = tpu.memref_slice %arg11[%mul3A_806] : memref<37888xf32, #tpu.memory_space<vmem>> -> memref<64xf32, #tpu.memory_space<vmem>>
      %dma_wait3A_808 = arith.constant 0 : i32
      %dma_wait3A_809 = tpu.memref_slice %arg4[%dma_wait3A_808] : memref<1048576xf32, #tpu.memory_space<hbm>> -> memref<64xf32, #tpu.memory_space<hbm>>
      %dma_wait3A_810 = tpu.memref_slice %arg11[%mul3A_806] : memref<37888xf32, #tpu.memory_space<vmem>> -> memref<64xf32, #tpu.memory_space<vmem>>
      %dma_wait3A_811 = arith.constant 0 : i32
      %dma_wait3A_812 = tpu.memref_slice %arg4[%dma_wait3A_811] : memref<1048576xf32, #tpu.memory_space<hbm>> -> memref<64xf32, #tpu.memory_space<hbm>>
      tpu.wait_dma2 semaphore(%arg17 : memref<!tpu.dma_semaphore, #tpu.memory_space<semaphore_mem>>) src(%dma_wait3A_812 : memref<64xf32, #tpu.memory_space<hbm>>) dst(%dma_wait3A_810 : memref<64xf32, #tpu.memory_space<vmem>>)
      %mul3A_813 = arith.constant 16 : i32
      %mul3A_814 = arith.muli %while3A_213, %mul3A_813 : i32
      %add3A_815 = arith.constant 15 : i32
      %add3A_816 = arith.addi %mul3A_814, %add3A_815 : i32
      %mul3A_817 = arith.constant 64 : i32
      %mul3A_818 = arith.muli %add3A_816, %mul3A_817 : i32
      %dma_wait3A_819 = tpu.memref_slice %arg11[%mul3A_818] : memref<37888xf32, #tpu.memory_space<vmem>> -> memref<64xf32, #tpu.memory_space<vmem>>
      %dma_wait3A_820 = arith.constant 0 : i32
      %dma_wait3A_821 = tpu.memref_slice %arg4[%dma_wait3A_820] : memref<1048576xf32, #tpu.memory_space<hbm>> -> memref<64xf32, #tpu.memory_space<hbm>>
      %dma_wait3A_822 = tpu.memref_slice %arg11[%mul3A_818] : memref<37888xf32, #tpu.memory_space<vmem>> -> memref<64xf32, #tpu.memory_space<vmem>>
      %dma_wait3A_823 = arith.constant 0 : i32
      %dma_wait3A_824 = tpu.memref_slice %arg4[%dma_wait3A_823] : memref<1048576xf32, #tpu.memory_space<hbm>> -> memref<64xf32, #tpu.memory_space<hbm>>
      tpu.wait_dma2 semaphore(%arg17 : memref<!tpu.dma_semaphore, #tpu.memory_space<semaphore_mem>>) src(%dma_wait3A_824 : memref<64xf32, #tpu.memory_space<hbm>>) dst(%dma_wait3A_822 : memref<64xf32, #tpu.memory_space<vmem>>)
    }
    %add3A_93 = arith.constant 0 : i32
    %add3A_94 = arith.addi %multiple_of3A, %add3A_93 : i32
    %multiple_of3A_95 = tpu.assume_multiple %add3A_94, 128 : i32
    %dma_start3A_96 = arith.constant 0 : i32
    %dma_start3A_97 = arith.constant 0 : i32
    %dma_start3A_98 = arith.constant 0 : i32
    %dma_start3A_99 = tpu.memref_slice %arg9[%dma_start3A_96, %dma_start3A_97, %dma_start3A_98] : memref<4x64x128xf32, #tpu.memory_space<vmem>> -> memref<1x64x128xf32, #tpu.memory_space<vmem>>
    %dma_start3A_100 = tpu.memref_squeeze %dma_start3A_99 : memref<1x64x128xf32, #tpu.memory_space<vmem>> -> memref<64x128xf32, #tpu.memory_space<vmem>>
    %dma_start3A_101 = arith.constant 0 : i32
    %dma_start3A_102 = tpu.memref_slice %arg2[%dma_start3A_101, %multiple_of3A_95] : memref<64x1000000xf32, #tpu.memory_space<hbm>> -> memref<64x128xf32, #tpu.memory_space<hbm>>
    %dma_start3A_103 = arith.constant 0 : i32
    %dma_start3A_104 = arith.constant 0 : i32
    %dma_start3A_105 = tpu.memref_slice %arg9[%dma_start3A_96, %dma_start3A_103, %dma_start3A_104] : memref<4x64x128xf32, #tpu.memory_space<vmem>> -> memref<1x64x128xf32, #tpu.memory_space<vmem>>
    %dma_start3A_106 = tpu.memref_squeeze %dma_start3A_105 : memref<1x64x128xf32, #tpu.memory_space<vmem>> -> memref<64x128xf32, #tpu.memory_space<vmem>>
    %dma_start3A_107 = arith.constant 0 : i32
    %dma_start3A_108 = tpu.memref_slice %arg2[%dma_start3A_107, %multiple_of3A_95] : memref<64x1000000xf32, #tpu.memory_space<hbm>> -> memref<64x128xf32, #tpu.memory_space<hbm>>
    tpu.enqueue_dma source(%dma_start3A_108 : memref<64x128xf32, #tpu.memory_space<hbm>>) target(%dma_start3A_106 : memref<64x128xf32, #tpu.memory_space<vmem>>) target_semaphore(%arg13 : memref<!tpu.dma_semaphore, #tpu.memory_space<semaphore_mem>>)
    %add3A_109 = arith.constant 128 : i32
    %add3A_110 = arith.addi %multiple_of3A, %add3A_109 : i32
    %multiple_of3A_111 = tpu.assume_multiple %add3A_110, 128 : i32
    %dma_start3A_112 = arith.constant 1 : i32
    %dma_start3A_113 = arith.constant 0 : i32
    %dma_start3A_114 = arith.constant 0 : i32
    %dma_start3A_115 = tpu.memref_slice %arg9[%dma_start3A_112, %dma_start3A_113, %dma_start3A_114] : memref<4x64x128xf32, #tpu.memory_space<vmem>> -> memref<1x64x128xf32, #tpu.memory_space<vmem>>
    %dma_start3A_116 = tpu.memref_squeeze %dma_start3A_115 : memref<1x64x128xf32, #tpu.memory_space<vmem>> -> memref<64x128xf32, #tpu.memory_space<vmem>>
    %dma_start3A_117 = arith.constant 0 : i32
    %dma_start3A_118 = tpu.memref_slice %arg2[%dma_start3A_117, %multiple_of3A_111] : memref<64x1000000xf32, #tpu.memory_space<hbm>> -> memref<64x128xf32, #tpu.memory_space<hbm>>
    %dma_start3A_119 = arith.constant 0 : i32
    %dma_start3A_120 = arith.constant 0 : i32
    %dma_start3A_121 = tpu.memref_slice %arg9[%dma_start3A_112, %dma_start3A_119, %dma_start3A_120] : memref<4x64x128xf32, #tpu.memory_space<vmem>> -> memref<1x64x128xf32, #tpu.memory_space<vmem>>
    %dma_start3A_122 = tpu.memref_squeeze %dma_start3A_121 : memref<1x64x128xf32, #tpu.memory_space<vmem>> -> memref<64x128xf32, #tpu.memory_space<vmem>>
    %dma_start3A_123 = arith.constant 0 : i32
    %dma_start3A_124 = tpu.memref_slice %arg2[%dma_start3A_123, %multiple_of3A_111] : memref<64x1000000xf32, #tpu.memory_space<hbm>> -> memref<64x128xf32, #tpu.memory_space<hbm>>
    tpu.enqueue_dma source(%dma_start3A_124 : memref<64x128xf32, #tpu.memory_space<hbm>>) target(%dma_start3A_122 : memref<64x128xf32, #tpu.memory_space<vmem>>) target_semaphore(%arg14 : memref<!tpu.dma_semaphore, #tpu.memory_space<semaphore_mem>>)
    %jit3A_125 = arith.constant 2 : i32
    %div3A_126 = arith.divsi %select_n3A_7, %jit3A_125 : i32
    %sign3A_127 = arith.constant 0 : i32
    %sign3A_128 = arith.cmpi sgt, %select_n3A_7, %sign3A_127 : i32
    %sign3A_129 = arith.extui %sign3A_128 : i1 to i32
    %sign3A_130 = arith.constant 0 : i32
    %sign3A_131 = arith.cmpi slt, %select_n3A_7, %sign3A_130 : i32
    %sign3A_132 = arith.extui %sign3A_131 : i1 to i32
    %sign3A_133 = arith.subi %sign3A_129, %sign3A_132 : i32
    %sign3A_134 = arith.constant 0 : i32
    %sign3A_135 = arith.cmpi sgt, %jit3A_125, %sign3A_134 : i32
    %sign3A_136 = arith.extui %sign3A_135 : i1 to i32
    %sign3A_137 = arith.constant 0 : i32
    %sign3A_138 = arith.cmpi slt, %jit3A_125, %sign3A_137 : i32
    %sign3A_139 = arith.extui %sign3A_138 : i1 to i32
    %sign3A_140 = arith.subi %sign3A_136, %sign3A_139 : i32
    %ne3A_141 = arith.cmpi ne, %sign3A_133, %sign3A_140 : i32
    %rem3A_142 = arith.remsi %select_n3A_7, %jit3A_125 : i32
    %ne3A_143 = arith.constant 0 : i32
    %ne3A_144 = arith.cmpi ne, %rem3A_142, %ne3A_143 : i32
    %and3A_145 = arith.andi %ne3A_141, %ne3A_144 : i1
    %sub3A_146 = arith.constant 1 : i32
    %sub3A_147 = arith.subi %div3A_126, %sub3A_146 : i32
    %select_n3A_148 = arith.select %and3A_145, %sub3A_147, %div3A_126 : i32
    %while3A_149 = arith.constant 0 : i32
    %while3A_150 = arith.constant 0 : i32
    %while3A_151 = arith.subi %select_n3A_148, %while3A_149 : i32
    %while3A_152 = arith.addi %while3A_149, %while3A_151 : i32
    %while3A_153 = arith.constant 1 : i32
    %while3A_154 = arith.divsi %while3A_151, %while3A_153 : i32
    %while3A_155 = arith.muli %while3A_154, %while3A_153 : i32
    %while3A_156 = arith.addi %while3A_149, %while3A_155 : i32
    %while3A_157 = arith.constant 1 : i32
    %while3A_158 = scf.for %while3A_213 = %while3A_149 to %while3A_156 step %while3A_157 iter_args(%while3A_214 = %while3A_150) -> (i32)  : i32 {
      %mul3A_215 = arith.constant 2 : i32
      %mul3A_216 = arith.muli %while3A_213, %mul3A_215 : i32
      %and3A_217 = arith.constant 3 : i32
      %and3A_218 = arith.andi %mul3A_216, %and3A_217 : i32
      %add3A_219 = arith.constant 2 : i32
      %add3A_220 = arith.addi %mul3A_216, %add3A_219 : i32
      %and3A_221 = arith.constant 3 : i32
      %and3A_222 = arith.andi %add3A_220, %and3A_221 : i32
      %mul3A_223 = arith.constant 128 : i32
      %mul3A_224 = arith.muli %mul3A_216, %mul3A_223 : i32
      %add3A_225 = arith.addi %multiple_of3A, %mul3A_224 : i32
      %multiple_of3A_226 = tpu.assume_multiple %add3A_225, 128 : i32
      %dma_wait3A_227 = arith.constant 0 : i32
      %dma_wait3A_228 = arith.constant 0 : i32
      %dma_wait3A_229 = tpu.memref_slice %arg9[%and3A_218, %dma_wait3A_227, %dma_wait3A_228] : memref<4x64x128xf32, #tpu.memory_space<vmem>> -> memref<1x64x128xf32, #tpu.memory_space<vmem>>
      %dma_wait3A_230 = tpu.memref_squeeze %dma_wait3A_229 : memref<1x64x128xf32, #tpu.memory_space<vmem>> -> memref<64x128xf32, #tpu.memory_space<vmem>>
      %dma_wait3A_231 = arith.constant 0 : i32
      %dma_wait3A_232 = tpu.memref_slice %arg2[%dma_wait3A_231, %multiple_of3A_226] : memref<64x1000000xf32, #tpu.memory_space<hbm>> -> memref<64x128xf32, #tpu.memory_space<hbm>>
      %dma_wait3A_233 = arith.constant 0 : i32
      %dma_wait3A_234 = arith.constant 0 : i32
      %dma_wait3A_235 = tpu.memref_slice %arg9[%and3A_218, %dma_wait3A_233, %dma_wait3A_234] : memref<4x64x128xf32, #tpu.memory_space<vmem>> -> memref<1x64x128xf32, #tpu.memory_space<vmem>>
      %dma_wait3A_236 = tpu.memref_squeeze %dma_wait3A_235 : memref<1x64x128xf32, #tpu.memory_space<vmem>> -> memref<64x128xf32, #tpu.memory_space<vmem>>
      %dma_wait3A_237 = arith.constant 0 : i32
      %dma_wait3A_238 = tpu.memref_slice %arg2[%dma_wait3A_237, %multiple_of3A_226] : memref<64x1000000xf32, #tpu.memory_space<hbm>> -> memref<64x128xf32, #tpu.memory_space<hbm>>
      tpu.wait_dma2 semaphore(%arg13 : memref<!tpu.dma_semaphore, #tpu.memory_space<semaphore_mem>>) src(%dma_wait3A_238 : memref<64x128xf32, #tpu.memory_space<hbm>>) dst(%dma_wait3A_236 : memref<64x128xf32, #tpu.memory_space<vmem>>)
      %ge3A_239 = arith.constant 2 : i32
      %ge3A_240 = arith.cmpi sge, %mul3A_216, %ge3A_239 : i32
      %convert_element_type3A = arith.extui %ge3A_240 : i1 to i32
      %cond3A = arith.constant 0 : i32
      %cond3A_241 = arith.cmpi ne, %convert_element_type3A, %cond3A : i32
      scf.if %cond3A_241 {
        %sub3A_327 = arith.constant 2 : i32
        %sub3A_328 = arith.subi %mul3A_216, %sub3A_327 : i32
        %mul3A_329 = arith.constant 128 : i32
        %mul3A_330 = arith.muli %sub3A_328, %mul3A_329 : i32
        %add3A_331 = arith.addi %multiple_of3A, %mul3A_330 : i32
        %multiple_of3A_332 = tpu.assume_multiple %add3A_331, 128 : i32
        %dma_wait3A_333 = arith.constant 0 : i32
        %dma_wait3A_334 = arith.constant 0 : i32
        %dma_wait3A_335 = tpu.memref_slice %arg9[%and3A_222, %dma_wait3A_333, %dma_wait3A_334] : memref<4x64x128xf32, #tpu.memory_space<vmem>> -> memref<1x64x128xf32, #tpu.memory_space<vmem>>
        %dma_wait3A_336 = tpu.memref_squeeze %dma_wait3A_335 : memref<1x64x128xf32, #tpu.memory_space<vmem>> -> memref<64x128xf32, #tpu.memory_space<vmem>>
        %dma_wait3A_337 = arith.constant 0 : i32
        %dma_wait3A_338 = tpu.memref_slice %arg5[%dma_wait3A_337, %multiple_of3A_332] : memref<64x1000000xf32, #tpu.memory_space<hbm>> -> memref<64x128xf32, #tpu.memory_space<hbm>>
        %dma_wait3A_339 = arith.constant 0 : i32
        %dma_wait3A_340 = tpu.memref_slice %arg5[%dma_wait3A_339, %multiple_of3A_332] : memref<64x1000000xf32, #tpu.memory_space<hbm>> -> memref<64x128xf32, #tpu.memory_space<hbm>>
        %dma_wait3A_341 = arith.constant 0 : i32
        %dma_wait3A_342 = arith.constant 0 : i32
        %dma_wait3A_343 = tpu.memref_slice %arg9[%and3A_222, %dma_wait3A_341, %dma_wait3A_342] : memref<4x64x128xf32, #tpu.memory_space<vmem>> -> memref<1x64x128xf32, #tpu.memory_space<vmem>>
        %dma_wait3A_344 = tpu.memref_squeeze %dma_wait3A_343 : memref<1x64x128xf32, #tpu.memory_space<vmem>> -> memref<64x128xf32, #tpu.memory_space<vmem>>
        tpu.wait_dma2 semaphore(%arg15 : memref<!tpu.dma_semaphore, #tpu.memory_space<semaphore_mem>>) src(%dma_wait3A_344 : memref<64x128xf32, #tpu.memory_space<vmem>>) dst(%dma_wait3A_340 : memref<64x128xf32, #tpu.memory_space<hbm>>)
      } else {
      }
      %add3A_242 = arith.constant 2 : i32
      %add3A_243 = arith.addi %mul3A_216, %add3A_242 : i32
      %lt3A_244 = arith.cmpi slt, %add3A_243, %select_n3A_7 : i32
      %convert_element_type3A_245 = arith.extui %lt3A_244 : i1 to i32
      %cond3A_246 = arith.constant 0 : i32
      %cond3A_247 = arith.cmpi ne, %convert_element_type3A_245, %cond3A_246 : i32
      scf.if %cond3A_247 {
        %add3A_327 = arith.constant 2 : i32
        %add3A_328 = arith.addi %mul3A_216, %add3A_327 : i32
        %mul3A_329 = arith.constant 128 : i32
        %mul3A_330 = arith.muli %add3A_328, %mul3A_329 : i32
        %add3A_331 = arith.addi %multiple_of3A, %mul3A_330 : i32
        %multiple_of3A_332 = tpu.assume_multiple %add3A_331, 128 : i32
        %dma_start3A_333 = arith.constant 0 : i32
        %dma_start3A_334 = arith.constant 0 : i32
        %dma_start3A_335 = tpu.memref_slice %arg9[%and3A_222, %dma_start3A_333, %dma_start3A_334] : memref<4x64x128xf32, #tpu.memory_space<vmem>> -> memref<1x64x128xf32, #tpu.memory_space<vmem>>
        %dma_start3A_336 = tpu.memref_squeeze %dma_start3A_335 : memref<1x64x128xf32, #tpu.memory_space<vmem>> -> memref<64x128xf32, #tpu.memory_space<vmem>>
        %dma_start3A_337 = arith.constant 0 : i32
        %dma_start3A_338 = tpu.memref_slice %arg2[%dma_start3A_337, %multiple_of3A_332] : memref<64x1000000xf32, #tpu.memory_space<hbm>> -> memref<64x128xf32, #tpu.memory_space<hbm>>
        %dma_start3A_339 = arith.constant 0 : i32
        %dma_start3A_340 = arith.constant 0 : i32
        %dma_start3A_341 = tpu.memref_slice %arg9[%and3A_222, %dma_start3A_339, %dma_start3A_340] : memref<4x64x128xf32, #tpu.memory_space<vmem>> -> memref<1x64x128xf32, #tpu.memory_space<vmem>>
        %dma_start3A_342 = tpu.memref_squeeze %dma_start3A_341 : memref<1x64x128xf32, #tpu.memory_space<vmem>> -> memref<64x128xf32, #tpu.memory_space<vmem>>
        %dma_start3A_343 = arith.constant 0 : i32
        %dma_start3A_344 = tpu.memref_slice %arg2[%dma_start3A_343, %multiple_of3A_332] : memref<64x1000000xf32, #tpu.memory_space<hbm>> -> memref<64x128xf32, #tpu.memory_space<hbm>>
        tpu.enqueue_dma source(%dma_start3A_344 : memref<64x128xf32, #tpu.memory_space<hbm>>) target(%dma_start3A_342 : memref<64x128xf32, #tpu.memory_space<vmem>>) target_semaphore(%arg13 : memref<!tpu.dma_semaphore, #tpu.memory_space<semaphore_mem>>)
      } else {
      }
      %mul3A_248 = arith.constant 128 : i32
      %mul3A_249 = arith.muli %mul3A_216, %mul3A_248 : i32
      %add3A_250 = arith.addi %multiple_of3A, %mul3A_249 : i32
      %multiple_of3A_251 = tpu.assume_multiple %add3A_250, 128 : i32
      %while3A_252 = scf.while (%while3A_327 = %while3A_214) : (i32) -> i32 {
        %get3A_328 = arith.index_cast %while3A_327 : i32 to index
        %get3A_329 = tpu.vector_load %arg8[%get3A_328] {strides = array<i32>} : memref<16400xi32, #tpu.memory_space<vmem>>, vector<16xi32>,
        %slice3A_330 = vector.extract_strided_slice %get3A_329 {offsets = [0], sizes = [1], strides = [1]} : vector<16xi32> to vector<1xi32>
        %squeeze3A_331 = vector.extract %slice3A_330[0] : i32 from vector<1xi32>
        %lt3A_332 = arith.cmpi slt, %while3A_327, %min3A_59 : i32
        %add3A_333 = arith.constant 128 : i32
        %add3A_334 = arith.addi %multiple_of3A_251, %add3A_333 : i32
        %lt3A_335 = arith.cmpi slt, %squeeze3A_331, %add3A_334 : i32
        %and3A_336 = arith.andi %lt3A_332, %lt3A_335 : i1
        scf.condition(%and3A_336) %while3A_327 : i32
      } do {
      ^bb0(%while3A_327: i32):
        %get3A_328 = arith.index_cast %while3A_327 : i32 to index
        %get3A_329 = tpu.vector_load %arg8[%get3A_328] {strides = array<i32>} : memref<16400xi32, #tpu.memory_space<vmem>>, vector<16xi32>,
        %slice3A_330 = vector.extract_strided_slice %get3A_329 {offsets = [0], sizes = [1], strides = [1]} : vector<16xi32> to vector<1xi32>
        %squeeze3A_331 = vector.extract %slice3A_330[0] : i32 from vector<1xi32>
        %sub3A_332 = arith.subi %squeeze3A_331, %multiple_of3A_251 : i32
        %add3A_333 = arith.constant 0 : i32
        %add3A_334 = vector.broadcast %add3A_333 : i32 to vector<16xi32>
        %add3A_335 = arith.addi %iota3A, %add3A_334 : vector<16xi32>
        %broadcast_in_dim3A_336 = arith.constant 0 : i32
        %broadcast_in_dim3A_337 = vector.broadcast %broadcast_in_dim3A_336 : i32 to vector<16xi32>
        %add3A_338 = vector.broadcast %sub3A_332 : i32 to vector<16xi32>
        %add3A_339 = arith.addi %broadcast_in_dim3A_337, %add3A_338 : vector<16xi32>
        %mul3A_340 = arith.constant 64 : i32
        %mul3A_341 = arith.muli %while3A_327, %mul3A_340 : i32
        %add3A_342 = arith.constant 0 : i32
        %add3A_343 = arith.addi %mul3A_341, %add3A_342 : i32
        %get3A_344 = arith.index_cast %add3A_343 : i32 to index
        %get3A_345 = tpu.vector_load %arg11[%get3A_344] {strides = array<i32>} : memref<37888xf32, #tpu.memory_space<vmem>>, vector<16xf32>,
        %scatter3A = arith.constant 0 : i32
        %scatter3A_346 = arith.constant 0 : i32
        %scatter3A_347 = tpu.memref_slice %arg9[%and3A_218, %scatter3A, %scatter3A_346] : memref<4x64x128xf32, #tpu.memory_space<vmem>> -> memref<1x64x128xf32, #tpu.memory_space<vmem>>
        %scatter3A_348 = tpu.memref_squeeze %scatter3A_347 : memref<1x64x128xf32, #tpu.memory_space<vmem>> -> memref<64x128xf32, #tpu.memory_space<vmem>>
        tpu.vector_store_idx %scatter3A_348[%add3A_335, %add3A_339], %get3A_345 : memref<64x128xf32, #tpu.memory_space<vmem>>[vector<16xi32>, vector<16xi32>], vector<16xf32>,
        %add3A_349 = arith.constant 16 : i32
        %add3A_350 = vector.broadcast %add3A_349 : i32 to vector<16xi32>
        %add3A_351 = arith.addi %iota3A, %add3A_350 : vector<16xi32>
        %broadcast_in_dim3A_352 = arith.constant 0 : i32
        %broadcast_in_dim3A_353 = vector.broadcast %broadcast_in_dim3A_352 : i32 to vector<16xi32>
        %add3A_354 = vector.broadcast %sub3A_332 : i32 to vector<16xi32>
        %add3A_355 = arith.addi %broadcast_in_dim3A_353, %add3A_354 : vector<16xi32>
        %mul3A_356 = arith.constant 64 : i32
        %mul3A_357 = arith.muli %while3A_327, %mul3A_356 : i32
        %add3A_358 = arith.constant 16 : i32
        %add3A_359 = arith.addi %mul3A_357, %add3A_358 : i32
        %get3A_360 = arith.index_cast %add3A_359 : i32 to index
        %get3A_361 = tpu.vector_load %arg11[%get3A_360] {strides = array<i32>} : memref<37888xf32, #tpu.memory_space<vmem>>, vector<16xf32>,
        %scatter3A_362 = arith.constant 0 : i32
        %scatter3A_363 = arith.constant 0 : i32
        %scatter3A_364 = tpu.memref_slice %arg9[%and3A_218, %scatter3A_362, %scatter3A_363] : memref<4x64x128xf32, #tpu.memory_space<vmem>> -> memref<1x64x128xf32, #tpu.memory_space<vmem>>
        %scatter3A_365 = tpu.memref_squeeze %scatter3A_364 : memref<1x64x128xf32, #tpu.memory_space<vmem>> -> memref<64x128xf32, #tpu.memory_space<vmem>>
        tpu.vector_store_idx %scatter3A_365[%add3A_351, %add3A_355], %get3A_361 : memref<64x128xf32, #tpu.memory_space<vmem>>[vector<16xi32>, vector<16xi32>], vector<16xf32>,
        %add3A_366 = arith.constant 32 : i32
        %add3A_367 = vector.broadcast %add3A_366 : i32 to vector<16xi32>
        %add3A_368 = arith.addi %iota3A, %add3A_367 : vector<16xi32>
        %broadcast_in_dim3A_369 = arith.constant 0 : i32
        %broadcast_in_dim3A_370 = vector.broadcast %broadcast_in_dim3A_369 : i32 to vector<16xi32>
        %add3A_371 = vector.broadcast %sub3A_332 : i32 to vector<16xi32>
        %add3A_372 = arith.addi %broadcast_in_dim3A_370, %add3A_371 : vector<16xi32>
        %mul3A_373 = arith.constant 64 : i32
        %mul3A_374 = arith.muli %while3A_327, %mul3A_373 : i32
        %add3A_375 = arith.constant 32 : i32
        %add3A_376 = arith.addi %mul3A_374, %add3A_375 : i32
        %get3A_377 = arith.index_cast %add3A_376 : i32 to index
        %get3A_378 = tpu.vector_load %arg11[%get3A_377] {strides = array<i32>} : memref<37888xf32, #tpu.memory_space<vmem>>, vector<16xf32>,
        %scatter3A_379 = arith.constant 0 : i32
        %scatter3A_380 = arith.constant 0 : i32
        %scatter3A_381 = tpu.memref_slice %arg9[%and3A_218, %scatter3A_379, %scatter3A_380] : memref<4x64x128xf32, #tpu.memory_space<vmem>> -> memref<1x64x128xf32, #tpu.memory_space<vmem>>
        %scatter3A_382 = tpu.memref_squeeze %scatter3A_381 : memref<1x64x128xf32, #tpu.memory_space<vmem>> -> memref<64x128xf32, #tpu.memory_space<vmem>>
        tpu.vector_store_idx %scatter3A_382[%add3A_368, %add3A_372], %get3A_378 : memref<64x128xf32, #tpu.memory_space<vmem>>[vector<16xi32>, vector<16xi32>], vector<16xf32>,
        %add3A_383 = arith.constant 48 : i32
        %add3A_384 = vector.broadcast %add3A_383 : i32 to vector<16xi32>
        %add3A_385 = arith.addi %iota3A, %add3A_384 : vector<16xi32>
        %broadcast_in_dim3A_386 = arith.constant 0 : i32
        %broadcast_in_dim3A_387 = vector.broadcast %broadcast_in_dim3A_386 : i32 to vector<16xi32>
        %add3A_388 = vector.broadcast %sub3A_332 : i32 to vector<16xi32>
        %add3A_389 = arith.addi %broadcast_in_dim3A_387, %add3A_388 : vector<16xi32>
        %mul3A_390 = arith.constant 64 : i32
        %mul3A_391 = arith.muli %while3A_327, %mul3A_390 : i32
        %add3A_392 = arith.constant 48 : i32
        %add3A_393 = arith.addi %mul3A_391, %add3A_392 : i32
        %get3A_394 = arith.index_cast %add3A_393 : i32 to index
        %get3A_395 = tpu.vector_load %arg11[%get3A_394] {strides = array<i32>} : memref<37888xf32, #tpu.memory_space<vmem>>, vector<16xf32>,
        %scatter3A_396 = arith.constant 0 : i32
        %scatter3A_397 = arith.constant 0 : i32
        %scatter3A_398 = tpu.memref_slice %arg9[%and3A_218, %scatter3A_396, %scatter3A_397] : memref<4x64x128xf32, #tpu.memory_space<vmem>> -> memref<1x64x128xf32, #tpu.memory_space<vmem>>
        %scatter3A_399 = tpu.memref_squeeze %scatter3A_398 : memref<1x64x128xf32, #tpu.memory_space<vmem>> -> memref<64x128xf32, #tpu.memory_space<vmem>>
        tpu.vector_store_idx %scatter3A_399[%add3A_385, %add3A_389], %get3A_395 : memref<64x128xf32, #tpu.memory_space<vmem>>[vector<16xi32>, vector<16xi32>], vector<16xf32>,
        %add3A_400 = arith.constant 1 : i32
        %add3A_401 = arith.addi %while3A_327, %add3A_400 : i32
        scf.yield %add3A_401 : i32
      }
      %mul3A_253 = arith.constant 128 : i32
      %mul3A_254 = arith.muli %mul3A_216, %mul3A_253 : i32
      %add3A_255 = arith.addi %multiple_of3A, %mul3A_254 : i32
      %multiple_of3A_256 = tpu.assume_multiple %add3A_255, 128 : i32
      %dma_start3A_257 = arith.constant 0 : i32
      %dma_start3A_258 = arith.constant 0 : i32
      %dma_start3A_259 = tpu.memref_slice %arg9[%and3A_218, %dma_start3A_257, %dma_start3A_258] : memref<4x64x128xf32, #tpu.memory_space<vmem>> -> memref<1x64x128xf32, #tpu.memory_space<vmem>>
      %dma_start3A_260 = tpu.memref_squeeze %dma_start3A_259 : memref<1x64x128xf32, #tpu.memory_space<vmem>> -> memref<64x128xf32, #tpu.memory_space<vmem>>
      %dma_start3A_261 = arith.constant 0 : i32
      %dma_start3A_262 = tpu.memref_slice %arg5[%dma_start3A_261, %multiple_of3A_256] : memref<64x1000000xf32, #tpu.memory_space<hbm>> -> memref<64x128xf32, #tpu.memory_space<hbm>>
      %dma_start3A_263 = arith.constant 0 : i32
      %dma_start3A_264 = tpu.memref_slice %arg5[%dma_start3A_263, %multiple_of3A_256] : memref<64x1000000xf32, #tpu.memory_space<hbm>> -> memref<64x128xf32, #tpu.memory_space<hbm>>
      %dma_start3A_265 = arith.constant 0 : i32
      %dma_start3A_266 = arith.constant 0 : i32
      %dma_start3A_267 = tpu.memref_slice %arg9[%and3A_218, %dma_start3A_265, %dma_start3A_266] : memref<4x64x128xf32, #tpu.memory_space<vmem>> -> memref<1x64x128xf32, #tpu.memory_space<vmem>>
      %dma_start3A_268 = tpu.memref_squeeze %dma_start3A_267 : memref<1x64x128xf32, #tpu.memory_space<vmem>> -> memref<64x128xf32, #tpu.memory_space<vmem>>
      tpu.enqueue_dma source(%dma_start3A_268 : memref<64x128xf32, #tpu.memory_space<vmem>>) target(%dma_start3A_264 : memref<64x128xf32, #tpu.memory_space<hbm>>) target_semaphore(%arg15 : memref<!tpu.dma_semaphore, #tpu.memory_space<semaphore_mem>>)
      %mul3A_269 = arith.constant 2 : i32
      %mul3A_270 = arith.muli %while3A_213, %mul3A_269 : i32
      %add3A_271 = arith.constant 1 : i32
      %add3A_272 = arith.addi %mul3A_270, %add3A_271 : i32
      %and3A_273 = arith.constant 3 : i32
      %and3A_274 = arith.andi %add3A_272, %and3A_273 : i32
      %add3A_275 = arith.constant 2 : i32
      %add3A_276 = arith.addi %add3A_272, %add3A_275 : i32
      %and3A_277 = arith.constant 3 : i32
      %and3A_278 = arith.andi %add3A_276, %and3A_277 : i32
      %mul3A_279 = arith.constant 128 : i32
      %mul3A_280 = arith.muli %add3A_272, %mul3A_279 : i32
      %add3A_281 = arith.addi %multiple_of3A, %mul3A_280 : i32
      %multiple_of3A_282 = tpu.assume_multiple %add3A_281, 128 : i32
      %dma_wait3A_283 = arith.constant 0 : i32
      %dma_wait3A_284 = arith.constant 0 : i32
      %dma_wait3A_285 = tpu.memref_slice %arg9[%and3A_274, %dma_wait3A_283, %dma_wait3A_284] : memref<4x64x128xf32, #tpu.memory_space<vmem>> -> memref<1x64x128xf32, #tpu.memory_space<vmem>>
      %dma_wait3A_286 = tpu.memref_squeeze %dma_wait3A_285 : memref<1x64x128xf32, #tpu.memory_space<vmem>> -> memref<64x128xf32, #tpu.memory_space<vmem>>
      %dma_wait3A_287 = arith.constant 0 : i32
      %dma_wait3A_288 = tpu.memref_slice %arg2[%dma_wait3A_287, %multiple_of3A_282] : memref<64x1000000xf32, #tpu.memory_space<hbm>> -> memref<64x128xf32, #tpu.memory_space<hbm>>
      %dma_wait3A_289 = arith.constant 0 : i32
      %dma_wait3A_290 = arith.constant 0 : i32
      %dma_wait3A_291 = tpu.memref_slice %arg9[%and3A_274, %dma_wait3A_289, %dma_wait3A_290] : memref<4x64x128xf32, #tpu.memory_space<vmem>> -> memref<1x64x128xf32, #tpu.memory_space<vmem>>
      %dma_wait3A_292 = tpu.memref_squeeze %dma_wait3A_291 : memref<1x64x128xf32, #tpu.memory_space<vmem>> -> memref<64x128xf32, #tpu.memory_space<vmem>>
      %dma_wait3A_293 = arith.constant 0 : i32
      %dma_wait3A_294 = tpu.memref_slice %arg2[%dma_wait3A_293, %multiple_of3A_282] : memref<64x1000000xf32, #tpu.memory_space<hbm>> -> memref<64x128xf32, #tpu.memory_space<hbm>>
      tpu.wait_dma2 semaphore(%arg14 : memref<!tpu.dma_semaphore, #tpu.memory_space<semaphore_mem>>) src(%dma_wait3A_294 : memref<64x128xf32, #tpu.memory_space<hbm>>) dst(%dma_wait3A_292 : memref<64x128xf32, #tpu.memory_space<vmem>>)
      %ge3A_295 = arith.constant 2 : i32
      %ge3A_296 = arith.cmpi sge, %add3A_272, %ge3A_295 : i32
      %convert_element_type3A_297 = arith.extui %ge3A_296 : i1 to i32
      %cond3A_298 = arith.constant 0 : i32
      %cond3A_299 = arith.cmpi ne, %convert_element_type3A_297, %cond3A_298 : i32
      scf.if %cond3A_299 {
        %sub3A_327 = arith.constant 2 : i32
        %sub3A_328 = arith.subi %add3A_272, %sub3A_327 : i32
        %mul3A_329 = arith.constant 128 : i32
        %mul3A_330 = arith.muli %sub3A_328, %mul3A_329 : i32
        %add3A_331 = arith.addi %multiple_of3A, %mul3A_330 : i32
        %multiple_of3A_332 = tpu.assume_multiple %add3A_331, 128 : i32
        %dma_wait3A_333 = arith.constant 0 : i32
        %dma_wait3A_334 = arith.constant 0 : i32
        %dma_wait3A_335 = tpu.memref_slice %arg9[%and3A_278, %dma_wait3A_333, %dma_wait3A_334] : memref<4x64x128xf32, #tpu.memory_space<vmem>> -> memref<1x64x128xf32, #tpu.memory_space<vmem>>
        %dma_wait3A_336 = tpu.memref_squeeze %dma_wait3A_335 : memref<1x64x128xf32, #tpu.memory_space<vmem>> -> memref<64x128xf32, #tpu.memory_space<vmem>>
        %dma_wait3A_337 = arith.constant 0 : i32
        %dma_wait3A_338 = tpu.memref_slice %arg5[%dma_wait3A_337, %multiple_of3A_332] : memref<64x1000000xf32, #tpu.memory_space<hbm>> -> memref<64x128xf32, #tpu.memory_space<hbm>>
        %dma_wait3A_339 = arith.constant 0 : i32
        %dma_wait3A_340 = tpu.memref_slice %arg5[%dma_wait3A_339, %multiple_of3A_332] : memref<64x1000000xf32, #tpu.memory_space<hbm>> -> memref<64x128xf32, #tpu.memory_space<hbm>>
        %dma_wait3A_341 = arith.constant 0 : i32
        %dma_wait3A_342 = arith.constant 0 : i32
        %dma_wait3A_343 = tpu.memref_slice %arg9[%and3A_278, %dma_wait3A_341, %dma_wait3A_342] : memref<4x64x128xf32, #tpu.memory_space<vmem>> -> memref<1x64x128xf32, #tpu.memory_space<vmem>>
        %dma_wait3A_344 = tpu.memref_squeeze %dma_wait3A_343 : memref<1x64x128xf32, #tpu.memory_space<vmem>> -> memref<64x128xf32, #tpu.memory_space<vmem>>
        tpu.wait_dma2 semaphore(%arg16 : memref<!tpu.dma_semaphore, #tpu.memory_space<semaphore_mem>>) src(%dma_wait3A_344 : memref<64x128xf32, #tpu.memory_space<vmem>>) dst(%dma_wait3A_340 : memref<64x128xf32, #tpu.memory_space<hbm>>)
      } else {
      }
      %add3A_300 = arith.constant 2 : i32
      %add3A_301 = arith.addi %add3A_272, %add3A_300 : i32
      %lt3A_302 = arith.cmpi slt, %add3A_301, %select_n3A_7 : i32
      %convert_element_type3A_303 = arith.extui %lt3A_302 : i1 to i32
      %cond3A_304 = arith.constant 0 : i32
      %cond3A_305 = arith.cmpi ne, %convert_element_type3A_303, %cond3A_304 : i32
      scf.if %cond3A_305 {
        %add3A_327 = arith.constant 2 : i32
        %add3A_328 = arith.addi %add3A_272, %add3A_327 : i32
        %mul3A_329 = arith.constant 128 : i32
        %mul3A_330 = arith.muli %add3A_328, %mul3A_329 : i32
        %add3A_331 = arith.addi %multiple_of3A, %mul3A_330 : i32
        %multiple_of3A_332 = tpu.assume_multiple %add3A_331, 128 : i32
        %dma_start3A_333 = arith.constant 0 : i32
        %dma_start3A_334 = arith.constant 0 : i32
        %dma_start3A_335 = tpu.memref_slice %arg9[%and3A_278, %dma_start3A_333, %dma_start3A_334] : memref<4x64x128xf32, #tpu.memory_space<vmem>> -> memref<1x64x128xf32, #tpu.memory_space<vmem>>
        %dma_start3A_336 = tpu.memref_squeeze %dma_start3A_335 : memref<1x64x128xf32, #tpu.memory_space<vmem>> -> memref<64x128xf32, #tpu.memory_space<vmem>>
        %dma_start3A_337 = arith.constant 0 : i32
        %dma_start3A_338 = tpu.memref_slice %arg2[%dma_start3A_337, %multiple_of3A_332] : memref<64x1000000xf32, #tpu.memory_space<hbm>> -> memref<64x128xf32, #tpu.memory_space<hbm>>
        %dma_start3A_339 = arith.constant 0 : i32
        %dma_start3A_340 = arith.constant 0 : i32
        %dma_start3A_341 = tpu.memref_slice %arg9[%and3A_278, %dma_start3A_339, %dma_start3A_340] : memref<4x64x128xf32, #tpu.memory_space<vmem>> -> memref<1x64x128xf32, #tpu.memory_space<vmem>>
        %dma_start3A_342 = tpu.memref_squeeze %dma_start3A_341 : memref<1x64x128xf32, #tpu.memory_space<vmem>> -> memref<64x128xf32, #tpu.memory_space<vmem>>
        %dma_start3A_343 = arith.constant 0 : i32
        %dma_start3A_344 = tpu.memref_slice %arg2[%dma_start3A_343, %multiple_of3A_332] : memref<64x1000000xf32, #tpu.memory_space<hbm>> -> memref<64x128xf32, #tpu.memory_space<hbm>>
        tpu.enqueue_dma source(%dma_start3A_344 : memref<64x128xf32, #tpu.memory_space<hbm>>) target(%dma_start3A_342 : memref<64x128xf32, #tpu.memory_space<vmem>>) target_semaphore(%arg14 : memref<!tpu.dma_semaphore, #tpu.memory_space<semaphore_mem>>)
      } else {
      }
      %mul3A_306 = arith.constant 128 : i32
      %mul3A_307 = arith.muli %add3A_272, %mul3A_306 : i32
      %add3A_308 = arith.addi %multiple_of3A, %mul3A_307 : i32
      %multiple_of3A_309 = tpu.assume_multiple %add3A_308, 128 : i32
      %while3A_310 = scf.while (%while3A_327 = %while3A_252) : (i32) -> i32 {
        %get3A_328 = arith.index_cast %while3A_327 : i32 to index
        %get3A_329 = tpu.vector_load %arg8[%get3A_328] {strides = array<i32>} : memref<16400xi32, #tpu.memory_space<vmem>>, vector<16xi32>,
        %slice3A_330 = vector.extract_strided_slice %get3A_329 {offsets = [0], sizes = [1], strides = [1]} : vector<16xi32> to vector<1xi32>
        %squeeze3A_331 = vector.extract %slice3A_330[0] : i32 from vector<1xi32>
        %lt3A_332 = arith.cmpi slt, %while3A_327, %min3A_59 : i32
        %add3A_333 = arith.constant 128 : i32
        %add3A_334 = arith.addi %multiple_of3A_309, %add3A_333 : i32
        %lt3A_335 = arith.cmpi slt, %squeeze3A_331, %add3A_334 : i32
        %and3A_336 = arith.andi %lt3A_332, %lt3A_335 : i1
        scf.condition(%and3A_336) %while3A_327 : i32
      } do {
      ^bb0(%while3A_327: i32):
        %get3A_328 = arith.index_cast %while3A_327 : i32 to index
        %get3A_329 = tpu.vector_load %arg8[%get3A_328] {strides = array<i32>} : memref<16400xi32, #tpu.memory_space<vmem>>, vector<16xi32>,
        %slice3A_330 = vector.extract_strided_slice %get3A_329 {offsets = [0], sizes = [1], strides = [1]} : vector<16xi32> to vector<1xi32>
        %squeeze3A_331 = vector.extract %slice3A_330[0] : i32 from vector<1xi32>
        %sub3A_332 = arith.subi %squeeze3A_331, %multiple_of3A_309 : i32
        %add3A_333 = arith.constant 0 : i32
        %add3A_334 = vector.broadcast %add3A_333 : i32 to vector<16xi32>
        %add3A_335 = arith.addi %iota3A, %add3A_334 : vector<16xi32>
        %broadcast_in_dim3A_336 = arith.constant 0 : i32
        %broadcast_in_dim3A_337 = vector.broadcast %broadcast_in_dim3A_336 : i32 to vector<16xi32>
        %add3A_338 = vector.broadcast %sub3A_332 : i32 to vector<16xi32>
        %add3A_339 = arith.addi %broadcast_in_dim3A_337, %add3A_338 : vector<16xi32>
        %mul3A_340 = arith.constant 64 : i32
        %mul3A_341 = arith.muli %while3A_327, %mul3A_340 : i32
        %add3A_342 = arith.constant 0 : i32
        %add3A_343 = arith.addi %mul3A_341, %add3A_342 : i32
        %get3A_344 = arith.index_cast %add3A_343 : i32 to index
        %get3A_345 = tpu.vector_load %arg11[%get3A_344] {strides = array<i32>} : memref<37888xf32, #tpu.memory_space<vmem>>, vector<16xf32>,
        %scatter3A = arith.constant 0 : i32
        %scatter3A_346 = arith.constant 0 : i32
        %scatter3A_347 = tpu.memref_slice %arg9[%and3A_274, %scatter3A, %scatter3A_346] : memref<4x64x128xf32, #tpu.memory_space<vmem>> -> memref<1x64x128xf32, #tpu.memory_space<vmem>>
        %scatter3A_348 = tpu.memref_squeeze %scatter3A_347 : memref<1x64x128xf32, #tpu.memory_space<vmem>> -> memref<64x128xf32, #tpu.memory_space<vmem>>
        tpu.vector_store_idx %scatter3A_348[%add3A_335, %add3A_339], %get3A_345 : memref<64x128xf32, #tpu.memory_space<vmem>>[vector<16xi32>, vector<16xi32>], vector<16xf32>,
        %add3A_349 = arith.constant 16 : i32
        %add3A_350 = vector.broadcast %add3A_349 : i32 to vector<16xi32>
        %add3A_351 = arith.addi %iota3A, %add3A_350 : vector<16xi32>
        %broadcast_in_dim3A_352 = arith.constant 0 : i32
        %broadcast_in_dim3A_353 = vector.broadcast %broadcast_in_dim3A_352 : i32 to vector<16xi32>
        %add3A_354 = vector.broadcast %sub3A_332 : i32 to vector<16xi32>
        %add3A_355 = arith.addi %broadcast_in_dim3A_353, %add3A_354 : vector<16xi32>
        %mul3A_356 = arith.constant 64 : i32
        %mul3A_357 = arith.muli %while3A_327, %mul3A_356 : i32
        %add3A_358 = arith.constant 16 : i32
        %add3A_359 = arith.addi %mul3A_357, %add3A_358 : i32
        %get3A_360 = arith.index_cast %add3A_359 : i32 to index
        %get3A_361 = tpu.vector_load %arg11[%get3A_360] {strides = array<i32>} : memref<37888xf32, #tpu.memory_space<vmem>>, vector<16xf32>,
        %scatter3A_362 = arith.constant 0 : i32
        %scatter3A_363 = arith.constant 0 : i32
        %scatter3A_364 = tpu.memref_slice %arg9[%and3A_274, %scatter3A_362, %scatter3A_363] : memref<4x64x128xf32, #tpu.memory_space<vmem>> -> memref<1x64x128xf32, #tpu.memory_space<vmem>>
        %scatter3A_365 = tpu.memref_squeeze %scatter3A_364 : memref<1x64x128xf32, #tpu.memory_space<vmem>> -> memref<64x128xf32, #tpu.memory_space<vmem>>
        tpu.vector_store_idx %scatter3A_365[%add3A_351, %add3A_355], %get3A_361 : memref<64x128xf32, #tpu.memory_space<vmem>>[vector<16xi32>, vector<16xi32>], vector<16xf32>,
        %add3A_366 = arith.constant 32 : i32
        %add3A_367 = vector.broadcast %add3A_366 : i32 to vector<16xi32>
        %add3A_368 = arith.addi %iota3A, %add3A_367 : vector<16xi32>
        %broadcast_in_dim3A_369 = arith.constant 0 : i32
        %broadcast_in_dim3A_370 = vector.broadcast %broadcast_in_dim3A_369 : i32 to vector<16xi32>
        %add3A_371 = vector.broadcast %sub3A_332 : i32 to vector<16xi32>
        %add3A_372 = arith.addi %broadcast_in_dim3A_370, %add3A_371 : vector<16xi32>
        %mul3A_373 = arith.constant 64 : i32
        %mul3A_374 = arith.muli %while3A_327, %mul3A_373 : i32
        %add3A_375 = arith.constant 32 : i32
        %add3A_376 = arith.addi %mul3A_374, %add3A_375 : i32
        %get3A_377 = arith.index_cast %add3A_376 : i32 to index
        %get3A_378 = tpu.vector_load %arg11[%get3A_377] {strides = array<i32>} : memref<37888xf32, #tpu.memory_space<vmem>>, vector<16xf32>,
        %scatter3A_379 = arith.constant 0 : i32
        %scatter3A_380 = arith.constant 0 : i32
        %scatter3A_381 = tpu.memref_slice %arg9[%and3A_274, %scatter3A_379, %scatter3A_380] : memref<4x64x128xf32, #tpu.memory_space<vmem>> -> memref<1x64x128xf32, #tpu.memory_space<vmem>>
        %scatter3A_382 = tpu.memref_squeeze %scatter3A_381 : memref<1x64x128xf32, #tpu.memory_space<vmem>> -> memref<64x128xf32, #tpu.memory_space<vmem>>
        tpu.vector_store_idx %scatter3A_382[%add3A_368, %add3A_372], %get3A_378 : memref<64x128xf32, #tpu.memory_space<vmem>>[vector<16xi32>, vector<16xi32>], vector<16xf32>,
        %add3A_383 = arith.constant 48 : i32
        %add3A_384 = vector.broadcast %add3A_383 : i32 to vector<16xi32>
        %add3A_385 = arith.addi %iota3A, %add3A_384 : vector<16xi32>
        %broadcast_in_dim3A_386 = arith.constant 0 : i32
        %broadcast_in_dim3A_387 = vector.broadcast %broadcast_in_dim3A_386 : i32 to vector<16xi32>
        %add3A_388 = vector.broadcast %sub3A_332 : i32 to vector<16xi32>
        %add3A_389 = arith.addi %broadcast_in_dim3A_387, %add3A_388 : vector<16xi32>
        %mul3A_390 = arith.constant 64 : i32
        %mul3A_391 = arith.muli %while3A_327, %mul3A_390 : i32
        %add3A_392 = arith.constant 48 : i32
        %add3A_393 = arith.addi %mul3A_391, %add3A_392 : i32
        %get3A_394 = arith.index_cast %add3A_393 : i32 to index
        %get3A_395 = tpu.vector_load %arg11[%get3A_394] {strides = array<i32>} : memref<37888xf32, #tpu.memory_space<vmem>>, vector<16xf32>,
        %scatter3A_396 = arith.constant 0 : i32
        %scatter3A_397 = arith.constant 0 : i32
        %scatter3A_398 = tpu.memref_slice %arg9[%and3A_274, %scatter3A_396, %scatter3A_397] : memref<4x64x128xf32, #tpu.memory_space<vmem>> -> memref<1x64x128xf32, #tpu.memory_space<vmem>>
        %scatter3A_399 = tpu.memref_squeeze %scatter3A_398 : memref<1x64x128xf32, #tpu.memory_space<vmem>> -> memref<64x128xf32, #tpu.memory_space<vmem>>
        tpu.vector_store_idx %scatter3A_399[%add3A_385, %add3A_389], %get3A_395 : memref<64x128xf32, #tpu.memory_space<vmem>>[vector<16xi32>, vector<16xi32>], vector<16xf32>,
        %add3A_400 = arith.constant 1 : i32
        %add3A_401 = arith.addi %while3A_327, %add3A_400 : i32
        scf.yield %add3A_401 : i32
      }
      %mul3A_311 = arith.constant 128 : i32
      %mul3A_312 = arith.muli %add3A_272, %mul3A_311 : i32
      %add3A_313 = arith.addi %multiple_of3A, %mul3A_312 : i32
      %multiple_of3A_314 = tpu.assume_multiple %add3A_313, 128 : i32
      %dma_start3A_315 = arith.constant 0 : i32
      %dma_start3A_316 = arith.constant 0 : i32
      %dma_start3A_317 = tpu.memref_slice %arg9[%and3A_274, %dma_start3A_315, %dma_start3A_316] : memref<4x64x128xf32, #tpu.memory_space<vmem>> -> memref<1x64x128xf32, #tpu.memory_space<vmem>>
      %dma_start3A_318 = tpu.memref_squeeze %dma_start3A_317 : memref<1x64x128xf32, #tpu.memory_space<vmem>> -> memref<64x128xf32, #tpu.memory_space<vmem>>
      %dma_start3A_319 = arith.constant 0 : i32
      %dma_start3A_320 = tpu.memref_slice %arg5[%dma_start3A_319, %multiple_of3A_314] : memref<64x1000000xf32, #tpu.memory_space<hbm>> -> memref<64x128xf32, #tpu.memory_space<hbm>>
      %dma_start3A_321 = arith.constant 0 : i32
      %dma_start3A_322 = tpu.memref_slice %arg5[%dma_start3A_321, %multiple_of3A_314] : memref<64x1000000xf32, #tpu.memory_space<hbm>> -> memref<64x128xf32, #tpu.memory_space<hbm>>
      %dma_start3A_323 = arith.constant 0 : i32
      %dma_start3A_324 = arith.constant 0 : i32
      %dma_start3A_325 = tpu.memref_slice %arg9[%and3A_274, %dma_start3A_323, %dma_start3A_324] : memref<4x64x128xf32, #tpu.memory_space<vmem>> -> memref<1x64x128xf32, #tpu.memory_space<vmem>>
      %dma_start3A_326 = tpu.memref_squeeze %dma_start3A_325 : memref<1x64x128xf32, #tpu.memory_space<vmem>> -> memref<64x128xf32, #tpu.memory_space<vmem>>
      tpu.enqueue_dma source(%dma_start3A_326 : memref<64x128xf32, #tpu.memory_space<vmem>>) target(%dma_start3A_322 : memref<64x128xf32, #tpu.memory_space<hbm>>) target_semaphore(%arg16 : memref<!tpu.dma_semaphore, #tpu.memory_space<semaphore_mem>>)
      scf.yield %while3A_310 : i32
    }
    %while3A_159 = arith.constant 1 : i32
    %while3A_160 = scf.for %while3A_213 = %while3A_156 to %while3A_152 step %while3A_159 iter_args(%while3A_214 = %while3A_158) -> (i32)  : i32 {
      %mul3A_215 = arith.constant 2 : i32
      %mul3A_216 = arith.muli %while3A_213, %mul3A_215 : i32
      %and3A_217 = arith.constant 3 : i32
      %and3A_218 = arith.andi %mul3A_216, %and3A_217 : i32
      %add3A_219 = arith.constant 2 : i32
      %add3A_220 = arith.addi %mul3A_216, %add3A_219 : i32
      %and3A_221 = arith.constant 3 : i32
      %and3A_222 = arith.andi %add3A_220, %and3A_221 : i32
      %mul3A_223 = arith.constant 128 : i32
      %mul3A_224 = arith.muli %mul3A_216, %mul3A_223 : i32
      %add3A_225 = arith.addi %multiple_of3A, %mul3A_224 : i32
      %multiple_of3A_226 = tpu.assume_multiple %add3A_225, 128 : i32
      %dma_wait3A_227 = arith.constant 0 : i32
      %dma_wait3A_228 = arith.constant 0 : i32
      %dma_wait3A_229 = tpu.memref_slice %arg9[%and3A_218, %dma_wait3A_227, %dma_wait3A_228] : memref<4x64x128xf32, #tpu.memory_space<vmem>> -> memref<1x64x128xf32, #tpu.memory_space<vmem>>
      %dma_wait3A_230 = tpu.memref_squeeze %dma_wait3A_229 : memref<1x64x128xf32, #tpu.memory_space<vmem>> -> memref<64x128xf32, #tpu.memory_space<vmem>>
      %dma_wait3A_231 = arith.constant 0 : i32
      %dma_wait3A_232 = tpu.memref_slice %arg2[%dma_wait3A_231, %multiple_of3A_226] : memref<64x1000000xf32, #tpu.memory_space<hbm>> -> memref<64x128xf32, #tpu.memory_space<hbm>>
      %dma_wait3A_233 = arith.constant 0 : i32
      %dma_wait3A_234 = arith.constant 0 : i32
      %dma_wait3A_235 = tpu.memref_slice %arg9[%and3A_218, %dma_wait3A_233, %dma_wait3A_234] : memref<4x64x128xf32, #tpu.memory_space<vmem>> -> memref<1x64x128xf32, #tpu.memory_space<vmem>>
      %dma_wait3A_236 = tpu.memref_squeeze %dma_wait3A_235 : memref<1x64x128xf32, #tpu.memory_space<vmem>> -> memref<64x128xf32, #tpu.memory_space<vmem>>
      %dma_wait3A_237 = arith.constant 0 : i32
      %dma_wait3A_238 = tpu.memref_slice %arg2[%dma_wait3A_237, %multiple_of3A_226] : memref<64x1000000xf32, #tpu.memory_space<hbm>> -> memref<64x128xf32, #tpu.memory_space<hbm>>
      tpu.wait_dma2 semaphore(%arg13 : memref<!tpu.dma_semaphore, #tpu.memory_space<semaphore_mem>>) src(%dma_wait3A_238 : memref<64x128xf32, #tpu.memory_space<hbm>>) dst(%dma_wait3A_236 : memref<64x128xf32, #tpu.memory_space<vmem>>)
      %ge3A_239 = arith.constant 2 : i32
      %ge3A_240 = arith.cmpi sge, %mul3A_216, %ge3A_239 : i32
      %convert_element_type3A = arith.extui %ge3A_240 : i1 to i32
      %cond3A = arith.constant 0 : i32
      %cond3A_241 = arith.cmpi ne, %convert_element_type3A, %cond3A : i32
      scf.if %cond3A_241 {
        %sub3A_327 = arith.constant 2 : i32
        %sub3A_328 = arith.subi %mul3A_216, %sub3A_327 : i32
        %mul3A_329 = arith.constant 128 : i32
        %mul3A_330 = arith.muli %sub3A_328, %mul3A_329 : i32
        %add3A_331 = arith.addi %multiple_of3A, %mul3A_330 : i32
        %multiple_of3A_332 = tpu.assume_multiple %add3A_331, 128 : i32
        %dma_wait3A_333 = arith.constant 0 : i32
        %dma_wait3A_334 = arith.constant 0 : i32
        %dma_wait3A_335 = tpu.memref_slice %arg9[%and3A_222, %dma_wait3A_333, %dma_wait3A_334] : memref<4x64x128xf32, #tpu.memory_space<vmem>> -> memref<1x64x128xf32, #tpu.memory_space<vmem>>
        %dma_wait3A_336 = tpu.memref_squeeze %dma_wait3A_335 : memref<1x64x128xf32, #tpu.memory_space<vmem>> -> memref<64x128xf32, #tpu.memory_space<vmem>>
        %dma_wait3A_337 = arith.constant 0 : i32
        %dma_wait3A_338 = tpu.memref_slice %arg5[%dma_wait3A_337, %multiple_of3A_332] : memref<64x1000000xf32, #tpu.memory_space<hbm>> -> memref<64x128xf32, #tpu.memory_space<hbm>>
        %dma_wait3A_339 = arith.constant 0 : i32
        %dma_wait3A_340 = tpu.memref_slice %arg5[%dma_wait3A_339, %multiple_of3A_332] : memref<64x1000000xf32, #tpu.memory_space<hbm>> -> memref<64x128xf32, #tpu.memory_space<hbm>>
        %dma_wait3A_341 = arith.constant 0 : i32
        %dma_wait3A_342 = arith.constant 0 : i32
        %dma_wait3A_343 = tpu.memref_slice %arg9[%and3A_222, %dma_wait3A_341, %dma_wait3A_342] : memref<4x64x128xf32, #tpu.memory_space<vmem>> -> memref<1x64x128xf32, #tpu.memory_space<vmem>>
        %dma_wait3A_344 = tpu.memref_squeeze %dma_wait3A_343 : memref<1x64x128xf32, #tpu.memory_space<vmem>> -> memref<64x128xf32, #tpu.memory_space<vmem>>
        tpu.wait_dma2 semaphore(%arg15 : memref<!tpu.dma_semaphore, #tpu.memory_space<semaphore_mem>>) src(%dma_wait3A_344 : memref<64x128xf32, #tpu.memory_space<vmem>>) dst(%dma_wait3A_340 : memref<64x128xf32, #tpu.memory_space<hbm>>)
      } else {
      }
      %add3A_242 = arith.constant 2 : i32
      %add3A_243 = arith.addi %mul3A_216, %add3A_242 : i32
      %lt3A_244 = arith.cmpi slt, %add3A_243, %select_n3A_7 : i32
      %convert_element_type3A_245 = arith.extui %lt3A_244 : i1 to i32
      %cond3A_246 = arith.constant 0 : i32
      %cond3A_247 = arith.cmpi ne, %convert_element_type3A_245, %cond3A_246 : i32
      scf.if %cond3A_247 {
        %add3A_327 = arith.constant 2 : i32
        %add3A_328 = arith.addi %mul3A_216, %add3A_327 : i32
        %mul3A_329 = arith.constant 128 : i32
        %mul3A_330 = arith.muli %add3A_328, %mul3A_329 : i32
        %add3A_331 = arith.addi %multiple_of3A, %mul3A_330 : i32
        %multiple_of3A_332 = tpu.assume_multiple %add3A_331, 128 : i32
        %dma_start3A_333 = arith.constant 0 : i32
        %dma_start3A_334 = arith.constant 0 : i32
        %dma_start3A_335 = tpu.memref_slice %arg9[%and3A_222, %dma_start3A_333, %dma_start3A_334] : memref<4x64x128xf32, #tpu.memory_space<vmem>> -> memref<1x64x128xf32, #tpu.memory_space<vmem>>
        %dma_start3A_336 = tpu.memref_squeeze %dma_start3A_335 : memref<1x64x128xf32, #tpu.memory_space<vmem>> -> memref<64x128xf32, #tpu.memory_space<vmem>>
        %dma_start3A_337 = arith.constant 0 : i32
        %dma_start3A_338 = tpu.memref_slice %arg2[%dma_start3A_337, %multiple_of3A_332] : memref<64x1000000xf32, #tpu.memory_space<hbm>> -> memref<64x128xf32, #tpu.memory_space<hbm>>
        %dma_start3A_339 = arith.constant 0 : i32
        %dma_start3A_340 = arith.constant 0 : i32
        %dma_start3A_341 = tpu.memref_slice %arg9[%and3A_222, %dma_start3A_339, %dma_start3A_340] : memref<4x64x128xf32, #tpu.memory_space<vmem>> -> memref<1x64x128xf32, #tpu.memory_space<vmem>>
        %dma_start3A_342 = tpu.memref_squeeze %dma_start3A_341 : memref<1x64x128xf32, #tpu.memory_space<vmem>> -> memref<64x128xf32, #tpu.memory_space<vmem>>
        %dma_start3A_343 = arith.constant 0 : i32
        %dma_start3A_344 = tpu.memref_slice %arg2[%dma_start3A_343, %multiple_of3A_332] : memref<64x1000000xf32, #tpu.memory_space<hbm>> -> memref<64x128xf32, #tpu.memory_space<hbm>>
        tpu.enqueue_dma source(%dma_start3A_344 : memref<64x128xf32, #tpu.memory_space<hbm>>) target(%dma_start3A_342 : memref<64x128xf32, #tpu.memory_space<vmem>>) target_semaphore(%arg13 : memref<!tpu.dma_semaphore, #tpu.memory_space<semaphore_mem>>)
      } else {
      }
      %mul3A_248 = arith.constant 128 : i32
      %mul3A_249 = arith.muli %mul3A_216, %mul3A_248 : i32
      %add3A_250 = arith.addi %multiple_of3A, %mul3A_249 : i32
      %multiple_of3A_251 = tpu.assume_multiple %add3A_250, 128 : i32
      %while3A_252 = scf.while (%while3A_327 = %while3A_214) : (i32) -> i32 {
        %get3A_328 = arith.index_cast %while3A_327 : i32 to index
        %get3A_329 = tpu.vector_load %arg8[%get3A_328] {strides = array<i32>} : memref<16400xi32, #tpu.memory_space<vmem>>, vector<16xi32>,
        %slice3A_330 = vector.extract_strided_slice %get3A_329 {offsets = [0], sizes = [1], strides = [1]} : vector<16xi32> to vector<1xi32>
        %squeeze3A_331 = vector.extract %slice3A_330[0] : i32 from vector<1xi32>
        %lt3A_332 = arith.cmpi slt, %while3A_327, %min3A_59 : i32
        %add3A_333 = arith.constant 128 : i32
        %add3A_334 = arith.addi %multiple_of3A_251, %add3A_333 : i32
        %lt3A_335 = arith.cmpi slt, %squeeze3A_331, %add3A_334 : i32
        %and3A_336 = arith.andi %lt3A_332, %lt3A_335 : i1
        scf.condition(%and3A_336) %while3A_327 : i32
      } do {
      ^bb0(%while3A_327: i32):
        %get3A_328 = arith.index_cast %while3A_327 : i32 to index
        %get3A_329 = tpu.vector_load %arg8[%get3A_328] {strides = array<i32>} : memref<16400xi32, #tpu.memory_space<vmem>>, vector<16xi32>,
        %slice3A_330 = vector.extract_strided_slice %get3A_329 {offsets = [0], sizes = [1], strides = [1]} : vector<16xi32> to vector<1xi32>
        %squeeze3A_331 = vector.extract %slice3A_330[0] : i32 from vector<1xi32>
        %sub3A_332 = arith.subi %squeeze3A_331, %multiple_of3A_251 : i32
        %add3A_333 = arith.constant 0 : i32
        %add3A_334 = vector.broadcast %add3A_333 : i32 to vector<16xi32>
        %add3A_335 = arith.addi %iota3A, %add3A_334 : vector<16xi32>
        %broadcast_in_dim3A_336 = arith.constant 0 : i32
        %broadcast_in_dim3A_337 = vector.broadcast %broadcast_in_dim3A_336 : i32 to vector<16xi32>
        %add3A_338 = vector.broadcast %sub3A_332 : i32 to vector<16xi32>
        %add3A_339 = arith.addi %broadcast_in_dim3A_337, %add3A_338 : vector<16xi32>
        %mul3A_340 = arith.constant 64 : i32
        %mul3A_341 = arith.muli %while3A_327, %mul3A_340 : i32
        %add3A_342 = arith.constant 0 : i32
        %add3A_343 = arith.addi %mul3A_341, %add3A_342 : i32
        %get3A_344 = arith.index_cast %add3A_343 : i32 to index
        %get3A_345 = tpu.vector_load %arg11[%get3A_344] {strides = array<i32>} : memref<37888xf32, #tpu.memory_space<vmem>>, vector<16xf32>,
        %scatter3A = arith.constant 0 : i32
        %scatter3A_346 = arith.constant 0 : i32
        %scatter3A_347 = tpu.memref_slice %arg9[%and3A_218, %scatter3A, %scatter3A_346] : memref<4x64x128xf32, #tpu.memory_space<vmem>> -> memref<1x64x128xf32, #tpu.memory_space<vmem>>
        %scatter3A_348 = tpu.memref_squeeze %scatter3A_347 : memref<1x64x128xf32, #tpu.memory_space<vmem>> -> memref<64x128xf32, #tpu.memory_space<vmem>>
        tpu.vector_store_idx %scatter3A_348[%add3A_335, %add3A_339], %get3A_345 : memref<64x128xf32, #tpu.memory_space<vmem>>[vector<16xi32>, vector<16xi32>], vector<16xf32>,
        %add3A_349 = arith.constant 16 : i32
        %add3A_350 = vector.broadcast %add3A_349 : i32 to vector<16xi32>
        %add3A_351 = arith.addi %iota3A, %add3A_350 : vector<16xi32>
        %broadcast_in_dim3A_352 = arith.constant 0 : i32
        %broadcast_in_dim3A_353 = vector.broadcast %broadcast_in_dim3A_352 : i32 to vector<16xi32>
        %add3A_354 = vector.broadcast %sub3A_332 : i32 to vector<16xi32>
        %add3A_355 = arith.addi %broadcast_in_dim3A_353, %add3A_354 : vector<16xi32>
        %mul3A_356 = arith.constant 64 : i32
        %mul3A_357 = arith.muli %while3A_327, %mul3A_356 : i32
        %add3A_358 = arith.constant 16 : i32
        %add3A_359 = arith.addi %mul3A_357, %add3A_358 : i32
        %get3A_360 = arith.index_cast %add3A_359 : i32 to index
        %get3A_361 = tpu.vector_load %arg11[%get3A_360] {strides = array<i32>} : memref<37888xf32, #tpu.memory_space<vmem>>, vector<16xf32>,
        %scatter3A_362 = arith.constant 0 : i32
        %scatter3A_363 = arith.constant 0 : i32
        %scatter3A_364 = tpu.memref_slice %arg9[%and3A_218, %scatter3A_362, %scatter3A_363] : memref<4x64x128xf32, #tpu.memory_space<vmem>> -> memref<1x64x128xf32, #tpu.memory_space<vmem>>
        %scatter3A_365 = tpu.memref_squeeze %scatter3A_364 : memref<1x64x128xf32, #tpu.memory_space<vmem>> -> memref<64x128xf32, #tpu.memory_space<vmem>>
        tpu.vector_store_idx %scatter3A_365[%add3A_351, %add3A_355], %get3A_361 : memref<64x128xf32, #tpu.memory_space<vmem>>[vector<16xi32>, vector<16xi32>], vector<16xf32>,
        %add3A_366 = arith.constant 32 : i32
        %add3A_367 = vector.broadcast %add3A_366 : i32 to vector<16xi32>
        %add3A_368 = arith.addi %iota3A, %add3A_367 : vector<16xi32>
        %broadcast_in_dim3A_369 = arith.constant 0 : i32
        %broadcast_in_dim3A_370 = vector.broadcast %broadcast_in_dim3A_369 : i32 to vector<16xi32>
        %add3A_371 = vector.broadcast %sub3A_332 : i32 to vector<16xi32>
        %add3A_372 = arith.addi %broadcast_in_dim3A_370, %add3A_371 : vector<16xi32>
        %mul3A_373 = arith.constant 64 : i32
        %mul3A_374 = arith.muli %while3A_327, %mul3A_373 : i32
        %add3A_375 = arith.constant 32 : i32
        %add3A_376 = arith.addi %mul3A_374, %add3A_375 : i32
        %get3A_377 = arith.index_cast %add3A_376 : i32 to index
        %get3A_378 = tpu.vector_load %arg11[%get3A_377] {strides = array<i32>} : memref<37888xf32, #tpu.memory_space<vmem>>, vector<16xf32>,
        %scatter3A_379 = arith.constant 0 : i32
        %scatter3A_380 = arith.constant 0 : i32
        %scatter3A_381 = tpu.memref_slice %arg9[%and3A_218, %scatter3A_379, %scatter3A_380] : memref<4x64x128xf32, #tpu.memory_space<vmem>> -> memref<1x64x128xf32, #tpu.memory_space<vmem>>
        %scatter3A_382 = tpu.memref_squeeze %scatter3A_381 : memref<1x64x128xf32, #tpu.memory_space<vmem>> -> memref<64x128xf32, #tpu.memory_space<vmem>>
        tpu.vector_store_idx %scatter3A_382[%add3A_368, %add3A_372], %get3A_378 : memref<64x128xf32, #tpu.memory_space<vmem>>[vector<16xi32>, vector<16xi32>], vector<16xf32>,
        %add3A_383 = arith.constant 48 : i32
        %add3A_384 = vector.broadcast %add3A_383 : i32 to vector<16xi32>
        %add3A_385 = arith.addi %iota3A, %add3A_384 : vector<16xi32>
        %broadcast_in_dim3A_386 = arith.constant 0 : i32
        %broadcast_in_dim3A_387 = vector.broadcast %broadcast_in_dim3A_386 : i32 to vector<16xi32>
        %add3A_388 = vector.broadcast %sub3A_332 : i32 to vector<16xi32>
        %add3A_389 = arith.addi %broadcast_in_dim3A_387, %add3A_388 : vector<16xi32>
        %mul3A_390 = arith.constant 64 : i32
        %mul3A_391 = arith.muli %while3A_327, %mul3A_390 : i32
        %add3A_392 = arith.constant 48 : i32
        %add3A_393 = arith.addi %mul3A_391, %add3A_392 : i32
        %get3A_394 = arith.index_cast %add3A_393 : i32 to index
        %get3A_395 = tpu.vector_load %arg11[%get3A_394] {strides = array<i32>} : memref<37888xf32, #tpu.memory_space<vmem>>, vector<16xf32>,
        %scatter3A_396 = arith.constant 0 : i32
        %scatter3A_397 = arith.constant 0 : i32
        %scatter3A_398 = tpu.memref_slice %arg9[%and3A_218, %scatter3A_396, %scatter3A_397] : memref<4x64x128xf32, #tpu.memory_space<vmem>> -> memref<1x64x128xf32, #tpu.memory_space<vmem>>
        %scatter3A_399 = tpu.memref_squeeze %scatter3A_398 : memref<1x64x128xf32, #tpu.memory_space<vmem>> -> memref<64x128xf32, #tpu.memory_space<vmem>>
        tpu.vector_store_idx %scatter3A_399[%add3A_385, %add3A_389], %get3A_395 : memref<64x128xf32, #tpu.memory_space<vmem>>[vector<16xi32>, vector<16xi32>], vector<16xf32>,
        %add3A_400 = arith.constant 1 : i32
        %add3A_401 = arith.addi %while3A_327, %add3A_400 : i32
        scf.yield %add3A_401 : i32
      }
      %mul3A_253 = arith.constant 128 : i32
      %mul3A_254 = arith.muli %mul3A_216, %mul3A_253 : i32
      %add3A_255 = arith.addi %multiple_of3A, %mul3A_254 : i32
      %multiple_of3A_256 = tpu.assume_multiple %add3A_255, 128 : i32
      %dma_start3A_257 = arith.constant 0 : i32
      %dma_start3A_258 = arith.constant 0 : i32
      %dma_start3A_259 = tpu.memref_slice %arg9[%and3A_218, %dma_start3A_257, %dma_start3A_258] : memref<4x64x128xf32, #tpu.memory_space<vmem>> -> memref<1x64x128xf32, #tpu.memory_space<vmem>>
      %dma_start3A_260 = tpu.memref_squeeze %dma_start3A_259 : memref<1x64x128xf32, #tpu.memory_space<vmem>> -> memref<64x128xf32, #tpu.memory_space<vmem>>
      %dma_start3A_261 = arith.constant 0 : i32
      %dma_start3A_262 = tpu.memref_slice %arg5[%dma_start3A_261, %multiple_of3A_256] : memref<64x1000000xf32, #tpu.memory_space<hbm>> -> memref<64x128xf32, #tpu.memory_space<hbm>>
      %dma_start3A_263 = arith.constant 0 : i32
      %dma_start3A_264 = tpu.memref_slice %arg5[%dma_start3A_263, %multiple_of3A_256] : memref<64x1000000xf32, #tpu.memory_space<hbm>> -> memref<64x128xf32, #tpu.memory_space<hbm>>
      %dma_start3A_265 = arith.constant 0 : i32
      %dma_start3A_266 = arith.constant 0 : i32
      %dma_start3A_267 = tpu.memref_slice %arg9[%and3A_218, %dma_start3A_265, %dma_start3A_266] : memref<4x64x128xf32, #tpu.memory_space<vmem>> -> memref<1x64x128xf32, #tpu.memory_space<vmem>>
      %dma_start3A_268 = tpu.memref_squeeze %dma_start3A_267 : memref<1x64x128xf32, #tpu.memory_space<vmem>> -> memref<64x128xf32, #tpu.memory_space<vmem>>
      tpu.enqueue_dma source(%dma_start3A_268 : memref<64x128xf32, #tpu.memory_space<vmem>>) target(%dma_start3A_264 : memref<64x128xf32, #tpu.memory_space<hbm>>) target_semaphore(%arg15 : memref<!tpu.dma_semaphore, #tpu.memory_space<semaphore_mem>>)
      %mul3A_269 = arith.constant 2 : i32
      %mul3A_270 = arith.muli %while3A_213, %mul3A_269 : i32
      %add3A_271 = arith.constant 1 : i32
      %add3A_272 = arith.addi %mul3A_270, %add3A_271 : i32
      %and3A_273 = arith.constant 3 : i32
      %and3A_274 = arith.andi %add3A_272, %and3A_273 : i32
      %add3A_275 = arith.constant 2 : i32
      %add3A_276 = arith.addi %add3A_272, %add3A_275 : i32
      %and3A_277 = arith.constant 3 : i32
      %and3A_278 = arith.andi %add3A_276, %and3A_277 : i32
      %mul3A_279 = arith.constant 128 : i32
      %mul3A_280 = arith.muli %add3A_272, %mul3A_279 : i32
      %add3A_281 = arith.addi %multiple_of3A, %mul3A_280 : i32
      %multiple_of3A_282 = tpu.assume_multiple %add3A_281, 128 : i32
      %dma_wait3A_283 = arith.constant 0 : i32
      %dma_wait3A_284 = arith.constant 0 : i32
      %dma_wait3A_285 = tpu.memref_slice %arg9[%and3A_274, %dma_wait3A_283, %dma_wait3A_284] : memref<4x64x128xf32, #tpu.memory_space<vmem>> -> memref<1x64x128xf32, #tpu.memory_space<vmem>>
      %dma_wait3A_286 = tpu.memref_squeeze %dma_wait3A_285 : memref<1x64x128xf32, #tpu.memory_space<vmem>> -> memref<64x128xf32, #tpu.memory_space<vmem>>
      %dma_wait3A_287 = arith.constant 0 : i32
      %dma_wait3A_288 = tpu.memref_slice %arg2[%dma_wait3A_287, %multiple_of3A_282] : memref<64x1000000xf32, #tpu.memory_space<hbm>> -> memref<64x128xf32, #tpu.memory_space<hbm>>
      %dma_wait3A_289 = arith.constant 0 : i32
      %dma_wait3A_290 = arith.constant 0 : i32
      %dma_wait3A_291 = tpu.memref_slice %arg9[%and3A_274, %dma_wait3A_289, %dma_wait3A_290] : memref<4x64x128xf32, #tpu.memory_space<vmem>> -> memref<1x64x128xf32, #tpu.memory_space<vmem>>
      %dma_wait3A_292 = tpu.memref_squeeze %dma_wait3A_291 : memref<1x64x128xf32, #tpu.memory_space<vmem>> -> memref<64x128xf32, #tpu.memory_space<vmem>>
      %dma_wait3A_293 = arith.constant 0 : i32
      %dma_wait3A_294 = tpu.memref_slice %arg2[%dma_wait3A_293, %multiple_of3A_282] : memref<64x1000000xf32, #tpu.memory_space<hbm>> -> memref<64x128xf32, #tpu.memory_space<hbm>>
      tpu.wait_dma2 semaphore(%arg14 : memref<!tpu.dma_semaphore, #tpu.memory_space<semaphore_mem>>) src(%dma_wait3A_294 : memref<64x128xf32, #tpu.memory_space<hbm>>) dst(%dma_wait3A_292 : memref<64x128xf32, #tpu.memory_space<vmem>>)
      %ge3A_295 = arith.constant 2 : i32
      %ge3A_296 = arith.cmpi sge, %add3A_272, %ge3A_295 : i32
      %convert_element_type3A_297 = arith.extui %ge3A_296 : i1 to i32
      %cond3A_298 = arith.constant 0 : i32
      %cond3A_299 = arith.cmpi ne, %convert_element_type3A_297, %cond3A_298 : i32
      scf.if %cond3A_299 {
        %sub3A_327 = arith.constant 2 : i32
        %sub3A_328 = arith.subi %add3A_272, %sub3A_327 : i32
        %mul3A_329 = arith.constant 128 : i32
        %mul3A_330 = arith.muli %sub3A_328, %mul3A_329 : i32
        %add3A_331 = arith.addi %multiple_of3A, %mul3A_330 : i32
        %multiple_of3A_332 = tpu.assume_multiple %add3A_331, 128 : i32
        %dma_wait3A_333 = arith.constant 0 : i32
        %dma_wait3A_334 = arith.constant 0 : i32
        %dma_wait3A_335 = tpu.memref_slice %arg9[%and3A_278, %dma_wait3A_333, %dma_wait3A_334] : memref<4x64x128xf32, #tpu.memory_space<vmem>> -> memref<1x64x128xf32, #tpu.memory_space<vmem>>
        %dma_wait3A_336 = tpu.memref_squeeze %dma_wait3A_335 : memref<1x64x128xf32, #tpu.memory_space<vmem>> -> memref<64x128xf32, #tpu.memory_space<vmem>>
        %dma_wait3A_337 = arith.constant 0 : i32
        %dma_wait3A_338 = tpu.memref_slice %arg5[%dma_wait3A_337, %multiple_of3A_332] : memref<64x1000000xf32, #tpu.memory_space<hbm>> -> memref<64x128xf32, #tpu.memory_space<hbm>>
        %dma_wait3A_339 = arith.constant 0 : i32
        %dma_wait3A_340 = tpu.memref_slice %arg5[%dma_wait3A_339, %multiple_of3A_332] : memref<64x1000000xf32, #tpu.memory_space<hbm>> -> memref<64x128xf32, #tpu.memory_space<hbm>>
        %dma_wait3A_341 = arith.constant 0 : i32
        %dma_wait3A_342 = arith.constant 0 : i32
        %dma_wait3A_343 = tpu.memref_slice %arg9[%and3A_278, %dma_wait3A_341, %dma_wait3A_342] : memref<4x64x128xf32, #tpu.memory_space<vmem>> -> memref<1x64x128xf32, #tpu.memory_space<vmem>>
        %dma_wait3A_344 = tpu.memref_squeeze %dma_wait3A_343 : memref<1x64x128xf32, #tpu.memory_space<vmem>> -> memref<64x128xf32, #tpu.memory_space<vmem>>
        tpu.wait_dma2 semaphore(%arg16 : memref<!tpu.dma_semaphore, #tpu.memory_space<semaphore_mem>>) src(%dma_wait3A_344 : memref<64x128xf32, #tpu.memory_space<vmem>>) dst(%dma_wait3A_340 : memref<64x128xf32, #tpu.memory_space<hbm>>)
      } else {
      }
      %add3A_300 = arith.constant 2 : i32
      %add3A_301 = arith.addi %add3A_272, %add3A_300 : i32
      %lt3A_302 = arith.cmpi slt, %add3A_301, %select_n3A_7 : i32
      %convert_element_type3A_303 = arith.extui %lt3A_302 : i1 to i32
      %cond3A_304 = arith.constant 0 : i32
      %cond3A_305 = arith.cmpi ne, %convert_element_type3A_303, %cond3A_304 : i32
      scf.if %cond3A_305 {
        %add3A_327 = arith.constant 2 : i32
        %add3A_328 = arith.addi %add3A_272, %add3A_327 : i32
        %mul3A_329 = arith.constant 128 : i32
        %mul3A_330 = arith.muli %add3A_328, %mul3A_329 : i32
        %add3A_331 = arith.addi %multiple_of3A, %mul3A_330 : i32
        %multiple_of3A_332 = tpu.assume_multiple %add3A_331, 128 : i32
        %dma_start3A_333 = arith.constant 0 : i32
        %dma_start3A_334 = arith.constant 0 : i32
        %dma_start3A_335 = tpu.memref_slice %arg9[%and3A_278, %dma_start3A_333, %dma_start3A_334] : memref<4x64x128xf32, #tpu.memory_space<vmem>> -> memref<1x64x128xf32, #tpu.memory_space<vmem>>
        %dma_start3A_336 = tpu.memref_squeeze %dma_start3A_335 : memref<1x64x128xf32, #tpu.memory_space<vmem>> -> memref<64x128xf32, #tpu.memory_space<vmem>>
        %dma_start3A_337 = arith.constant 0 : i32
        %dma_start3A_338 = tpu.memref_slice %arg2[%dma_start3A_337, %multiple_of3A_332] : memref<64x1000000xf32, #tpu.memory_space<hbm>> -> memref<64x128xf32, #tpu.memory_space<hbm>>
        %dma_start3A_339 = arith.constant 0 : i32
        %dma_start3A_340 = arith.constant 0 : i32
        %dma_start3A_341 = tpu.memref_slice %arg9[%and3A_278, %dma_start3A_339, %dma_start3A_340] : memref<4x64x128xf32, #tpu.memory_space<vmem>> -> memref<1x64x128xf32, #tpu.memory_space<vmem>>
        %dma_start3A_342 = tpu.memref_squeeze %dma_start3A_341 : memref<1x64x128xf32, #tpu.memory_space<vmem>> -> memref<64x128xf32, #tpu.memory_space<vmem>>
        %dma_start3A_343 = arith.constant 0 : i32
        %dma_start3A_344 = tpu.memref_slice %arg2[%dma_start3A_343, %multiple_of3A_332] : memref<64x1000000xf32, #tpu.memory_space<hbm>> -> memref<64x128xf32, #tpu.memory_space<hbm>>
        tpu.enqueue_dma source(%dma_start3A_344 : memref<64x128xf32, #tpu.memory_space<hbm>>) target(%dma_start3A_342 : memref<64x128xf32, #tpu.memory_space<vmem>>) target_semaphore(%arg14 : memref<!tpu.dma_semaphore, #tpu.memory_space<semaphore_mem>>)
      } else {
      }
      %mul3A_306 = arith.constant 128 : i32
      %mul3A_307 = arith.muli %add3A_272, %mul3A_306 : i32
      %add3A_308 = arith.addi %multiple_of3A, %mul3A_307 : i32
      %multiple_of3A_309 = tpu.assume_multiple %add3A_308, 128 : i32
      %while3A_310 = scf.while (%while3A_327 = %while3A_252) : (i32) -> i32 {
        %get3A_328 = arith.index_cast %while3A_327 : i32 to index
        %get3A_329 = tpu.vector_load %arg8[%get3A_328] {strides = array<i32>} : memref<16400xi32, #tpu.memory_space<vmem>>, vector<16xi32>,
        %slice3A_330 = vector.extract_strided_slice %get3A_329 {offsets = [0], sizes = [1], strides = [1]} : vector<16xi32> to vector<1xi32>
        %squeeze3A_331 = vector.extract %slice3A_330[0] : i32 from vector<1xi32>
        %lt3A_332 = arith.cmpi slt, %while3A_327, %min3A_59 : i32
        %add3A_333 = arith.constant 128 : i32
        %add3A_334 = arith.addi %multiple_of3A_309, %add3A_333 : i32
        %lt3A_335 = arith.cmpi slt, %squeeze3A_331, %add3A_334 : i32
        %and3A_336 = arith.andi %lt3A_332, %lt3A_335 : i1
        scf.condition(%and3A_336) %while3A_327 : i32
      } do {
      ^bb0(%while3A_327: i32):
        %get3A_328 = arith.index_cast %while3A_327 : i32 to index
        %get3A_329 = tpu.vector_load %arg8[%get3A_328] {strides = array<i32>} : memref<16400xi32, #tpu.memory_space<vmem>>, vector<16xi32>,
        %slice3A_330 = vector.extract_strided_slice %get3A_329 {offsets = [0], sizes = [1], strides = [1]} : vector<16xi32> to vector<1xi32>
        %squeeze3A_331 = vector.extract %slice3A_330[0] : i32 from vector<1xi32>
        %sub3A_332 = arith.subi %squeeze3A_331, %multiple_of3A_309 : i32
        %add3A_333 = arith.constant 0 : i32
        %add3A_334 = vector.broadcast %add3A_333 : i32 to vector<16xi32>
        %add3A_335 = arith.addi %iota3A, %add3A_334 : vector<16xi32>
        %broadcast_in_dim3A_336 = arith.constant 0 : i32
        %broadcast_in_dim3A_337 = vector.broadcast %broadcast_in_dim3A_336 : i32 to vector<16xi32>
        %add3A_338 = vector.broadcast %sub3A_332 : i32 to vector<16xi32>
        %add3A_339 = arith.addi %broadcast_in_dim3A_337, %add3A_338 : vector<16xi32>
        %mul3A_340 = arith.constant 64 : i32
        %mul3A_341 = arith.muli %while3A_327, %mul3A_340 : i32
        %add3A_342 = arith.constant 0 : i32
        %add3A_343 = arith.addi %mul3A_341, %add3A_342 : i32
        %get3A_344 = arith.index_cast %add3A_343 : i32 to index
        %get3A_345 = tpu.vector_load %arg11[%get3A_344] {strides = array<i32>} : memref<37888xf32, #tpu.memory_space<vmem>>, vector<16xf32>,
        %scatter3A = arith.constant 0 : i32
        %scatter3A_346 = arith.constant 0 : i32
        %scatter3A_347 = tpu.memref_slice %arg9[%and3A_274, %scatter3A, %scatter3A_346] : memref<4x64x128xf32, #tpu.memory_space<vmem>> -> memref<1x64x128xf32, #tpu.memory_space<vmem>>
        %scatter3A_348 = tpu.memref_squeeze %scatter3A_347 : memref<1x64x128xf32, #tpu.memory_space<vmem>> -> memref<64x128xf32, #tpu.memory_space<vmem>>
        tpu.vector_store_idx %scatter3A_348[%add3A_335, %add3A_339], %get3A_345 : memref<64x128xf32, #tpu.memory_space<vmem>>[vector<16xi32>, vector<16xi32>], vector<16xf32>,
        %add3A_349 = arith.constant 16 : i32
        %add3A_350 = vector.broadcast %add3A_349 : i32 to vector<16xi32>
        %add3A_351 = arith.addi %iota3A, %add3A_350 : vector<16xi32>
        %broadcast_in_dim3A_352 = arith.constant 0 : i32
        %broadcast_in_dim3A_353 = vector.broadcast %broadcast_in_dim3A_352 : i32 to vector<16xi32>
        %add3A_354 = vector.broadcast %sub3A_332 : i32 to vector<16xi32>
        %add3A_355 = arith.addi %broadcast_in_dim3A_353, %add3A_354 : vector<16xi32>
        %mul3A_356 = arith.constant 64 : i32
        %mul3A_357 = arith.muli %while3A_327, %mul3A_356 : i32
        %add3A_358 = arith.constant 16 : i32
        %add3A_359 = arith.addi %mul3A_357, %add3A_358 : i32
        %get3A_360 = arith.index_cast %add3A_359 : i32 to index
        %get3A_361 = tpu.vector_load %arg11[%get3A_360] {strides = array<i32>} : memref<37888xf32, #tpu.memory_space<vmem>>, vector<16xf32>,
        %scatter3A_362 = arith.constant 0 : i32
        %scatter3A_363 = arith.constant 0 : i32
        %scatter3A_364 = tpu.memref_slice %arg9[%and3A_274, %scatter3A_362, %scatter3A_363] : memref<4x64x128xf32, #tpu.memory_space<vmem>> -> memref<1x64x128xf32, #tpu.memory_space<vmem>>
        %scatter3A_365 = tpu.memref_squeeze %scatter3A_364 : memref<1x64x128xf32, #tpu.memory_space<vmem>> -> memref<64x128xf32, #tpu.memory_space<vmem>>
        tpu.vector_store_idx %scatter3A_365[%add3A_351, %add3A_355], %get3A_361 : memref<64x128xf32, #tpu.memory_space<vmem>>[vector<16xi32>, vector<16xi32>], vector<16xf32>,
        %add3A_366 = arith.constant 32 : i32
        %add3A_367 = vector.broadcast %add3A_366 : i32 to vector<16xi32>
        %add3A_368 = arith.addi %iota3A, %add3A_367 : vector<16xi32>
        %broadcast_in_dim3A_369 = arith.constant 0 : i32
        %broadcast_in_dim3A_370 = vector.broadcast %broadcast_in_dim3A_369 : i32 to vector<16xi32>
        %add3A_371 = vector.broadcast %sub3A_332 : i32 to vector<16xi32>
        %add3A_372 = arith.addi %broadcast_in_dim3A_370, %add3A_371 : vector<16xi32>
        %mul3A_373 = arith.constant 64 : i32
        %mul3A_374 = arith.muli %while3A_327, %mul3A_373 : i32
        %add3A_375 = arith.constant 32 : i32
        %add3A_376 = arith.addi %mul3A_374, %add3A_375 : i32
        %get3A_377 = arith.index_cast %add3A_376 : i32 to index
        %get3A_378 = tpu.vector_load %arg11[%get3A_377] {strides = array<i32>} : memref<37888xf32, #tpu.memory_space<vmem>>, vector<16xf32>,
        %scatter3A_379 = arith.constant 0 : i32
        %scatter3A_380 = arith.constant 0 : i32
        %scatter3A_381 = tpu.memref_slice %arg9[%and3A_274, %scatter3A_379, %scatter3A_380] : memref<4x64x128xf32, #tpu.memory_space<vmem>> -> memref<1x64x128xf32, #tpu.memory_space<vmem>>
        %scatter3A_382 = tpu.memref_squeeze %scatter3A_381 : memref<1x64x128xf32, #tpu.memory_space<vmem>> -> memref<64x128xf32, #tpu.memory_space<vmem>>
        tpu.vector_store_idx %scatter3A_382[%add3A_368, %add3A_372], %get3A_378 : memref<64x128xf32, #tpu.memory_space<vmem>>[vector<16xi32>, vector<16xi32>], vector<16xf32>,
        %add3A_383 = arith.constant 48 : i32
        %add3A_384 = vector.broadcast %add3A_383 : i32 to vector<16xi32>
        %add3A_385 = arith.addi %iota3A, %add3A_384 : vector<16xi32>
        %broadcast_in_dim3A_386 = arith.constant 0 : i32
        %broadcast_in_dim3A_387 = vector.broadcast %broadcast_in_dim3A_386 : i32 to vector<16xi32>
        %add3A_388 = vector.broadcast %sub3A_332 : i32 to vector<16xi32>
        %add3A_389 = arith.addi %broadcast_in_dim3A_387, %add3A_388 : vector<16xi32>
        %mul3A_390 = arith.constant 64 : i32
        %mul3A_391 = arith.muli %while3A_327, %mul3A_390 : i32
        %add3A_392 = arith.constant 48 : i32
        %add3A_393 = arith.addi %mul3A_391, %add3A_392 : i32
        %get3A_394 = arith.index_cast %add3A_393 : i32 to index
        %get3A_395 = tpu.vector_load %arg11[%get3A_394] {strides = array<i32>} : memref<37888xf32, #tpu.memory_space<vmem>>, vector<16xf32>,
        %scatter3A_396 = arith.constant 0 : i32
        %scatter3A_397 = arith.constant 0 : i32
        %scatter3A_398 = tpu.memref_slice %arg9[%and3A_274, %scatter3A_396, %scatter3A_397] : memref<4x64x128xf32, #tpu.memory_space<vmem>> -> memref<1x64x128xf32, #tpu.memory_space<vmem>>
        %scatter3A_399 = tpu.memref_squeeze %scatter3A_398 : memref<1x64x128xf32, #tpu.memory_space<vmem>> -> memref<64x128xf32, #tpu.memory_space<vmem>>
        tpu.vector_store_idx %scatter3A_399[%add3A_385, %add3A_389], %get3A_395 : memref<64x128xf32, #tpu.memory_space<vmem>>[vector<16xi32>, vector<16xi32>], vector<16xf32>,
        %add3A_400 = arith.constant 1 : i32
        %add3A_401 = arith.addi %while3A_327, %add3A_400 : i32
        scf.yield %add3A_401 : i32
      }
      %mul3A_311 = arith.constant 128 : i32
      %mul3A_312 = arith.muli %add3A_272, %mul3A_311 : i32
      %add3A_313 = arith.addi %multiple_of3A, %mul3A_312 : i32
      %multiple_of3A_314 = tpu.assume_multiple %add3A_313, 128 : i32
      %dma_start3A_315 = arith.constant 0 : i32
      %dma_start3A_316 = arith.constant 0 : i32
      %dma_start3A_317 = tpu.memref_slice %arg9[%and3A_274, %dma_start3A_315, %dma_start3A_316] : memref<4x64x128xf32, #tpu.memory_space<vmem>> -> memref<1x64x128xf32, #tpu.memory_space<vmem>>
      %dma_start3A_318 = tpu.memref_squeeze %dma_start3A_317 : memref<1x64x128xf32, #tpu.memory_space<vmem>> -> memref<64x128xf32, #tpu.memory_space<vmem>>
      %dma_start3A_319 = arith.constant 0 : i32
      %dma_start3A_320 = tpu.memref_slice %arg5[%dma_start3A_319, %multiple_of3A_314] : memref<64x1000000xf32, #tpu.memory_space<hbm>> -> memref<64x128xf32, #tpu.memory_space<hbm>>
      %dma_start3A_321 = arith.constant 0 : i32
      %dma_start3A_322 = tpu.memref_slice %arg5[%dma_start3A_321, %multiple_of3A_314] : memref<64x1000000xf32, #tpu.memory_space<hbm>> -> memref<64x128xf32, #tpu.memory_space<hbm>>
      %dma_start3A_323 = arith.constant 0 : i32
      %dma_start3A_324 = arith.constant 0 : i32
      %dma_start3A_325 = tpu.memref_slice %arg9[%and3A_274, %dma_start3A_323, %dma_start3A_324] : memref<4x64x128xf32, #tpu.memory_space<vmem>> -> memref<1x64x128xf32, #tpu.memory_space<vmem>>
      %dma_start3A_326 = tpu.memref_squeeze %dma_start3A_325 : memref<1x64x128xf32, #tpu.memory_space<vmem>> -> memref<64x128xf32, #tpu.memory_space<vmem>>
      tpu.enqueue_dma source(%dma_start3A_326 : memref<64x128xf32, #tpu.memory_space<vmem>>) target(%dma_start3A_322 : memref<64x128xf32, #tpu.memory_space<hbm>>) target_semaphore(%arg16 : memref<!tpu.dma_semaphore, #tpu.memory_space<semaphore_mem>>)
      scf.yield %while3A_310 : i32
    }
    %sub3A_161 = arith.constant 2 : i32
    %sub3A_162 = arith.subi %select_n3A_7, %sub3A_161 : i32
    %and3A_163 = arith.constant 3 : i32
    %and3A_164 = arith.andi %sub3A_162, %and3A_163 : i32
    %sub3A_165 = arith.constant 2 : i32
    %sub3A_166 = arith.subi %select_n3A_7, %sub3A_165 : i32
    %mul3A_167 = arith.constant 128 : i32
    %mul3A_168 = arith.muli %sub3A_166, %mul3A_167 : i32
    %add3A_169 = arith.addi %multiple_of3A, %mul3A_168 : i32
    %multiple_of3A_170 = tpu.assume_multiple %add3A_169, 128 : i32
    %dma_wait3A = arith.constant 0 : i32
    %dma_wait3A_171 = arith.constant 0 : i32
    %dma_wait3A_172 = tpu.memref_slice %arg9[%and3A_164, %dma_wait3A, %dma_wait3A_171] : memref<4x64x128xf32, #tpu.memory_space<vmem>> -> memref<1x64x128xf32, #tpu.memory_space<vmem>>
    %dma_wait3A_173 = tpu.memref_squeeze %dma_wait3A_172 : memref<1x64x128xf32, #tpu.memory_space<vmem>> -> memref<64x128xf32, #tpu.memory_space<vmem>>
    %dma_wait3A_174 = arith.constant 0 : i32
    %dma_wait3A_175 = tpu.memref_slice %arg5[%dma_wait3A_174, %multiple_of3A_170] : memref<64x1000000xf32, #tpu.memory_space<hbm>> -> memref<64x128xf32, #tpu.memory_space<hbm>>
    %dma_wait3A_176 = arith.constant 0 : i32
    %dma_wait3A_177 = tpu.memref_slice %arg5[%dma_wait3A_176, %multiple_of3A_170] : memref<64x1000000xf32, #tpu.memory_space<hbm>> -> memref<64x128xf32, #tpu.memory_space<hbm>>
    %dma_wait3A_178 = arith.constant 0 : i32
    %dma_wait3A_179 = arith.constant 0 : i32
    %dma_wait3A_180 = tpu.memref_slice %arg9[%and3A_164, %dma_wait3A_178, %dma_wait3A_179] : memref<4x64x128xf32, #tpu.memory_space<vmem>> -> memref<1x64x128xf32, #tpu.memory_space<vmem>>
    %dma_wait3A_181 = tpu.memref_squeeze %dma_wait3A_180 : memref<1x64x128xf32, #tpu.memory_space<vmem>> -> memref<64x128xf32, #tpu.memory_space<vmem>>
    tpu.wait_dma2 semaphore(%arg15 : memref<!tpu.dma_semaphore, #tpu.memory_space<semaphore_mem>>) src(%dma_wait3A_181 : memref<64x128xf32, #tpu.memory_space<vmem>>) dst(%dma_wait3A_177 : memref<64x128xf32, #tpu.memory_space<hbm>>)
    %sub3A_182 = arith.constant 1 : i32
    %sub3A_183 = arith.subi %select_n3A_7, %sub3A_182 : i32
    %and3A_184 = arith.constant 3 : i32
    %and3A_185 = arith.andi %sub3A_183, %and3A_184 : i32
    %sub3A_186 = arith.constant 1 : i32
    %sub3A_187 = arith.subi %select_n3A_7, %sub3A_186 : i32
    %mul3A_188 = arith.constant 128 : i32
    %mul3A_189 = arith.muli %sub3A_187, %mul3A_188 : i32
    %add3A_190 = arith.addi %multiple_of3A, %mul3A_189 : i32
    %multiple_of3A_191 = tpu.assume_multiple %add3A_190, 128 : i32
    %dma_wait3A_192 = arith.constant 0 : i32
    %dma_wait3A_193 = arith.constant 0 : i32
    %dma_wait3A_194 = tpu.memref_slice %arg9[%and3A_185, %dma_wait3A_192, %dma_wait3A_193] : memref<4x64x128xf32, #tpu.memory_space<vmem>> -> memref<1x64x128xf32, #tpu.memory_space<vmem>>
    %dma_wait3A_195 = tpu.memref_squeeze %dma_wait3A_194 : memref<1x64x128xf32, #tpu.memory_space<vmem>> -> memref<64x128xf32, #tpu.memory_space<vmem>>
    %dma_wait3A_196 = arith.constant 0 : i32
    %dma_wait3A_197 = tpu.memref_slice %arg5[%dma_wait3A_196, %multiple_of3A_191] : memref<64x1000000xf32, #tpu.memory_space<hbm>> -> memref<64x128xf32, #tpu.memory_space<hbm>>
    %dma_wait3A_198 = arith.constant 0 : i32
    %dma_wait3A_199 = tpu.memref_slice %arg5[%dma_wait3A_198, %multiple_of3A_191] : memref<64x1000000xf32, #tpu.memory_space<hbm>> -> memref<64x128xf32, #tpu.memory_space<hbm>>
    %dma_wait3A_200 = arith.constant 0 : i32
    %dma_wait3A_201 = arith.constant 0 : i32
    %dma_wait3A_202 = tpu.memref_slice %arg9[%and3A_185, %dma_wait3A_200, %dma_wait3A_201] : memref<4x64x128xf32, #tpu.memory_space<vmem>> -> memref<1x64x128xf32, #tpu.memory_space<vmem>>
    %dma_wait3A_203 = tpu.memref_squeeze %dma_wait3A_202 : memref<1x64x128xf32, #tpu.memory_space<vmem>> -> memref<64x128xf32, #tpu.memory_space<vmem>>
    tpu.wait_dma2 semaphore(%arg16 : memref<!tpu.dma_semaphore, #tpu.memory_space<semaphore_mem>>) src(%dma_wait3A_203 : memref<64x128xf32, #tpu.memory_space<vmem>>) dst(%dma_wait3A_199 : memref<64x128xf32, #tpu.memory_space<hbm>>)
    %max3A = arith.maxsi %add3A_57, %while3A_160 : i32
    %while3A_204 = arith.constant 0 : i32
    %while3A_205 = arith.subi %max3A, %while3A_160 : i32
    %while3A_206 = arith.addi %while3A_160, %while3A_205 : i32
    %while3A_207 = arith.constant 1 : i32
    %while3A_208 = arith.divsi %while3A_205, %while3A_207 : i32
    %while3A_209 = arith.muli %while3A_208, %while3A_207 : i32
    %while3A_210 = arith.addi %while3A_160, %while3A_209 : i32
    %while3A_211 = arith.constant 1 : i32
    scf.for %while3A_213 = %while3A_160 to %while3A_210 step %while3A_211  : i32 {
      %get3A_214 = arith.index_cast %while3A_213 : i32 to index
      %get3A_215 = tpu.vector_load %arg8[%get3A_214] {strides = array<i32>} : memref<16400xi32, #tpu.memory_space<vmem>>, vector<16xi32>,
      %slice3A_216 = vector.extract_strided_slice %get3A_215 {offsets = [0], sizes = [1], strides = [1]} : vector<16xi32> to vector<1xi32>
      %squeeze3A_217 = vector.extract %slice3A_216[0] : i32 from vector<1xi32>
      %sub3A_218 = arith.subi %squeeze3A_217, %multiple_of3A : i32
      %get3A_219 = arith.index_cast %sub3A_218 : i32 to index
      %get3A_220 = tpu.vector_load %arg7[%get3A_219] {strides = array<i32>} : memref<31760xi32, #tpu.memory_space<vmem>>, vector<16xi32>,
      %slice3A_221 = vector.extract_strided_slice %get3A_220 {offsets = [0], sizes = [1], strides = [1]} : vector<16xi32> to vector<1xi32>
      %squeeze3A_222 = vector.extract %slice3A_221[0] : i32 from vector<1xi32>
      %shift_right_arithmetic3A = arith.constant 7 : i32
      %shift_right_arithmetic3A_223 = arith.shrsi %squeeze3A_217, %shift_right_arithmetic3A : i32
      %mul3A_224 = arith.constant 128 : i32
      %mul3A_225 = arith.muli %shift_right_arithmetic3A_223, %mul3A_224 : i32
      %multiple_of3A_226 = tpu.assume_multiple %mul3A_225, 128 : i32
      %mul3A_227 = arith.constant 64 : i32
      %mul3A_228 = arith.muli %squeeze3A_222, %mul3A_227 : i32
      "tpu.region"() ({
        %run_scoped3A = tpu.sem_alloc : memref<!tpu.dma_semaphore, #tpu.memory_space<semaphore_mem>>
        %dma_start3A_286 = arith.constant 36864 : i32
        %dma_start3A_287 = tpu.memref_slice %arg11[%dma_start3A_286] : memref<37888xf32, #tpu.memory_space<vmem>> -> memref<64xf32, #tpu.memory_space<vmem>>
        %dma_start3A_288 = tpu.memref_slice %arg4[%mul3A_228] : memref<1048576xf32, #tpu.memory_space<hbm>> -> memref<64xf32, #tpu.memory_space<hbm>>
        %dma_start3A_289 = arith.constant 36864 : i32
        %dma_start3A_290 = tpu.memref_slice %arg11[%dma_start3A_289] : memref<37888xf32, #tpu.memory_space<vmem>> -> memref<64xf32, #tpu.memory_space<vmem>>
        %dma_start3A_291 = tpu.memref_slice %arg4[%mul3A_228] : memref<1048576xf32, #tpu.memory_space<hbm>> -> memref<64xf32, #tpu.memory_space<hbm>>
        tpu.enqueue_dma source(%dma_start3A_291 : memref<64xf32, #tpu.memory_space<hbm>>) target(%dma_start3A_290 : memref<64xf32, #tpu.memory_space<vmem>>) target_semaphore(%run_scoped3A : memref<!tpu.dma_semaphore, #tpu.memory_space<semaphore_mem>>)
        %dma_wait3A_292 = arith.constant 36864 : i32
        %dma_wait3A_293 = tpu.memref_slice %arg11[%dma_wait3A_292] : memref<37888xf32, #tpu.memory_space<vmem>> -> memref<64xf32, #tpu.memory_space<vmem>>
        %dma_wait3A_294 = tpu.memref_slice %arg4[%mul3A_228] : memref<1048576xf32, #tpu.memory_space<hbm>> -> memref<64xf32, #tpu.memory_space<hbm>>
        %dma_wait3A_295 = arith.constant 36864 : i32
        %dma_wait3A_296 = tpu.memref_slice %arg11[%dma_wait3A_295] : memref<37888xf32, #tpu.memory_space<vmem>> -> memref<64xf32, #tpu.memory_space<vmem>>
        %dma_wait3A_297 = tpu.memref_slice %arg4[%mul3A_228] : memref<1048576xf32, #tpu.memory_space<hbm>> -> memref<64xf32, #tpu.memory_space<hbm>>
        tpu.wait_dma2 semaphore(%run_scoped3A : memref<!tpu.dma_semaphore, #tpu.memory_space<semaphore_mem>>) src(%dma_wait3A_297 : memref<64xf32, #tpu.memory_space<hbm>>) dst(%dma_wait3A_296 : memref<64xf32, #tpu.memory_space<vmem>>)
        tpu.yield
      }) : () -> ()
      "tpu.region"() ({
        %run_scoped3A = tpu.sem_alloc : memref<!tpu.dma_semaphore, #tpu.memory_space<semaphore_mem>>
        %dma_start3A_286 = arith.constant 0 : i32
        %dma_start3A_287 = tpu.memref_slice %arg5[%dma_start3A_286, %multiple_of3A_226] : memref<64x1000000xf32, #tpu.memory_space<hbm>> -> memref<64x128xf32, #tpu.memory_space<hbm>>
        %dma_start3A_288 = arith.constant 0 : i32
        %dma_start3A_289 = tpu.memref_slice %arg5[%dma_start3A_288, %multiple_of3A_226] : memref<64x1000000xf32, #tpu.memory_space<hbm>> -> memref<64x128xf32, #tpu.memory_space<hbm>>
        tpu.enqueue_dma source(%dma_start3A_289 : memref<64x128xf32, #tpu.memory_space<hbm>>) target(%arg10 : memref<64x128xf32, #tpu.memory_space<vmem>>) target_semaphore(%run_scoped3A : memref<!tpu.dma_semaphore, #tpu.memory_space<semaphore_mem>>)
        %dma_wait3A_290 = arith.constant 0 : i32
        %dma_wait3A_291 = tpu.memref_slice %arg5[%dma_wait3A_290, %multiple_of3A_226] : memref<64x1000000xf32, #tpu.memory_space<hbm>> -> memref<64x128xf32, #tpu.memory_space<hbm>>
        %dma_wait3A_292 = arith.constant 0 : i32
        %dma_wait3A_293 = tpu.memref_slice %arg5[%dma_wait3A_292, %multiple_of3A_226] : memref<64x1000000xf32, #tpu.memory_space<hbm>> -> memref<64x128xf32, #tpu.memory_space<hbm>>
        tpu.wait_dma2 semaphore(%run_scoped3A : memref<!tpu.dma_semaphore, #tpu.memory_space<semaphore_mem>>) src(%dma_wait3A_293 : memref<64x128xf32, #tpu.memory_space<hbm>>) dst(%arg10 : memref<64x128xf32, #tpu.memory_space<vmem>>)
        tpu.yield
      }) : () -> ()
      %sub3A_229 = arith.subi %squeeze3A_217, %multiple_of3A_226 : i32
      %add3A_230 = arith.constant 0 : i32
      %add3A_231 = vector.broadcast %add3A_230 : i32 to vector<16xi32>
      %add3A_232 = arith.addi %iota3A, %add3A_231 : vector<16xi32>
      %broadcast_in_dim3A_233 = arith.constant 0 : i32
      %broadcast_in_dim3A_234 = vector.broadcast %broadcast_in_dim3A_233 : i32 to vector<16xi32>
      %add3A_235 = vector.broadcast %sub3A_229 : i32 to vector<16xi32>
      %add3A_236 = arith.addi %broadcast_in_dim3A_234, %add3A_235 : vector<16xi32>
      %mul3A_237 = arith.constant 576 : i32
      %mul3A_238 = arith.constant 64 : i32
      %mul3A_239 = arith.muli %mul3A_237, %mul3A_238 : i32
      %add3A_240 = arith.constant 0 : i32
      %add3A_241 = arith.addi %mul3A_239, %add3A_240 : i32
      %get3A_242 = arith.index_cast %add3A_241 : i32 to index
      %get3A_243 = tpu.vector_load %arg11[%get3A_242] {strides = array<i32>} : memref<37888xf32, #tpu.memory_space<vmem>>, vector<16xf32>,
      tpu.vector_store_idx %arg10[%add3A_232, %add3A_236], %get3A_243 : memref<64x128xf32, #tpu.memory_space<vmem>>[vector<16xi32>, vector<16xi32>], vector<16xf32>,
      %add3A_244 = arith.constant 16 : i32
      %add3A_245 = vector.broadcast %add3A_244 : i32 to vector<16xi32>
      %add3A_246 = arith.addi %iota3A, %add3A_245 : vector<16xi32>
      %broadcast_in_dim3A_247 = arith.constant 0 : i32
      %broadcast_in_dim3A_248 = vector.broadcast %broadcast_in_dim3A_247 : i32 to vector<16xi32>
      %add3A_249 = vector.broadcast %sub3A_229 : i32 to vector<16xi32>
      %add3A_250 = arith.addi %broadcast_in_dim3A_248, %add3A_249 : vector<16xi32>
      %mul3A_251 = arith.constant 576 : i32
      %mul3A_252 = arith.constant 64 : i32
      %mul3A_253 = arith.muli %mul3A_251, %mul3A_252 : i32
      %add3A_254 = arith.constant 16 : i32
      %add3A_255 = arith.addi %mul3A_253, %add3A_254 : i32
      %get3A_256 = arith.index_cast %add3A_255 : i32 to index
      %get3A_257 = tpu.vector_load %arg11[%get3A_256] {strides = array<i32>} : memref<37888xf32, #tpu.memory_space<vmem>>, vector<16xf32>,
      tpu.vector_store_idx %arg10[%add3A_246, %add3A_250], %get3A_257 : memref<64x128xf32, #tpu.memory_space<vmem>>[vector<16xi32>, vector<16xi32>], vector<16xf32>,
      %add3A_258 = arith.constant 32 : i32
      %add3A_259 = vector.broadcast %add3A_258 : i32 to vector<16xi32>
      %add3A_260 = arith.addi %iota3A, %add3A_259 : vector<16xi32>
      %broadcast_in_dim3A_261 = arith.constant 0 : i32
      %broadcast_in_dim3A_262 = vector.broadcast %broadcast_in_dim3A_261 : i32 to vector<16xi32>
      %add3A_263 = vector.broadcast %sub3A_229 : i32 to vector<16xi32>
      %add3A_264 = arith.addi %broadcast_in_dim3A_262, %add3A_263 : vector<16xi32>
      %mul3A_265 = arith.constant 576 : i32
      %mul3A_266 = arith.constant 64 : i32
      %mul3A_267 = arith.muli %mul3A_265, %mul3A_266 : i32
      %add3A_268 = arith.constant 32 : i32
      %add3A_269 = arith.addi %mul3A_267, %add3A_268 : i32
      %get3A_270 = arith.index_cast %add3A_269 : i32 to index
      %get3A_271 = tpu.vector_load %arg11[%get3A_270] {strides = array<i32>} : memref<37888xf32, #tpu.memory_space<vmem>>, vector<16xf32>,
      tpu.vector_store_idx %arg10[%add3A_260, %add3A_264], %get3A_271 : memref<64x128xf32, #tpu.memory_space<vmem>>[vector<16xi32>, vector<16xi32>], vector<16xf32>,
      %add3A_272 = arith.constant 48 : i32
      %add3A_273 = vector.broadcast %add3A_272 : i32 to vector<16xi32>
      %add3A_274 = arith.addi %iota3A, %add3A_273 : vector<16xi32>
      %broadcast_in_dim3A_275 = arith.constant 0 : i32
      %broadcast_in_dim3A_276 = vector.broadcast %broadcast_in_dim3A_275 : i32 to vector<16xi32>
      %add3A_277 = vector.broadcast %sub3A_229 : i32 to vector<16xi32>
      %add3A_278 = arith.addi %broadcast_in_dim3A_276, %add3A_277 : vector<16xi32>
      %mul3A_279 = arith.constant 576 : i32
      %mul3A_280 = arith.constant 64 : i32
      %mul3A_281 = arith.muli %mul3A_279, %mul3A_280 : i32
      %add3A_282 = arith.constant 48 : i32
      %add3A_283 = arith.addi %mul3A_281, %add3A_282 : i32
      %get3A_284 = arith.index_cast %add3A_283 : i32 to index
      %get3A_285 = tpu.vector_load %arg11[%get3A_284] {strides = array<i32>} : memref<37888xf32, #tpu.memory_space<vmem>>, vector<16xf32>,
      tpu.vector_store_idx %arg10[%add3A_274, %add3A_278], %get3A_285 : memref<64x128xf32, #tpu.memory_space<vmem>>[vector<16xi32>, vector<16xi32>], vector<16xf32>,
      "tpu.region"() ({
        %run_scoped3A = tpu.sem_alloc : memref<!tpu.dma_semaphore, #tpu.memory_space<semaphore_mem>>
        %dma_start3A_286 = arith.constant 0 : i32
        %dma_start3A_287 = tpu.memref_slice %arg5[%dma_start3A_286, %multiple_of3A_226] : memref<64x1000000xf32, #tpu.memory_space<hbm>> -> memref<64x128xf32, #tpu.memory_space<hbm>>
        %dma_start3A_288 = arith.constant 0 : i32
        %dma_start3A_289 = tpu.memref_slice %arg5[%dma_start3A_288, %multiple_of3A_226] : memref<64x1000000xf32, #tpu.memory_space<hbm>> -> memref<64x128xf32, #tpu.memory_space<hbm>>
        tpu.enqueue_dma source(%arg10 : memref<64x128xf32, #tpu.memory_space<vmem>>) target(%dma_start3A_289 : memref<64x128xf32, #tpu.memory_space<hbm>>) target_semaphore(%run_scoped3A : memref<!tpu.dma_semaphore, #tpu.memory_space<semaphore_mem>>)
        %dma_wait3A_290 = arith.constant 0 : i32
        %dma_wait3A_291 = tpu.memref_slice %arg5[%dma_wait3A_290, %multiple_of3A_226] : memref<64x1000000xf32, #tpu.memory_space<hbm>> -> memref<64x128xf32, #tpu.memory_space<hbm>>
        %dma_wait3A_292 = arith.constant 0 : i32
        %dma_wait3A_293 = tpu.memref_slice %arg5[%dma_wait3A_292, %multiple_of3A_226] : memref<64x1000000xf32, #tpu.memory_space<hbm>> -> memref<64x128xf32, #tpu.memory_space<hbm>>
        tpu.wait_dma2 semaphore(%run_scoped3A : memref<!tpu.dma_semaphore, #tpu.memory_space<semaphore_mem>>) src(%arg10 : memref<64x128xf32, #tpu.memory_space<vmem>>) dst(%dma_wait3A_293 : memref<64x128xf32, #tpu.memory_space<hbm>>)
        tpu.yield
      }) : () -> ()
    }
    %while3A_212 = arith.constant 1 : i32
    scf.for %while3A_213 = %while3A_210 to %while3A_206 step %while3A_212  : i32 {
      %get3A_214 = arith.index_cast %while3A_213 : i32 to index
      %get3A_215 = tpu.vector_load %arg8[%get3A_214] {strides = array<i32>} : memref<16400xi32, #tpu.memory_space<vmem>>, vector<16xi32>,
      %slice3A_216 = vector.extract_strided_slice %get3A_215 {offsets = [0], sizes = [1], strides = [1]} : vector<16xi32> to vector<1xi32>
      %squeeze3A_217 = vector.extract %slice3A_216[0] : i32 from vector<1xi32>
      %sub3A_218 = arith.subi %squeeze3A_217, %multiple_of3A : i32
      %get3A_219 = arith.index_cast %sub3A_218 : i32 to index
      %get3A_220 = tpu.vector_load %arg7[%get3A_219] {strides = array<i32>} : memref<31760xi32, #tpu.memory_space<vmem>>, vector<16xi32>,
      %slice3A_221 = vector.extract_strided_slice %get3A_220 {offsets = [0], sizes = [1], strides = [1]} : vector<16xi32> to vector<1xi32>
      %squeeze3A_222 = vector.extract %slice3A_221[0] : i32 from vector<1xi32>
      %shift_right_arithmetic3A = arith.constant 7 : i32
      %shift_right_arithmetic3A_223 = arith.shrsi %squeeze3A_217, %shift_right_arithmetic3A : i32
      %mul3A_224 = arith.constant 128 : i32
      %mul3A_225 = arith.muli %shift_right_arithmetic3A_223, %mul3A_224 : i32
      %multiple_of3A_226 = tpu.assume_multiple %mul3A_225, 128 : i32
      %mul3A_227 = arith.constant 64 : i32
      %mul3A_228 = arith.muli %squeeze3A_222, %mul3A_227 : i32
      "tpu.region"() ({
        %run_scoped3A = tpu.sem_alloc : memref<!tpu.dma_semaphore, #tpu.memory_space<semaphore_mem>>
        %dma_start3A_286 = arith.constant 36864 : i32
        %dma_start3A_287 = tpu.memref_slice %arg11[%dma_start3A_286] : memref<37888xf32, #tpu.memory_space<vmem>> -> memref<64xf32, #tpu.memory_space<vmem>>
        %dma_start3A_288 = tpu.memref_slice %arg4[%mul3A_228] : memref<1048576xf32, #tpu.memory_space<hbm>> -> memref<64xf32, #tpu.memory_space<hbm>>
        %dma_start3A_289 = arith.constant 36864 : i32
        %dma_start3A_290 = tpu.memref_slice %arg11[%dma_start3A_289] : memref<37888xf32, #tpu.memory_space<vmem>> -> memref<64xf32, #tpu.memory_space<vmem>>
        %dma_start3A_291 = tpu.memref_slice %arg4[%mul3A_228] : memref<1048576xf32, #tpu.memory_space<hbm>> -> memref<64xf32, #tpu.memory_space<hbm>>
        tpu.enqueue_dma source(%dma_start3A_291 : memref<64xf32, #tpu.memory_space<hbm>>) target(%dma_start3A_290 : memref<64xf32, #tpu.memory_space<vmem>>) target_semaphore(%run_scoped3A : memref<!tpu.dma_semaphore, #tpu.memory_space<semaphore_mem>>)
        %dma_wait3A_292 = arith.constant 36864 : i32
        %dma_wait3A_293 = tpu.memref_slice %arg11[%dma_wait3A_292] : memref<37888xf32, #tpu.memory_space<vmem>> -> memref<64xf32, #tpu.memory_space<vmem>>
        %dma_wait3A_294 = tpu.memref_slice %arg4[%mul3A_228] : memref<1048576xf32, #tpu.memory_space<hbm>> -> memref<64xf32, #tpu.memory_space<hbm>>
        %dma_wait3A_295 = arith.constant 36864 : i32
        %dma_wait3A_296 = tpu.memref_slice %arg11[%dma_wait3A_295] : memref<37888xf32, #tpu.memory_space<vmem>> -> memref<64xf32, #tpu.memory_space<vmem>>
        %dma_wait3A_297 = tpu.memref_slice %arg4[%mul3A_228] : memref<1048576xf32, #tpu.memory_space<hbm>> -> memref<64xf32, #tpu.memory_space<hbm>>
        tpu.wait_dma2 semaphore(%run_scoped3A : memref<!tpu.dma_semaphore, #tpu.memory_space<semaphore_mem>>) src(%dma_wait3A_297 : memref<64xf32, #tpu.memory_space<hbm>>) dst(%dma_wait3A_296 : memref<64xf32, #tpu.memory_space<vmem>>)
        tpu.yield
      }) : () -> ()
      "tpu.region"() ({
        %run_scoped3A = tpu.sem_alloc : memref<!tpu.dma_semaphore, #tpu.memory_space<semaphore_mem>>
        %dma_start3A_286 = arith.constant 0 : i32
        %dma_start3A_287 = tpu.memref_slice %arg5[%dma_start3A_286, %multiple_of3A_226] : memref<64x1000000xf32, #tpu.memory_space<hbm>> -> memref<64x128xf32, #tpu.memory_space<hbm>>
        %dma_start3A_288 = arith.constant 0 : i32
        %dma_start3A_289 = tpu.memref_slice %arg5[%dma_start3A_288, %multiple_of3A_226] : memref<64x1000000xf32, #tpu.memory_space<hbm>> -> memref<64x128xf32, #tpu.memory_space<hbm>>
        tpu.enqueue_dma source(%dma_start3A_289 : memref<64x128xf32, #tpu.memory_space<hbm>>) target(%arg10 : memref<64x128xf32, #tpu.memory_space<vmem>>) target_semaphore(%run_scoped3A : memref<!tpu.dma_semaphore, #tpu.memory_space<semaphore_mem>>)
        %dma_wait3A_290 = arith.constant 0 : i32
        %dma_wait3A_291 = tpu.memref_slice %arg5[%dma_wait3A_290, %multiple_of3A_226] : memref<64x1000000xf32, #tpu.memory_space<hbm>> -> memref<64x128xf32, #tpu.memory_space<hbm>>
        %dma_wait3A_292 = arith.constant 0 : i32
        %dma_wait3A_293 = tpu.memref_slice %arg5[%dma_wait3A_292, %multiple_of3A_226] : memref<64x1000000xf32, #tpu.memory_space<hbm>> -> memref<64x128xf32, #tpu.memory_space<hbm>>
        tpu.wait_dma2 semaphore(%run_scoped3A : memref<!tpu.dma_semaphore, #tpu.memory_space<semaphore_mem>>) src(%dma_wait3A_293 : memref<64x128xf32, #tpu.memory_space<hbm>>) dst(%arg10 : memref<64x128xf32, #tpu.memory_space<vmem>>)
        tpu.yield
      }) : () -> ()
      %sub3A_229 = arith.subi %squeeze3A_217, %multiple_of3A_226 : i32
      %add3A_230 = arith.constant 0 : i32
      %add3A_231 = vector.broadcast %add3A_230 : i32 to vector<16xi32>
      %add3A_232 = arith.addi %iota3A, %add3A_231 : vector<16xi32>
      %broadcast_in_dim3A_233 = arith.constant 0 : i32
      %broadcast_in_dim3A_234 = vector.broadcast %broadcast_in_dim3A_233 : i32 to vector<16xi32>
      %add3A_235 = vector.broadcast %sub3A_229 : i32 to vector<16xi32>
      %add3A_236 = arith.addi %broadcast_in_dim3A_234, %add3A_235 : vector<16xi32>
      %mul3A_237 = arith.constant 576 : i32
      %mul3A_238 = arith.constant 64 : i32
      %mul3A_239 = arith.muli %mul3A_237, %mul3A_238 : i32
      %add3A_240 = arith.constant 0 : i32
      %add3A_241 = arith.addi %mul3A_239, %add3A_240 : i32
      %get3A_242 = arith.index_cast %add3A_241 : i32 to index
      %get3A_243 = tpu.vector_load %arg11[%get3A_242] {strides = array<i32>} : memref<37888xf32, #tpu.memory_space<vmem>>, vector<16xf32>,
      tpu.vector_store_idx %arg10[%add3A_232, %add3A_236], %get3A_243 : memref<64x128xf32, #tpu.memory_space<vmem>>[vector<16xi32>, vector<16xi32>], vector<16xf32>,
      %add3A_244 = arith.constant 16 : i32
      %add3A_245 = vector.broadcast %add3A_244 : i32 to vector<16xi32>
      %add3A_246 = arith.addi %iota3A, %add3A_245 : vector<16xi32>
      %broadcast_in_dim3A_247 = arith.constant 0 : i32
      %broadcast_in_dim3A_248 = vector.broadcast %broadcast_in_dim3A_247 : i32 to vector<16xi32>
      %add3A_249 = vector.broadcast %sub3A_229 : i32 to vector<16xi32>
      %add3A_250 = arith.addi %broadcast_in_dim3A_248, %add3A_249 : vector<16xi32>
      %mul3A_251 = arith.constant 576 : i32
      %mul3A_252 = arith.constant 64 : i32
      %mul3A_253 = arith.muli %mul3A_251, %mul3A_252 : i32
      %add3A_254 = arith.constant 16 : i32
      %add3A_255 = arith.addi %mul3A_253, %add3A_254 : i32
      %get3A_256 = arith.index_cast %add3A_255 : i32 to index
      %get3A_257 = tpu.vector_load %arg11[%get3A_256] {strides = array<i32>} : memref<37888xf32, #tpu.memory_space<vmem>>, vector<16xf32>,
      tpu.vector_store_idx %arg10[%add3A_246, %add3A_250], %get3A_257 : memref<64x128xf32, #tpu.memory_space<vmem>>[vector<16xi32>, vector<16xi32>], vector<16xf32>,
      %add3A_258 = arith.constant 32 : i32
      %add3A_259 = vector.broadcast %add3A_258 : i32 to vector<16xi32>
      %add3A_260 = arith.addi %iota3A, %add3A_259 : vector<16xi32>
      %broadcast_in_dim3A_261 = arith.constant 0 : i32
      %broadcast_in_dim3A_262 = vector.broadcast %broadcast_in_dim3A_261 : i32 to vector<16xi32>
      %add3A_263 = vector.broadcast %sub3A_229 : i32 to vector<16xi32>
      %add3A_264 = arith.addi %broadcast_in_dim3A_262, %add3A_263 : vector<16xi32>
      %mul3A_265 = arith.constant 576 : i32
      %mul3A_266 = arith.constant 64 : i32
      %mul3A_267 = arith.muli %mul3A_265, %mul3A_266 : i32
      %add3A_268 = arith.constant 32 : i32
      %add3A_269 = arith.addi %mul3A_267, %add3A_268 : i32
      %get3A_270 = arith.index_cast %add3A_269 : i32 to index
      %get3A_271 = tpu.vector_load %arg11[%get3A_270] {strides = array<i32>} : memref<37888xf32, #tpu.memory_space<vmem>>, vector<16xf32>,
      tpu.vector_store_idx %arg10[%add3A_260, %add3A_264], %get3A_271 : memref<64x128xf32, #tpu.memory_space<vmem>>[vector<16xi32>, vector<16xi32>], vector<16xf32>,
      %add3A_272 = arith.constant 48 : i32
      %add3A_273 = vector.broadcast %add3A_272 : i32 to vector<16xi32>
      %add3A_274 = arith.addi %iota3A, %add3A_273 : vector<16xi32>
      %broadcast_in_dim3A_275 = arith.constant 0 : i32
      %broadcast_in_dim3A_276 = vector.broadcast %broadcast_in_dim3A_275 : i32 to vector<16xi32>
      %add3A_277 = vector.broadcast %sub3A_229 : i32 to vector<16xi32>
      %add3A_278 = arith.addi %broadcast_in_dim3A_276, %add3A_277 : vector<16xi32>
      %mul3A_279 = arith.constant 576 : i32
      %mul3A_280 = arith.constant 64 : i32
      %mul3A_281 = arith.muli %mul3A_279, %mul3A_280 : i32
      %add3A_282 = arith.constant 48 : i32
      %add3A_283 = arith.addi %mul3A_281, %add3A_282 : i32
      %get3A_284 = arith.index_cast %add3A_283 : i32 to index
      %get3A_285 = tpu.vector_load %arg11[%get3A_284] {strides = array<i32>} : memref<37888xf32, #tpu.memory_space<vmem>>, vector<16xf32>,
      tpu.vector_store_idx %arg10[%add3A_274, %add3A_278], %get3A_285 : memref<64x128xf32, #tpu.memory_space<vmem>>[vector<16xi32>, vector<16xi32>], vector<16xf32>,
      "tpu.region"() ({
        %run_scoped3A = tpu.sem_alloc : memref<!tpu.dma_semaphore, #tpu.memory_space<semaphore_mem>>
        %dma_start3A_286 = arith.constant 0 : i32
        %dma_start3A_287 = tpu.memref_slice %arg5[%dma_start3A_286, %multiple_of3A_226] : memref<64x1000000xf32, #tpu.memory_space<hbm>> -> memref<64x128xf32, #tpu.memory_space<hbm>>
        %dma_start3A_288 = arith.constant 0 : i32
        %dma_start3A_289 = tpu.memref_slice %arg5[%dma_start3A_288, %multiple_of3A_226] : memref<64x1000000xf32, #tpu.memory_space<hbm>> -> memref<64x128xf32, #tpu.memory_space<hbm>>
        tpu.enqueue_dma source(%arg10 : memref<64x128xf32, #tpu.memory_space<vmem>>) target(%dma_start3A_289 : memref<64x128xf32, #tpu.memory_space<hbm>>) target_semaphore(%run_scoped3A : memref<!tpu.dma_semaphore, #tpu.memory_space<semaphore_mem>>)
        %dma_wait3A_290 = arith.constant 0 : i32
        %dma_wait3A_291 = tpu.memref_slice %arg5[%dma_wait3A_290, %multiple_of3A_226] : memref<64x1000000xf32, #tpu.memory_space<hbm>> -> memref<64x128xf32, #tpu.memory_space<hbm>>
        %dma_wait3A_292 = arith.constant 0 : i32
        %dma_wait3A_293 = tpu.memref_slice %arg5[%dma_wait3A_292, %multiple_of3A_226] : memref<64x1000000xf32, #tpu.memory_space<hbm>> -> memref<64x128xf32, #tpu.memory_space<hbm>>
        tpu.wait_dma2 semaphore(%run_scoped3A : memref<!tpu.dma_semaphore, #tpu.memory_space<semaphore_mem>>) src(%arg10 : memref<64x128xf32, #tpu.memory_space<vmem>>) dst(%dma_wait3A_293 : memref<64x128xf32, #tpu.memory_space<hbm>>)
        tpu.yield
      }) : () -> ()
    }
    return
  }
}

</mosaic_0001>

<sc_bundles>
// kernel: kernel.3.cloned.1.call-start
scs
__scs_entry_jumppad:
0x0: {  	(pc) =	sbr.rel $0x88, $3  }
0x1: {  	(tag) =	ssettag $0x0;
	lr =	simm.s32 $0x1  }
0x2: {  	[smem:$0x3F9E] =	sst lr;
	_ =	strace $0xD0000000  }
0x3: {  	_ = 	snop  }
0x4: {  	_ = 	snop  }
0x5: {  	_ = 	snop  }
0x6: {  	_ = 	snop  }
0x7: {  	_ = 	snop  }
__scs_overlays_trampoline_lowered:
0x8: {  	[smem:$0x3FAD] =	sst s0  }
0x9: {  	[smem:$0x3FAE] =	sst s1  }
0xa: {  	[smem:$0x3FAF] =	sst s2  }
0xb: {  	[smem:$0x3FB0] =	sst s3  }
0xc: {  	[smem:$0x3FB1] =	sst s4  }
0xd: {  	[smem:$0x3FB2] =	sst s5  }
0xe: {  	[smem:$0x3FB3] =	sst s6  }
0xf: {  	[smem:$0x3FB4] =	sst s7  }
0x10: {  	[smem:$0x3FB5] =	sst s8  }
0x11: {  	[smem:$0x3FB6] =	sst s9;
	s0 =	simm.s32 @!p0 $0x0  }
0x12: {  	s1 =	sld [smem:$0x3F9C];
	s0 =	simm.s32 @p0 $0x1  }
0x13: {  	[smem:$0x3FB7] =	sst s0;
	s0 =	simm.s32 @!p1 $0x0  }
0x14: {  	s2 =	sld [smem:$0x3F9B];
	s0 =	simm.s32 @p1 $0x1  }
0x15: {  	[smem:$0x3FB8] =	sst s0;
	s0 =	simm.s32 @!p2 $0x0  }
0x16: {  	s3 =	sld [smem:$0x3FDB];
	s0 =	simm.s32 @p2 $0x1  }
0x17: {  	s4 =	simm.s32 $0x1BF5;
	[smem:$0x3FBA] =	sst s0  }
0x18: {  	s0 =	sld [smem:$0x3F9D];
	_ =	swait.ge [sflag:s4], $0x0  }
0x19: {  	s7 =	sld [smem:$0x3F9E]  }
0x1a: {  	s8 =	sadd.s32 $0xFFFFE003, lr  }
0x1b: {  	s9 =	sadd.s32 $0xFFFFFEF7, lr;
	s5 =	simm.s32 $0xFFFFFFFF;
	p2 =	slt.u32 s8, $0xFFFFF086  }
0x1c: {  	p1 =	slt.u32 s9, $0xF7A;
	s5 =	simm.s32 @!p2 $0x0  }
0x1d: {  	s5 =	simm.s32 @p1 $0x1;
	p0 =	seq.s32 s7, s2  }
0x1e: {  	s7 =	smul.u32 @!p0 $0xF7A, s2;
	p2 =	seq.s32 @!p0 s5, $0x0  }
0x1f: {  	s9 =	smul.u32 $0xF7A, s1;
	s8 =	simm.s32 @!p0 $0x1BF5;
	p2 =	por !p2, p0  }
0x20: {  	[sflag:s8] =	ssyncset.s32 @!p0 $0xFFFFF086;
	s6 =	sadd.s32 @!p0 s3, s7;
	s7 =	simm.s32 @!p0 $0x108  }
0x21: {  	s3 =	sadd.s32 s3, s9;
	s6 =	sadd.s32 @!p0 $0x88, s6;
	s7 =	simm.s32 @p2 $0x1082  }
0x22: {  	[simem:s7], [sflag:s8] =	dma.local @!p0 [hbm:s6], $0xF7A  }
0x23: {  	s9 =	sor.u32 $0xD0000000, s2;
	s6 =	simm.s32 $0x108;
	_ =	swait.ge @!p0 [sflag:s8], $0x0  }
0x24: {  	s3 =	sadd.s32 $0x88, s3;
	s6 =	simm.s32 @!p1 $0x1082;
	[sflag:s4] =	ssyncset.s32 $0xFFFFF086  }
0x25: {  	[simem:s6], [sflag:s4] =	dma.local [hbm:s3], $0xF7A  }
0x26: {  	[smem:$0x3F9E] =	sst s1;
	(tag) =	ssettag s2;
	_ =	strace s9  }
0x27: {  	s1 =	sld [smem:$0x3FAE]  }
0x28: {  	s2 =	sld [smem:$0x3FAF]  }
0x29: {  	s4 =	sld [smem:$0x3FB1]  }
0x2a: {  	p0 =	seq.s32 s5, $0x0;
	s5 =	sld [smem:$0x3FB2]  }
0x2b: {  	s6 =	sld [smem:$0x3FB3]  }
0x2c: {  	s7 =	sld [smem:$0x3FB4]  }
0x2d: {  	s3 =	simm.s32 $0x108;
	s8 =	sld [smem:$0x3FB5]  }
0x2e: {  	s3 =	simm.s32 @!p0 $0x1082;
	s9 =	sld [smem:$0x3FB6]  }
0x2f: {  	lr =	sadd.s32 s0, s3;
	s0 =	sld [smem:$0x3FAD]  }
0x30: {  	s3 =	sld [smem:$0x3FB0]  }
0x31: {  	[smem:$0x3FB9] =	sst s10  }
0x32: {  	s10 =	sld [smem:$0x3FB7];
	_ =	sdelay $0x3  }
0x33: {  	p0 =	seq.s32 s10, $0x1;
	s10 =	sld [smem:$0x3FB9];
	_ =	sdelay $0x3  }
0x34: {  	[smem:$0x3FB9] =	sst s10  }
0x35: {  	s10 =	sld [smem:$0x3FB8];
	_ =	sdelay $0x3  }
0x36: {  	p1 =	seq.s32 s10, $0x1;
	s10 =	sld [smem:$0x3FB9];
	_ =	sdelay $0x3  }
0x37: {  	[smem:$0x3FB9] =	sst s10  }
0x38: {  	s10 =	sld [smem:$0x3FBA]  }
0x39: {  	_ = 	snop;
	(pc) =	sbr.ind lr, $3  }
0x3a: {  	_ = 	snop  }
0x3b: {  	_ = 	snop  }
0x3c: {  	p2 =	seq.s32 s10, $0x1;
	s10 =	sld [smem:$0x3FB9]  }
0x3d: {  	_ =	shalt  }
0x3e: {  	_ =	shalt  }
0x3f: {  	_ =	shalt  }
0x40: {  	_ =	shalt  }
0x41: {  	_ =	shalt  }
0x42: {  	_ =	shalt  }
0x43: {  	_ =	shalt  }
0x44: {  	_ =	shalt  }
0x45: {  	_ =	shalt  }
0x46: {  	_ =	shalt  }
0x47: {  	_ =	shalt  }
0x48: {  	_ =	shalt  }
0x49: {  	_ =	shalt  }
0x4a: {  	_ =	shalt  }
0x4b: {  	_ =	shalt  }
0x4c: {  	_ =	shalt  }
0x4d: {  	_ =	shalt  }
0x4e: {  	_ =	shalt  }
0x4f: {  	_ =	shalt  }
0x50: {  	_ =	shalt  }
0x51: {  	_ =	shalt  }
0x52: {  	_ =	shalt  }
0x53: {  	_ =	shalt  }
0x54: {  	_ =	shalt  }
0x55: {  	_ =	shalt  }
0x56: {  	_ =	shalt  }
0x57: {  	_ =	shalt  }
0x58: {  	_ =	shalt  }
0x59: {  	_ =	shalt  }
0x5a: {  	_ =	shalt  }
0x5b: {  	_ =	shalt  }
0x5c: {  	_ =	shalt  }
0x5d: {  	_ =	shalt  }
0x5e: {  	_ =	shalt  }
0x5f: {  	_ =	shalt  }
0x60: {  	_ =	shalt  }
0x61: {  	_ =	shalt  }
0x62: {  	_ =	shalt  }
0x63: {  	_ =	shalt  }
0x64: {  	_ =	shalt  }
0x65: {  	_ =	shalt  }
0x66: {  	_ =	shalt  }
0x67: {  	_ =	shalt  }
0x68: {  	_ =	shalt  }
0x69: {  	_ =	shalt  }
0x6a: {  	_ =	shalt  }
0x6b: {  	_ =	shalt  }
0x6c: {  	_ =	shalt  }
0x6d: {  	_ =	shalt  }
0x6e: {  	_ =	shalt  }
0x6f: {  	_ =	shalt  }
0x70: {  	_ =	shalt  }
0x71: {  	_ =	shalt  }
0x72: {  	_ =	shalt  }
0x73: {  	_ =	shalt  }
0x74: {  	_ =	shalt  }
0x75: {  	_ =	shalt  }
0x76: {  	_ =	shalt  }
0x77: {  	_ =	shalt  }
0x78: {  	_ =	shalt  }
0x79: {  	_ =	shalt  }
0x7a: {  	_ =	shalt  }
0x7b: {  	_ =	shalt  }
0x7c: {  	_ =	shalt  }
0x7d: {  	_ =	shalt  }
0x7e: {  	_ =	shalt  }
0x7f: {  	_ =	shalt  }
0x80: {  	_ =	shalt  }
0x81: {  	_ =	shalt  }
0x82: {  	_ =	shalt  }
0x83: {  	_ =	shalt  }
0x84: {  	_ =	shalt  }
0x85: {  	_ =	shalt  }
0x86: {  	_ =	shalt  }
0x87: {  	_ =	shalt  }
.Lfunc_end0:
.L_simem_size_0:
called_computation_lowered:
.L_overlay_start_0:
0x88: {  	s2 =	sld [smem:$0x3FD9]  }
0x89: {  	s3 =	sld [smem:$0x3FFE];
	_ =	sdelay $0x1  }
0x8a: {  	s1 =	srdreg.scid  }
0x8b: {  	s0 =	sand.u32 $0x1, s1  }
0x8c: {  	s17 =	sshll.u32 s0, $0xA;
	s2 =	sadd.s32 s3, s2  }
0x8d: {  	s2 =	sadd.s32 s2, s17  }
0x8e: {  	[smem:$0x3FC5] =	sst s2  }
0x8f: {  	_ = 	snop  }
0x90: {  	s2 =	sld [smem:$0x3FC9]  }
0x91: {  	s18 =	sld [smem:$0x3FC8]  }
0x92: {  	s4 =	sld [smem:$0x3FD0];
	(tm) =	ssettm $0x1  }
0x93: {  	s5 =	sld [smem:$0x3FFB];
	_ =	sdelay $0x3  }
0x94: {  	_ =	strace s5  }
0x95: {  	s5 =	sld [smem:$0x3FFC];
	_ =	sdelay $0x3  }
0x96: {  	_ =	strace s5  }
0x97: {  	s5 =	sld [smem:$0x3FFD];
	_ =	sdelay $0x3  }
0x98: {  	_ =	strace s5  }
0x99: {  	_ =	strace $0x8FFFFFFF  }
0x9a: {  	s19 =	sld [smem:$0x3FDB];
	_ =	sdelay $0x1  }
0x9b: {  	s6 =	simm.s32 $_scs_section_size  }
0x9c: {  	s7 =	simm.s32 $_size__tile_overlayer_lowered;
	s8 =	simm.s32 $_tile_overlayer_lowered  }
0x9d: {  	s22 =	simm.s32 $0x1BFF;
	s21 =	sshll.u32 s8, $0x1;
	s5 =	sadd.s32 s6, s19  }
0x9e: {  	s9 =	simm.s32 $0x0;
	s20 =	sshll.u32 s7, $0x1;
	s7 =	sadd.s32 s21, s5  }
0x9f: {  	[timem:s9], [sflag:s22] =	dma.local [hbm:s7], s20  }
0xa0: {  	_ =	swait.ge [sflag:s22], s20  }
0xa1: {  	s6 =	ssub.s32 $0x0, s20;
	[sflag:s22] =	ssyncset.done $0x0  }
0xa2: {  	[sflag:s22] =	ssyncadd.s32 s6;
	_ =	sdelay $0x1  }
0xa3: {  	s23 =	simm.s32 $0x1B8B  }
0xa4: {  	_ =	swait.ge [sflag:s23], $0x1  }
0xa5: {  	[sflag:s23] =	ssyncset.done $0x0  }
0xa6: {  	s25 =	simm.s32 $0x1B8E;
	s24 =	sld [smem:$0x3FFE];
	[sflag:s23] =	ssyncadd.s32 $0xFFFFFFFF  }
0xa7: {  	s26 =	simm.s32 $execute0_lowered;
	[smem:$0x3FD2] =	sst s25  }
0xa8: {  	s7 =	sshll.u32 s26, $0x1;
	_ =	strace $0x80000046;
	[dreg:$0x1] =	wrdreg $0xFFFFFFFF  }
0xa9: {  	s28 =	simm.s32 $_size_execute0_lowered;
	s5 =	sadd.s32 s5, s7;
	[dreg:$0x0] =	wrdreg $0x0  }
0xaa: {  	s7 =	sshll.u32 s28, $0x1;
	[dreg:$0x2] =	wrdreg s5  }
0xab: {  	[dreg:$0x3] =	wrdreg s7  }
0xac: {  	[dreg:$0x4] =	wrdreg $0xC0  }
0xad: {  	_ =	task [dreg:s9], $0x5FFFF  }
0xae: {  	[dreg:$0x1] =	wrdreg $0xFFFFFFFF  }
0xaf: {  	[dreg:$0x0] =	wrdreg $0x60  }
0xb0: {  	[dreg:$0x2] =	wrdreg s2  }
0xb1: {  	[dreg:$0x3] =	wrdreg s18  }
0xb2: {  	[dreg:$0x4] =	wrdreg s24  }
0xb3: {  	[dreg:$0x5] =	wrdreg s4  }
0xb4: {  	[dreg:$0x6] =	wrdreg $0x9  }
0xb5: {  	_ =	task.clear_ibuf [dreg:s9], $0x7FFFF;
	_ =	strace $0x90000046  }
0xb6: {  	s29 =	simm.s32 $0x9;
	_ =	strace $0x80000048  }
0xb7: {  	_ =	swait.ge [sflag:s29], $0x1  }
0xb8: {  	[sflag:s29] =	ssyncadd.s32 $0xFFFFFFFF  }
0xb9: {  	_ =	strace $0x90000048  }
0xba: {  	_ =	sfence  }
0xbb: {  	s30 =	sld [smem:$0x0];
	_ =	sdelay $0x2  }
0xbc: {  	s31 =	sshll.u32 s1, $0xD;
	s1 =	sshrl.u32 s1, $0x2  }
0xbd: {  	s3 =	sand.u32 $0x4000, s31;
	s1 =	sadd.s32 s1, s30  }
0xbe: {  	s0 =	sor.u32 s3, s0;
	s1 =	sshll.u32 s1, $0x11  }
0xbf: {  	s0 =	sor.u32 s1, s0  }
0xc0: {  	s0 =	sadd.s32 $0x8F2B, s0  }
0xc1: {  	[sflag:s0] =	ssyncadd.remote.s32 $0x1  }
0xc2: {  	_ =	sfence.sel $0xFFFF  }
0xc3: {  	[dreg:$0x0] =	wrdreg $0xFFFFFFFF;
	(pc) =	sbr.abs _section_cstart, $3  }
0xc4: {  	[dreg:$0x1] =	wrdreg $0xFFFFFFFF  }
0xc5: {  	_ =	task.clear_ibuf [dreg:s9], $0x2FFFF;
	_ =	strace $0x9FFFFFFF  }
0xc6: {  	(tm) =	ssettm $0x7FFFFFFF  }
0xc7: {  	_ =	shalt  }
tec
execute0_lowered:
.L_overlay_start_1:
0x0: {  	(tag) =	ssettag $0x1  }
0x1: {  	s0 =	rddreg [dreg:$0x0]  }
0x2: {  	s1 =	rddreg [dreg:$0x1]  }
0x3: {  	s2 =	rddreg [dreg:$0x2]  }
0x4: {  	s3 =	rddreg [dreg:$0x3]  }
0x5: {  	s5 =	srdreg.scid;
	s6 =	stileid.u32;
	s4 =	simm.s32 $0x0  }
0x6: {  	s28 =	simm.s32 $0x800;
	s29 =	simm.s32 $0x6;
	s30 =	simm.s32 $0x7A1400  }
0x7: {  	s31 =	simm.s32 $0x0;
	[smem:$0x7FF] =	sst s4;
	s20 =	sadd.s32 $0x10, s1  }
0x8: {  	s21 =	sadd.s32 $0x20, s1;
	_ =	strace $0x80000047;
	[dreg:$0x7] =	wrdreg s20  }
0x9: {  	s5 =	sand.u32 $0x1, s5;
	s22 =	sadd.s32 $0x30, s1;
	[dreg:$0x8] =	wrdreg s21  }
0xa: {  	s6 =	sshll.u32 s6, $0x1;
	s23 =	sadd.s32 $0x40, s1;
	[dreg:$0x9] =	wrdreg s22  }
0xb: {  	s24 =	sadd.s32 $0x50, s1;
	s25 =	sadd.s32 $0x60, s1;
	[dreg:$0xa] =	wrdreg s23  }
0xc: {  	s26 =	sadd.s32 $0x70, s1;
	s7 =	ssub.s32 $0x2, s5;
	[dreg:$0xb] =	wrdreg s24  }
0xd: {  	s8 =	sor.u32 s5, s6;
	s6 =	sadd.s32 $0x40600, s2;
	[dreg:$0xc] =	wrdreg s25  }
0xe: {  	[dreg:$0xd] =	wrdreg s26;
	s22 =	simm.s32 $0x400;
	s26 =	simm.s32 $0x1  }
0xf: {  	s2 =	simm.s32 $0x2;
	s21 =	simm.s32 $0x5;
	s23 =	simm.s32 $0x1F500  }
0x10: {  	v1 =	vlaneseq.u32;
	s24 =	simm.s32 $0x7;
	s25 =	simm.s32 $0x14500;
	s5 =	smul.u32 $0x7A00, s8  }
.Ltmp0:
0x11: {  	v3 =	vmul.u32 $0x80, v1;
	s9 =	sshrl.u32 s7, $0x1;
	p0 =	seq.s32 s8, $0x1F;
	(pc) =	sbr.rel .LBB2_1-.Ltmp0, $4  }
0x12: {  	s18 =	ssub.s32 s7, s9;
	s9 =	simm.s32 $0x7C00;
	s7 =	simm.s32 $0xF8  }
0x13: {  	v5 =	vimm.s32 $0xFFFFFFFF;
	v6 =	vor.u32 $0x7C00, v1;
	v7 =	vor.u32 $0x1000, v3;
	s8 =	sadd.s32 s0, s5;
	s9 =	simm.s32 @!p0 $0x7A00;
	s19 =	smax.u32 s18, $0x1  }
0x14: {  	v8 =	vor.u32 $0x1800, v3;
	s7 =	simm.s32 @!p0 $0xF4;
	v2 =	vmov s5;
	s0 =	sadd.s32 $0x80, s8;
	[dreg:$0x6] =	wrdreg s19;
	v0 =	vmov s9  }
0x15: {  	v4 =	vadd.s32 s5, v6;
	s10 =	sshrl.u32 s7, $0x1;
	s19 =	simm.s32 $0x3;
	[dreg:$0x5] =	wrdreg s0;
	vm0 =	vgt.u32 v0, v6;
	v6 =	vor.u32 $0x800, v3  }
.LBB2_31:
0x16: {  	[sflag:s24] =	ssyncadd.s32 $0xFFFFE000  }
.LBB2_32:
0x17: {  	s31 =	sadd.s32 $0x1, s31;
	s0 =	rddreg [dreg:$0x6]  }
0x18: {  	p0 =	sne.s32 s31, s0  }
.Ltmp1:
0x19: {  	_ = 	snop;
	(pc) =	sbr.rel @!p0 .LBB2_33-.Ltmp1, $1  }
0x1a: {  	_ =	sdelay $0x3  }
.LBB2_1:
0x1b: {  	s0 =	simm.s32 $0x840  }
0x1c: {  	[tilespmem:s0+$0xFFFFFFC0] =	vst v5  }
0x1d: {  	[tilespmem:s0+$0x30] =	vst v5  }
0x1e: {  	[tilespmem:s0+$0x20] =	vst v5  }
0x1f: {  	[tilespmem:s0+$0x10] =	vst v5  }
0x20: {  	[tilespmem:s0+$0x0] =	vst v5  }
0x21: {  	[tilespmem:s0+$0xFFFFFFF0] =	vst v5  }
0x22: {  	s9 =	simm.s32 $0x0;
	[tilespmem:s0+$0xFFFFFFE0] =	vst v5  }
.LBB2_2:
0x23: {  	s9 =	sadd.s32 $0x8, s9;
	[tilespmem:s0+$0xFFFFFFD0] =	vst v5;
	s0 =	sadd.s32 $0x80, s0  }
0x24: {  	[tilespmem:s0+$0xFFFFFFC0] =	vst v5;
	p0 =	slt.u32 s9, $0x7B8  }
0x25: {  	[tilespmem:s0+$0x30] =	vst v5  }
.Ltmp2:
0x26: {  	[tilespmem:s0+$0x20] =	vst v5;
	(pc) =	sbr.rel @p0 .LBB2_2-.Ltmp2, $4  }
0x27: {  	[tilespmem:s0+$0x10] =	vst v5  }
0x28: {  	[tilespmem:s0+$0x0] =	vst v5  }
0x29: {  	[tilespmem:s0+$0xFFFFFFF0] =	vst v5  }
0x2a: {  	[tilespmem:s0+$0xFFFFFFE0] =	vst v5  }
0x2b: {  	[tilespmem:s0+$0xFFFFFFD0] =	vst v5  }
0x2c: {  	s0 =	simm.s32 $0x0;
	[tilespmem:$0x8400] =	vst v5  }
0x2d: {  	[tilespmem:s0], [sflag:$0x1] =	stream.linear.gather [hbm4b:s1+s0], $0x80, $0x38;
	[tilespmem:$0x1F900] =	vst v63  }
0x2e: {  	s9 =	rddreg [dreg:$0x7];
	s11 =	simm.s32 $0x100  }
0x2f: {  	[tilespmem:s11], [sflag:$0x1] =	stream.linear.gather [hbm4b:s9+s0], $0x80, $0x38;
	[tilespmem:$0x1F900] =	vst v63  }
0x30: {  	s18 =	rddreg [dreg:$0x8];
	s20 =	simm.s32 $0x200  }
0x31: {  	[tilespmem:s20], [sflag:$0x1] =	stream.linear.gather [hbm4b:s18+s0], $0x80, $0x38;
	[tilespmem:$0x1F900] =	vst v63  }
0x32: {  	s12 =	simm.s32 $0x300;
	s11 =	rddreg [dreg:$0x9]  }
0x33: {  	[tilespmem:s12], [sflag:$0x1] =	stream.linear.gather [hbm4b:s11+s0], $0x80, $0x38;
	[tilespmem:$0x1F900] =	vst v63  }
0x34: {  	s13 =	rddreg [dreg:$0xa]  }
0x35: {  	[tilespmem:s22], [sflag:$0x1] =	stream.linear.gather [hbm4b:s13+s0], $0x80, $0x38;
	[tilespmem:$0x1F900] =	vst v63  }
0x36: {  	s14 =	rddreg [dreg:$0xb];
	s15 =	simm.s32 $0x500  }
0x37: {  	[tilespmem:s15], [sflag:$0x1] =	stream.linear.gather [hbm4b:s14+s0], $0x80, $0x38;
	[tilespmem:$0x1F900] =	vst v63  }
0x38: {  	s16 =	rddreg [dreg:$0xc];
	s17 =	simm.s32 $0x600  }
0x39: {  	[tilespmem:s17], [sflag:$0x1] =	stream.linear.gather [hbm4b:s16+s0], $0x80, $0x38;
	[tilespmem:$0x1F900] =	vst v63  }
0x3a: {  	s18 =	rddreg [dreg:$0xd];
	s20 =	simm.s32 $0x700  }
0x3b: {  	[tilespmem:s20], [sflag:$0x1] =	stream.linear.gather [hbm4b:s18+s0], $0x80, $0x38;
	[tilespmem:$0x1F900] =	vst v63  }
.LBB2_4:
0x3c: {  	s9 =	smov.u32 s0;
	_ =	swait.ge [sflag:s26], $0x400;
	p0 =	seq.s32 s0, $0xF  }
0x3d: {  	s0 =	sadd.s32 $0x1, s0;
	[sflag:s26] =	ssyncset.done $0x0;
	s11 =	sshll.u32 @!p0 s9, $0x7  }
0x3e: {  	s12 =	sshll.u32 @!p0 s0, $0x7;
	s14 =	simm.s32 @!p0 $0x0;
	s11 =	sand.u32 @!p0 $0x80, s11  }
0x3f: {  	[sflag:s26] =	ssyncadd.s32 $0xFFFFFC00;
	s12 =	sadd.s32 @!p0 s1, s12;
	s13 =	sxor.u32 @!p0 $0x80, s11  }
0x40: {  	[tilespmem:s13], [sflag:$0x1] =	stream.linear.gather @!p0 [hbm4b:s12+s14], $0x80, $0x38;
	[tilespmem:$0x1F900] =	vst v63  }
0x41: {  	s15 =	sadd.s32 @!p0 $0x10, s12;
	s16 =	sor.u32 @!p0 $0x100, s13  }
0x42: {  	[tilespmem:s16], [sflag:$0x1] =	stream.linear.gather @!p0 [hbm4b:s15+s14], $0x80, $0x38;
	[tilespmem:$0x1F900] =	vst v63  }
0x43: {  	s15 =	sadd.s32 @!p0 $0x20, s12;
	s16 =	sor.u32 @!p0 $0x200, s13  }
0x44: {  	[tilespmem:s16], [sflag:$0x1] =	stream.linear.gather @!p0 [hbm4b:s15+s14], $0x80, $0x38;
	[tilespmem:$0x1F900] =	vst v63  }
0x45: {  	s15 =	sadd.s32 @!p0 $0x30, s12;
	s16 =	sor.u32 @!p0 $0x300, s13  }
0x46: {  	[tilespmem:s16], [sflag:$0x1] =	stream.linear.gather @!p0 [hbm4b:s15+s14], $0x80, $0x38;
	[tilespmem:$0x1F900] =	vst v63  }
0x47: {  	s15 =	sadd.s32 @!p0 $0x40, s12;
	s16 =	sor.u32 @!p0 $0x400, s13  }
0x48: {  	[tilespmem:s16], [sflag:$0x1] =	stream.linear.gather @!p0 [hbm4b:s15+s14], $0x80, $0x38;
	[tilespmem:$0x1F900] =	vst v63  }
0x49: {  	s9 =	sshll.u32 s9, $0xA;
	s15 =	sadd.s32 @!p0 $0x50, s12;
	s16 =	sor.u32 @!p0 $0x500, s13  }
0x4a: {  	[tilespmem:s16], [sflag:$0x1] =	stream.linear.gather @!p0 [hbm4b:s15+s14], $0x80, $0x38;
	[tilespmem:$0x1F900] =	vst v63  }
0x4b: {  	s11 =	simm.s32 @p0 $0x80;
	s15 =	sadd.s32 @!p0 $0x60, s12;
	s16 =	sor.u32 @!p0 $0x600, s13  }
0x4c: {  	[tilespmem:s16], [sflag:$0x1] =	stream.linear.gather @!p0 [hbm4b:s15+s14], $0x80, $0x38;
	[tilespmem:$0x1F900] =	vst v63  }
0x4d: {  	v9 =	vmov s11;
	s11 =	simm.s32 $0x0;
	s12 =	sadd.s32 @!p0 $0x70, s12;
	s13 =	sor.u32 @!p0 $0x700, s13  }
0x4e: {  	[tilespmem:s13], [sflag:$0x1] =	stream.linear.gather @!p0 [hbm4b:s12+s14], $0x80, $0x38;
	[tilespmem:$0x1F900] =	vst v63  }
.LBB2_5:
0x4f: {  	_ = 	snop  }
0x50: {  	s12 =	sshll.u32 s11, $0x4;
	s13 =	sshll.u32 s11, $0x5  }
0x51: {  	s14 =	sand.u32 $0x60, s12;
	s13 =	sand.u32 $0x700, s13  }
0x52: {  	s14 =	sor.u32 s14, s13  }
0x53: {  	v10 =	vld.idx.msk [tilespmem:v9+s14+$0x0 ss:$0x1], $0xffff;
	_ =	sdelay $0x4  }
0x54: {  	v10 =	vsub.s32 v10, v2  }
0x55: {  	vm1 =	vgt.s32 v10, $0xFFFFFFFF;
	vm2 =	vlt.s32 v10, v0  }
0x56: {  	vm1 =	vmand vm1, vm2  }
0x57: {  	v10 =	vnsel vm1, $0x7C00, v10;
	_ =	sdelay $0x2  }
0x58: {  	s20 =	sor.u32 s9, s12  }
0x59: {  	v11 =	vor.u32 s20, v1  }
0x5a: {  	[tilespmem:v10+s28+$0x0] =	vst.idx.msk $0xffff, v11  }
.LBB2_6:
0x5b: {  	v12 =	vld.idx.msk [tilespmem:v10+s28+$0x0], $0xffff;
	_ =	sdelay $0x4  }
0x5c: {  	vm1 =	vlt.s32 v12, v11  }
0x5d: {  	v12 =	vmpcnt.ones.xlane vm1;
	_ =	sdelay $0x1  }
0x5e: {  	(v2sf) =	vpush v12, $0x0;
	_ =	sdelay $0xe  }
0x5f: {  	s14 =	spop (v2sf)  }
0x60: {  	p0 =	sgt.s32 s14, $0x0  }
.Ltmp3:
0x61: {  	_ = 	snop;
	(pc) =	sbr.rel @p0 .LBB2_6-.Ltmp3, $2  }
0x62: {  	_ =	sdelay $0x2  }
0x63: {  	[tilespmem:v10+s28+$0x0] =	vst.idx.msk vm1, v11  }
0x64: {  	_ = 	snop  }
0x65: {  	s12 =	sor.u32 $0x10, s12  }
0x66: {  	s14 =	sand.u32 $0x70, s12  }
0x67: {  	s13 =	sadd.s32 s14, s13  }
0x68: {  	v10 =	vld.idx.msk [tilespmem:v9+s13+$0x0 ss:$0x1], $0xffff;
	_ =	sdelay $0x4  }
0x69: {  	v10 =	vsub.s32 v10, v2  }
0x6a: {  	vm1 =	vgt.s32 v10, $0xFFFFFFFF;
	vm2 =	vlt.s32 v10, v0  }
0x6b: {  	vm1 =	vmand vm1, vm2  }
0x6c: {  	v10 =	vnsel vm1, $0x7C00, v10;
	_ =	sdelay $0x2  }
0x6d: {  	s12 =	sor.u32 s9, s12  }
0x6e: {  	v11 =	vor.u32 s12, v1  }
0x6f: {  	[tilespmem:v10+s28+$0x0] =	vst.idx.msk $0xffff, v11  }
.LBB2_8:
0x70: {  	v12 =	vld.idx.msk [tilespmem:v10+s28+$0x0], $0xffff;
	_ =	sdelay $0x4  }
0x71: {  	vm1 =	vlt.s32 v12, v11  }
0x72: {  	v12 =	vmpcnt.ones.xlane vm1;
	_ =	sdelay $0x1  }
0x73: {  	(v2sf) =	vpush v12, $0x0;
	_ =	sdelay $0xe  }
0x74: {  	s12 =	spop (v2sf)  }
0x75: {  	p0 =	sgt.s32 s12, $0x0  }
.Ltmp4:
0x76: {  	_ = 	snop;
	(pc) =	sbr.rel @p0 .LBB2_8-.Ltmp4, $2  }
0x77: {  	_ =	sdelay $0x2  }
0x78: {  	[tilespmem:v10+s28+$0x0] =	vst.idx.msk vm1, v11  }
0x79: {  	p0 =	slt.u32 s11, $0x3E  }
.Ltmp5:
0x7a: {  	_ = 	snop;
	(pc) =	sbr.rel @p0 .LBB2_5-.Ltmp5, $3  }
0x7b: {  	_ =	sdelay $0x1  }
0x7c: {  	s12 =	sadd.s32 $0x2, s11  }
0x7d: {  	s11 =	smov.u32 s12  }
0x7e: {  	p0 =	seq.s32 s0, $0x10  }
.Ltmp6:
0x7f: {  	_ = 	snop;
	(pc) =	sbr.rel @!p0 .LBB2_4-.Ltmp6, $1  }
0x80: {  	_ =	sdelay $0x3  }
0x81: {  	s0 =	simm.s32 $0x820  }
0x82: {  	v9 =	vld [tilespmem:s0+$0xFFFFFFE0];
	_ =	sdelay $0x2  }
0x83: {  	s9 =	simm.s32 $0x0  }
0x84: {  	v10 =	vor.u32 s9, v1  }
0x85: {  	vm2 =	vlt.u32 v10, v0;
	vm1 =	vgt.s32 v9, $0xFFFFFFFF  }
0x86: {  	v9 =	vadd.s32 v2, v10;
	vm1 =	vmand vm2, vm1  }
0x87: {  	[tilespmem:s9+$0x8480] =	vst.msk vm1, v9;
	v9 =	vmpcnt.ones.xlane vm1  }
0x88: {  	v10 =	vld [tilespmem:s0+$0xFFFFFFF0]  }
0x89: {  	(v2sf) =	vpush v9, $0x0;
	_ =	sdelay $0x1  }
0x8a: {  	s15 =	simm.s32 $0x10  }
0x8b: {  	v9 =	vor.u32 s15, v1  }
0x8c: {  	vm2 =	vlt.u32 v9, v0;
	vm1 =	vgt.s32 v10, $0xFFFFFFFF  }
0x8d: {  	vm1 =	vmand vm2, vm1  }
0x8e: {  	v10 =	vmpcnt.ones.xlane vm1;
	_ =	sdelay $0x1  }
0x8f: {  	(v2sf) =	vpush v10, $0x0;
	_ =	sdelay $0x6  }
0x90: {  	s16 =	spop (v2sf)  }
0x91: {  	v9 =	vadd.s32 v2, v9;
	s9 =	sadd.s32 $0x0, s16  }
0x92: {  	[tilespmem:s9+$0x8480] =	vst.msk vm1, v9  }
0x93: {  	v9 =	vld [tilespmem:s0+$0x0];
	_ =	sdelay $0x2  }
0x94: {  	s11 =	simm.s32 $0x20  }
0x95: {  	v10 =	vor.u32 s11, v1  }
0x96: {  	vm2 =	vlt.u32 v10, v0;
	vm1 =	vgt.s32 v9, $0xFFFFFFFF;
	s17 =	spop (v2sf)  }
0x97: {  	v9 =	vadd.s32 v2, v10;
	s9 =	sadd.s32 s9, s17;
	vm1 =	vmand vm2, vm1  }
0x98: {  	[tilespmem:s9+$0x8480] =	vst.msk vm1, v9;
	v9 =	vmpcnt.ones.xlane vm1  }
0x99: {  	v10 =	vld [tilespmem:s0+$0x10]  }
0x9a: {  	(v2sf) =	vpush v9, $0x0;
	_ =	sdelay $0x1  }
0x9b: {  	s18 =	simm.s32 $0x30  }
0x9c: {  	v9 =	vor.u32 s18, v1  }
0x9d: {  	vm2 =	vlt.u32 v9, v0;
	vm1 =	vgt.s32 v10, $0xFFFFFFFF  }
0x9e: {  	vm1 =	vmand vm2, vm1  }
0x9f: {  	v10 =	vmpcnt.ones.xlane vm1;
	_ =	sdelay $0x1  }
0xa0: {  	(v2sf) =	vpush v10, $0x0;
	_ =	sdelay $0x6  }
0xa1: {  	s20 =	spop (v2sf)  }
0xa2: {  	v9 =	vadd.s32 v2, v9;
	s12 =	sadd.s32 s9, s20  }
0xa3: {  	s0 =	simm.s32 $0x860;
	[tilespmem:s12+$0x8480] =	vst.msk vm1, v9  }
0xa4: {  	v9 =	vld [tilespmem:s0+$0xFFFFFFE0];
	_ =	sdelay $0x2  }
0xa5: {  	s9 =	simm.s32 $0x40  }
0xa6: {  	v10 =	vor.u32 s9, v1  }
0xa7: {  	s11 =	simm.s32 $0x4;
	vm2 =	vlt.u32 v10, v0;
	vm1 =	vgt.s32 v9, $0xFFFFFFFF;
	v9 =	vadd.s32 v2, v10;
	s13 =	spop (v2sf)  }
.LBB2_12:
0xa8: {  	s11 =	sadd.s32 $0x4, s11;
	vm1 =	vmand vm2, vm1;
	s12 =	sadd.s32 s12, s13  }
0xa9: {  	p0 =	slt.u32 s11, $0x7BC;
	[tilespmem:s12+$0x8480] =	vst.msk vm1, v9;
	v9 =	vmpcnt.ones.xlane vm1  }
0xaa: {  	v10 =	vld [tilespmem:s0+$0xFFFFFFF0]  }
0xab: {  	(v2sf) =	vpush v9, $0x0;
	_ =	sdelay $0x1  }
0xac: {  	s13 =	sadd.s32 $0x10, s9  }
0xad: {  	v9 =	vor.u32 s13, v1  }
0xae: {  	vm2 =	vlt.u32 v9, v0;
	vm1 =	vgt.s32 v10, $0xFFFFFFFF  }
0xaf: {  	vm1 =	vmand vm2, vm1  }
0xb0: {  	v10 =	vmpcnt.ones.xlane vm1;
	_ =	sdelay $0x1  }
0xb1: {  	(v2sf) =	vpush v10, $0x0;
	_ =	sdelay $0x6  }
0xb2: {  	s13 =	spop (v2sf)  }
0xb3: {  	v9 =	vadd.s32 v2, v9;
	s12 =	sadd.s32 s12, s13  }
0xb4: {  	[tilespmem:s12+$0x8480] =	vst.msk vm1, v9  }
0xb5: {  	v9 =	vld [tilespmem:s0+$0x0];
	_ =	sdelay $0x2  }
0xb6: {  	s13 =	sadd.s32 $0x20, s9  }
0xb7: {  	v10 =	vor.u32 s13, v1  }
0xb8: {  	vm2 =	vlt.u32 v10, v0;
	vm1 =	vgt.s32 v9, $0xFFFFFFFF;
	s13 =	spop (v2sf)  }
0xb9: {  	v9 =	vadd.s32 v2, v10;
	s12 =	sadd.s32 s12, s13;
	vm1 =	vmand vm2, vm1  }
0xba: {  	[tilespmem:s12+$0x8480] =	vst.msk vm1, v9;
	v9 =	vmpcnt.ones.xlane vm1  }
0xbb: {  	v10 =	vld [tilespmem:s0+$0x10]  }
0xbc: {  	(v2sf) =	vpush v9, $0x0;
	_ =	sdelay $0x1  }
0xbd: {  	s13 =	sadd.s32 $0x30, s9  }
0xbe: {  	v9 =	vor.u32 s13, v1  }
0xbf: {  	vm2 =	vlt.u32 v9, v0;
	vm1 =	vgt.s32 v10, $0xFFFFFFFF  }
0xc0: {  	vm1 =	vmand vm2, vm1  }
0xc1: {  	v10 =	vmpcnt.ones.xlane vm1;
	_ =	sdelay $0x1  }
0xc2: {  	(v2sf) =	vpush v10, $0x0;
	_ =	sdelay $0x6  }
0xc3: {  	s13 =	spop (v2sf)  }
0xc4: {  	v9 =	vadd.s32 v2, v9;
	s12 =	sadd.s32 s12, s13  }
0xc5: {  	s0 =	sadd.s32 $0x40, s0;
	[tilespmem:s12+$0x8480] =	vst.msk vm1, v9  }
0xc6: {  	v9 =	vld [tilespmem:s0+$0xFFFFFFE0]  }
.Ltmp7:
0xc7: {  	(pc) =	sbr.rel @p0 .LBB2_12-.Ltmp7, $4  }
0xc8: {  	_ = 	snop  }
0xc9: {  	s9 =	sadd.s32 $0x40, s9  }
0xca: {  	v10 =	vor.u32 s9, v1  }
0xcb: {  	vm2 =	vlt.u32 v10, v0;
	vm1 =	vgt.s32 v9, $0xFFFFFFFF;
	v9 =	vadd.s32 v2, v10;
	s13 =	spop (v2sf)  }
0xcc: {  	vm1 =	vmand vm2, vm1  }
0xcd: {  	v10 =	vmpcnt.ones.xlane vm1;
	_ =	sdelay $0x1  }
0xce: {  	(v2sf) =	vpush v10, $0x0;
	_ =	sdelay $0x7  }
0xcf: {  	s11 =	sadd.s32 s12, s13  }
0xd0: {  	[tilespmem:s11+$0x8480] =	vst.msk vm1, v9  }
0xd1: {  	v9 =	vld [tilespmem:s0+$0xFFFFFFF0];
	_ =	sdelay $0x2  }
0xd2: {  	s16 =	sadd.s32 $0x10, s9  }
0xd3: {  	v10 =	vor.u32 s16, v1  }
0xd4: {  	vm2 =	vlt.u32 v10, v0;
	vm1 =	vgt.s32 v9, $0xFFFFFFFF;
	s17 =	spop (v2sf)  }
0xd5: {  	v9 =	vadd.s32 v2, v10;
	vm1 =	vmand vm2, vm1;
	s11 =	sadd.s32 s11, s17  }
0xd6: {  	v10 =	vmpcnt.ones.xlane vm1;
	[tilespmem:s11+$0x8480] =	vst.msk vm1, v9  }
0xd7: {  	v9 =	vld [tilespmem:s0+$0x0]  }
0xd8: {  	(v2sf) =	vpush v10, $0x0;
	_ =	sdelay $0x1  }
0xd9: {  	s18 =	sadd.s32 $0x20, s9  }
0xda: {  	v10 =	vor.u32 s18, v1  }
0xdb: {  	vm2 =	vlt.u32 v10, v0;
	vm1 =	vgt.s32 v9, $0xFFFFFFFF  }
0xdc: {  	vm1 =	vmand vm2, vm1  }
0xdd: {  	v9 =	vmpcnt.ones.xlane vm1;
	_ =	sdelay $0x1  }
0xde: {  	(v2sf) =	vpush v9, $0x0;
	_ =	sdelay $0x6  }
0xdf: {  	s20 =	spop (v2sf)  }
0xe0: {  	v9 =	vadd.s32 v2, v10;
	s11 =	sadd.s32 s11, s20  }
0xe1: {  	[tilespmem:s11+$0x8480] =	vst.msk vm1, v9  }
0xe2: {  	v9 =	vld [tilespmem:s0+$0x10];
	_ =	sdelay $0x2  }
0xe3: {  	s12 =	sadd.s32 $0x30, s9  }
0xe4: {  	v10 =	vor.u32 s12, v1  }
0xe5: {  	vm2 =	vlt.u32 v10, v0;
	vm1 =	vgt.s32 v9, $0xFFFFFFFF;
	s13 =	spop (v2sf)  }
0xe6: {  	v9 =	vadd.s32 v2, v10;
	vm1 =	vmand vm2, vm1;
	s0 =	sadd.s32 s11, s13  }
0xe7: {  	[tilespmem:s0+$0x8480] =	vst.msk vm1, v9  }
0xe8: {  	v9 =	vld [tilespmem:$0x8400];
	_ =	sdelay $0x4  }
0xe9: {  	vm2 =	vgt.s32 v9, $0xFFFFFFFF  }
0xea: {  	v9 =	vmpcnt.ones.xlane vm1;
	vm1 =	vmand vm0, vm2  }
0xeb: {  	v10 =	vmpcnt.ones.xlane vm1  }
0xec: {  	(v2sf) =	vpush v9, $0x0  }
0xed: {  	(v2sf) =	vpush v10, $0x0;
	_ =	sdelay $0xd  }
0xee: {  	s14 =	spop (v2sf)  }
0xef: {  	s15 =	sadd.s32 s0, s14;
	s16 =	spop (v2sf)  }
0xf0: {  	s9 =	sadd.s32 s15, s16  }
0xf1: {  	p0 =	slt.s32 s9, $0x240;
	s0 =	smov.u32 s9  }
0xf2: {  	s0 =	simm.s32 @!p0 $0x240  }
0xf3: {  	s17 =	sadd.s32 $0xF, s0  }
0xf4: {  	s18 =	sand.u32 $0xF, s17  }
0xf5: {  	p1 =	slt.s32 s9, $0xFFFFFFF2;
	s20 =	sshra.s32 s17, $0x1F;
	p6 =	sne.s32 s18, $0x0  }
0xf6: {  	s13 =	sshrl.u32 s20, $0x1C;
	p0 =	por !p1, !p6  }
0xf7: {  	s11 =	sadd.s32 s13, s17;
	s13 =	simm.s32 $0x1;
	p0 =	por !p0, !p0  }
0xf8: {  	s11 =	sshra.s32 s11, $0x4;
	s13 =	simm.s32 @!p0 $0x0  }
0xf9: {  	s11 =	ssub.s32 s11, s13  }
0xfa: {  	p0 =	slt.s32 s11, $0x1  }
.Ltmp8:
0xfb: {  	_ = 	snop;
	(pc) =	sbr.rel @p0 .LBB2_16-.Ltmp8, $2  }
0xfc: {  	_ =	sdelay $0x2  }
0xfd: {  	[tilespmem:s15+$0x8480] =	vst.msk vm1, v4  }
0xfe: {  	s12 =	sadd.s32 $0xFFFFFFFF, s9;
	s13 =	simm.s32 $0x16500;
	s14 =	simm.s32 $0xF  }
.LBB2_15:
0xff: {  	s15 =	sadd.s32 $0xFFFFFFF1, s14  }
0x100: {  	s16 =	smov.u32 s12;
	p0 =	slt.s32 s15, s12  }
0x101: {  	s16 =	smov.u32 @p0 s15  }
0x102: {  	v9 =	vld [tilespmem:s16+$0x8480];
	_ =	sdelay $0x4  }
0x103: {  	(v2sf) =	vpush v9, $0x0;
	_ =	sdelay $0xe  }
0x104: {  	s18 =	spop (v2sf)  }
0x105: {  	s20 =	ssub.s32 s18, s5  }
0x106: {  	s15 =	sand.u32 $0x7F, s18;
	s16 =	sand.u32 $0xFFFFFF80, s20  }
0x107: {  	s15 =	sor.u32 s15, s16  }
0x108: {  	v9 =	vld [tilespmem:s15+$0x800];
	_ =	sdelay $0x4  }
0x109: {  	(v2sf) =	vpush v9, $0x0;
	_ =	sdelay $0xe  }
0x10a: {  	s17 =	spop (v2sf)  }
0x10b: {  	s15 =	sshll.u32 s17, $0x3  }
0x10c: {  	s15 =	sand.u32 $0x1FFFFFF8, s15  }
0x10d: {  	s15 =	sadd.s32 s6, s15  }
0x10e: {  	[tilespmem:s13], [sflag:$0x6] =	stream.linear.gather [hbm4b:s15+s4], $0x40, $0x38;
	[tilespmem:$0x1F900] =	vst v63  }
0x10f: {  	s15 =	sadd.s32 $0xFFFFFFF2, s14  }
0x110: {  	s16 =	smov.u32 s12;
	p0 =	slt.s32 s15, s12  }
0x111: {  	s16 =	smov.u32 @p0 s15  }
0x112: {  	v9 =	vld [tilespmem:s16+$0x8480];
	_ =	sdelay $0x4  }
0x113: {  	(v2sf) =	vpush v9, $0x0;
	_ =	sdelay $0xe  }
0x114: {  	s18 =	spop (v2sf)  }
0x115: {  	s20 =	ssub.s32 s18, s5  }
0x116: {  	s15 =	sand.u32 $0x7F, s18;
	s16 =	sand.u32 $0xFFFFFF80, s20  }
0x117: {  	s15 =	sor.u32 s15, s16  }
0x118: {  	v9 =	vld [tilespmem:s15+$0x800];
	_ =	sdelay $0x4  }
0x119: {  	(v2sf) =	vpush v9, $0x0;
	_ =	sdelay $0xe  }
0x11a: {  	s16 =	spop (v2sf)  }
0x11b: {  	s15 =	sshll.u32 s16, $0x3  }
0x11c: {  	s15 =	sand.u32 $0x1FFFFFF8, s15  }
0x11d: {  	s17 =	sadd.s32 $0x40, s13;
	s15 =	sadd.s32 s6, s15  }
0x11e: {  	[tilespmem:s17], [sflag:$0x6] =	stream.linear.gather [hbm4b:s15+s4], $0x40, $0x38;
	[tilespmem:$0x1F900] =	vst v63  }
0x11f: {  	s15 =	sadd.s32 $0xFFFFFFF3, s14  }
0x120: {  	s16 =	smov.u32 s12;
	p0 =	slt.s32 s15, s12  }
0x121: {  	s16 =	smov.u32 @p0 s15  }
0x122: {  	v9 =	vld [tilespmem:s16+$0x8480];
	_ =	sdelay $0x4  }
0x123: {  	(v2sf) =	vpush v9, $0x0;
	_ =	sdelay $0xe  }
0x124: {  	s18 =	spop (v2sf)  }
0x125: {  	s20 =	ssub.s32 s18, s5  }
0x126: {  	s15 =	sand.u32 $0x7F, s18;
	s16 =	sand.u32 $0xFFFFFF80, s20  }
0x127: {  	s15 =	sor.u32 s15, s16  }
0x128: {  	v9 =	vld [tilespmem:s15+$0x800];
	_ =	sdelay $0x4  }
0x129: {  	(v2sf) =	vpush v9, $0x0;
	_ =	sdelay $0xe  }
0x12a: {  	s16 =	spop (v2sf)  }
0x12b: {  	s15 =	sshll.u32 s16, $0x3  }
0x12c: {  	s15 =	sand.u32 $0x1FFFFFF8, s15  }
0x12d: {  	s17 =	sadd.s32 $0x80, s13;
	s15 =	sadd.s32 s6, s15  }
0x12e: {  	[tilespmem:s17], [sflag:$0x6] =	stream.linear.gather [hbm4b:s15+s4], $0x40, $0x38;
	[tilespmem:$0x1F900] =	vst v63  }
0x12f: {  	s15 =	sadd.s32 $0xFFFFFFF4, s14  }
0x130: {  	s16 =	smov.u32 s12;
	p0 =	slt.s32 s15, s12  }
0x131: {  	s16 =	smov.u32 @p0 s15  }
0x132: {  	v9 =	vld [tilespmem:s16+$0x8480];
	_ =	sdelay $0x4  }
0x133: {  	(v2sf) =	vpush v9, $0x0;
	_ =	sdelay $0xe  }
0x134: {  	s18 =	spop (v2sf)  }
0x135: {  	s20 =	ssub.s32 s18, s5  }
0x136: {  	s15 =	sand.u32 $0x7F, s18;
	s16 =	sand.u32 $0xFFFFFF80, s20  }
0x137: {  	s15 =	sor.u32 s15, s16  }
0x138: {  	v9 =	vld [tilespmem:s15+$0x800];
	_ =	sdelay $0x4  }
0x139: {  	(v2sf) =	vpush v9, $0x0;
	_ =	sdelay $0xe  }
0x13a: {  	s16 =	spop (v2sf)  }
0x13b: {  	s15 =	sshll.u32 s16, $0x3  }
0x13c: {  	s15 =	sand.u32 $0x1FFFFFF8, s15  }
0x13d: {  	s17 =	sadd.s32 $0xC0, s13;
	s15 =	sadd.s32 s6, s15  }
0x13e: {  	[tilespmem:s17], [sflag:$0x6] =	stream.linear.gather [hbm4b:s15+s4], $0x40, $0x38;
	[tilespmem:$0x1F900] =	vst v63  }
0x13f: {  	s15 =	sadd.s32 $0xFFFFFFF5, s14  }
0x140: {  	s16 =	smov.u32 s12;
	p0 =	slt.s32 s15, s12  }
0x141: {  	s16 =	smov.u32 @p0 s15  }
0x142: {  	v9 =	vld [tilespmem:s16+$0x8480];
	_ =	sdelay $0x4  }
0x143: {  	(v2sf) =	vpush v9, $0x0;
	_ =	sdelay $0xe  }
0x144: {  	s18 =	spop (v2sf)  }
0x145: {  	s20 =	ssub.s32 s18, s5  }
0x146: {  	s15 =	sand.u32 $0x7F, s18;
	s16 =	sand.u32 $0xFFFFFF80, s20  }
0x147: {  	s15 =	sor.u32 s15, s16  }
0x148: {  	v9 =	vld [tilespmem:s15+$0x800];
	_ =	sdelay $0x4  }
0x149: {  	(v2sf) =	vpush v9, $0x0;
	_ =	sdelay $0xe  }
0x14a: {  	s16 =	spop (v2sf)  }
0x14b: {  	s15 =	sshll.u32 s16, $0x3  }
0x14c: {  	s15 =	sand.u32 $0x1FFFFFF8, s15  }
0x14d: {  	s17 =	sadd.s32 $0x100, s13;
	s15 =	sadd.s32 s6, s15  }
0x14e: {  	[tilespmem:s17], [sflag:$0x6] =	stream.linear.gather [hbm4b:s15+s4], $0x40, $0x38;
	[tilespmem:$0x1F900] =	vst v63  }
0x14f: {  	s15 =	sadd.s32 $0xFFFFFFF6, s14  }
0x150: {  	s16 =	smov.u32 s12;
	p0 =	slt.s32 s15, s12  }
0x151: {  	s16 =	smov.u32 @p0 s15  }
0x152: {  	v9 =	vld [tilespmem:s16+$0x8480];
	_ =	sdelay $0x4  }
0x153: {  	(v2sf) =	vpush v9, $0x0;
	_ =	sdelay $0xe  }
0x154: {  	s18 =	spop (v2sf)  }
0x155: {  	s20 =	ssub.s32 s18, s5  }
0x156: {  	s15 =	sand.u32 $0x7F, s18;
	s16 =	sand.u32 $0xFFFFFF80, s20  }
0x157: {  	s15 =	sor.u32 s15, s16  }
0x158: {  	v9 =	vld [tilespmem:s15+$0x800];
	_ =	sdelay $0x4  }
0x159: {  	(v2sf) =	vpush v9, $0x0;
	_ =	sdelay $0xe  }
0x15a: {  	s16 =	spop (v2sf)  }
0x15b: {  	s15 =	sshll.u32 s16, $0x3  }
0x15c: {  	s15 =	sand.u32 $0x1FFFFFF8, s15  }
0x15d: {  	s17 =	sadd.s32 $0x140, s13;
	s15 =	sadd.s32 s6, s15  }
0x15e: {  	[tilespmem:s17], [sflag:$0x6] =	stream.linear.gather [hbm4b:s15+s4], $0x40, $0x38;
	[tilespmem:$0x1F900] =	vst v63  }
0x15f: {  	s15 =	sadd.s32 $0xFFFFFFF7, s14  }
0x160: {  	s16 =	smov.u32 s12;
	p0 =	slt.s32 s15, s12  }
0x161: {  	s16 =	smov.u32 @p0 s15  }
0x162: {  	v9 =	vld [tilespmem:s16+$0x8480];
	_ =	sdelay $0x4  }
0x163: {  	(v2sf) =	vpush v9, $0x0;
	_ =	sdelay $0xe  }
0x164: {  	s18 =	spop (v2sf)  }
0x165: {  	s20 =	ssub.s32 s18, s5  }
0x166: {  	s15 =	sand.u32 $0x7F, s18;
	s16 =	sand.u32 $0xFFFFFF80, s20  }
0x167: {  	s15 =	sor.u32 s15, s16  }
0x168: {  	v9 =	vld [tilespmem:s15+$0x800];
	_ =	sdelay $0x4  }
0x169: {  	(v2sf) =	vpush v9, $0x0;
	_ =	sdelay $0xe  }
0x16a: {  	s16 =	spop (v2sf)  }
0x16b: {  	s15 =	sshll.u32 s16, $0x3  }
0x16c: {  	s15 =	sand.u32 $0x1FFFFFF8, s15  }
0x16d: {  	s17 =	sadd.s32 $0x180, s13;
	s15 =	sadd.s32 s6, s15  }
0x16e: {  	[tilespmem:s17], [sflag:$0x6] =	stream.linear.gather [hbm4b:s15+s4], $0x40, $0x38;
	[tilespmem:$0x1F900] =	vst v63  }
0x16f: {  	s15 =	sadd.s32 $0xFFFFFFF8, s14  }
0x170: {  	s16 =	smov.u32 s12;
	p0 =	slt.s32 s15, s12  }
0x171: {  	s16 =	smov.u32 @p0 s15  }
0x172: {  	v9 =	vld [tilespmem:s16+$0x8480];
	_ =	sdelay $0x4  }
0x173: {  	(v2sf) =	vpush v9, $0x0;
	_ =	sdelay $0xe  }
0x174: {  	s18 =	spop (v2sf)  }
0x175: {  	s20 =	ssub.s32 s18, s5  }
0x176: {  	s15 =	sand.u32 $0x7F, s18;
	s16 =	sand.u32 $0xFFFFFF80, s20  }
0x177: {  	s15 =	sor.u32 s15, s16  }
0x178: {  	v9 =	vld [tilespmem:s15+$0x800];
	_ =	sdelay $0x4  }
0x179: {  	(v2sf) =	vpush v9, $0x0;
	_ =	sdelay $0xe  }
0x17a: {  	s16 =	spop (v2sf)  }
0x17b: {  	s15 =	sshll.u32 s16, $0x3  }
0x17c: {  	s15 =	sand.u32 $0x1FFFFFF8, s15  }
0x17d: {  	s17 =	sadd.s32 $0x1C0, s13;
	s15 =	sadd.s32 s6, s15  }
0x17e: {  	[tilespmem:s17], [sflag:$0x6] =	stream.linear.gather [hbm4b:s15+s4], $0x40, $0x38;
	[tilespmem:$0x1F900] =	vst v63  }
0x17f: {  	s15 =	sadd.s32 $0xFFFFFFF9, s14  }
0x180: {  	s16 =	smov.u32 s12;
	p0 =	slt.s32 s15, s12  }
0x181: {  	s16 =	smov.u32 @p0 s15  }
0x182: {  	v9 =	vld [tilespmem:s16+$0x8480];
	_ =	sdelay $0x4  }
0x183: {  	(v2sf) =	vpush v9, $0x0;
	_ =	sdelay $0xe  }
0x184: {  	s18 =	spop (v2sf)  }
0x185: {  	s20 =	ssub.s32 s18, s5  }
0x186: {  	s15 =	sand.u32 $0x7F, s18;
	s16 =	sand.u32 $0xFFFFFF80, s20  }
0x187: {  	s15 =	sor.u32 s15, s16  }
0x188: {  	v9 =	vld [tilespmem:s15+$0x800];
	_ =	sdelay $0x4  }
0x189: {  	(v2sf) =	vpush v9, $0x0;
	_ =	sdelay $0xe  }
0x18a: {  	s16 =	spop (v2sf)  }
0x18b: {  	s15 =	sshll.u32 s16, $0x3  }
0x18c: {  	s15 =	sand.u32 $0x1FFFFFF8, s15  }
0x18d: {  	s17 =	sadd.s32 $0x200, s13;
	s15 =	sadd.s32 s6, s15  }
0x18e: {  	[tilespmem:s17], [sflag:$0x6] =	stream.linear.gather [hbm4b:s15+s4], $0x40, $0x38;
	[tilespmem:$0x1F900] =	vst v63  }
0x18f: {  	s15 =	sadd.s32 $0xFFFFFFFA, s14  }
0x190: {  	s16 =	smov.u32 s12;
	p0 =	slt.s32 s15, s12  }
0x191: {  	s16 =	smov.u32 @p0 s15  }
0x192: {  	v9 =	vld [tilespmem:s16+$0x8480];
	_ =	sdelay $0x4  }
0x193: {  	(v2sf) =	vpush v9, $0x0;
	_ =	sdelay $0xe  }
0x194: {  	s18 =	spop (v2sf)  }
0x195: {  	s20 =	ssub.s32 s18, s5  }
0x196: {  	s15 =	sand.u32 $0x7F, s18;
	s16 =	sand.u32 $0xFFFFFF80, s20  }
0x197: {  	s15 =	sor.u32 s15, s16  }
0x198: {  	v9 =	vld [tilespmem:s15+$0x800];
	_ =	sdelay $0x4  }
0x199: {  	(v2sf) =	vpush v9, $0x0;
	_ =	sdelay $0xe  }
0x19a: {  	s16 =	spop (v2sf)  }
0x19b: {  	s15 =	sshll.u32 s16, $0x3  }
0x19c: {  	s15 =	sand.u32 $0x1FFFFFF8, s15  }
0x19d: {  	s17 =	sadd.s32 $0x240, s13;
	s15 =	sadd.s32 s6, s15  }
0x19e: {  	[tilespmem:s17], [sflag:$0x6] =	stream.linear.gather [hbm4b:s15+s4], $0x40, $0x38;
	[tilespmem:$0x1F900] =	vst v63  }
0x19f: {  	s15 =	sadd.s32 $0xFFFFFFFB, s14  }
0x1a0: {  	s16 =	smov.u32 s12;
	p0 =	slt.s32 s15, s12  }
0x1a1: {  	s16 =	smov.u32 @p0 s15  }
0x1a2: {  	v9 =	vld [tilespmem:s16+$0x8480];
	_ =	sdelay $0x4  }
0x1a3: {  	(v2sf) =	vpush v9, $0x0;
	_ =	sdelay $0xe  }
0x1a4: {  	s18 =	spop (v2sf)  }
0x1a5: {  	s20 =	ssub.s32 s18, s5  }
0x1a6: {  	s15 =	sand.u32 $0x7F, s18;
	s16 =	sand.u32 $0xFFFFFF80, s20  }
0x1a7: {  	s15 =	sor.u32 s15, s16  }
0x1a8: {  	v9 =	vld [tilespmem:s15+$0x800];
	_ =	sdelay $0x4  }
0x1a9: {  	(v2sf) =	vpush v9, $0x0;
	_ =	sdelay $0xe  }
0x1aa: {  	s16 =	spop (v2sf)  }
0x1ab: {  	s15 =	sshll.u32 s16, $0x3  }
0x1ac: {  	s15 =	sand.u32 $0x1FFFFFF8, s15  }
0x1ad: {  	s17 =	sadd.s32 $0x280, s13;
	s15 =	sadd.s32 s6, s15  }
0x1ae: {  	[tilespmem:s17], [sflag:$0x6] =	stream.linear.gather [hbm4b:s15+s4], $0x40, $0x38;
	[tilespmem:$0x1F900] =	vst v63  }
0x1af: {  	s15 =	sadd.s32 $0xFFFFFFFC, s14  }
0x1b0: {  	s16 =	smov.u32 s12;
	p0 =	slt.s32 s15, s12  }
0x1b1: {  	s16 =	smov.u32 @p0 s15  }
0x1b2: {  	v9 =	vld [tilespmem:s16+$0x8480];
	_ =	sdelay $0x4  }
0x1b3: {  	(v2sf) =	vpush v9, $0x0;
	_ =	sdelay $0xe  }
0x1b4: {  	s18 =	spop (v2sf)  }
0x1b5: {  	s20 =	ssub.s32 s18, s5  }
0x1b6: {  	s15 =	sand.u32 $0x7F, s18;
	s16 =	sand.u32 $0xFFFFFF80, s20  }
0x1b7: {  	s15 =	sor.u32 s15, s16  }
0x1b8: {  	v9 =	vld [tilespmem:s15+$0x800];
	_ =	sdelay $0x4  }
0x1b9: {  	(v2sf) =	vpush v9, $0x0;
	_ =	sdelay $0xe  }
0x1ba: {  	s16 =	spop (v2sf)  }
0x1bb: {  	s15 =	sshll.u32 s16, $0x3  }
0x1bc: {  	s15 =	sand.u32 $0x1FFFFFF8, s15  }
0x1bd: {  	s17 =	sadd.s32 $0x2C0, s13;
	s15 =	sadd.s32 s6, s15  }
0x1be: {  	[tilespmem:s17], [sflag:$0x6] =	stream.linear.gather [hbm4b:s15+s4], $0x40, $0x38;
	[tilespmem:$0x1F900] =	vst v63  }
0x1bf: {  	s15 =	sadd.s32 $0xFFFFFFFD, s14  }
0x1c0: {  	s16 =	smov.u32 s12;
	p0 =	slt.s32 s15, s12  }
0x1c1: {  	s16 =	smov.u32 @p0 s15  }
0x1c2: {  	v9 =	vld [tilespmem:s16+$0x8480];
	_ =	sdelay $0x4  }
0x1c3: {  	(v2sf) =	vpush v9, $0x0;
	_ =	sdelay $0xe  }
0x1c4: {  	s18 =	spop (v2sf)  }
0x1c5: {  	s20 =	ssub.s32 s18, s5  }
0x1c6: {  	s15 =	sand.u32 $0x7F, s18;
	s16 =	sand.u32 $0xFFFFFF80, s20  }
0x1c7: {  	s15 =	sor.u32 s15, s16  }
0x1c8: {  	v9 =	vld [tilespmem:s15+$0x800];
	_ =	sdelay $0x4  }
0x1c9: {  	(v2sf) =	vpush v9, $0x0;
	_ =	sdelay $0xe  }
0x1ca: {  	s16 =	spop (v2sf)  }
0x1cb: {  	s15 =	sshll.u32 s16, $0x3  }
0x1cc: {  	s15 =	sand.u32 $0x1FFFFFF8, s15  }
0x1cd: {  	s17 =	sadd.s32 $0x300, s13;
	s15 =	sadd.s32 s6, s15  }
0x1ce: {  	[tilespmem:s17], [sflag:$0x6] =	stream.linear.gather [hbm4b:s15+s4], $0x40, $0x38;
	[tilespmem:$0x1F900] =	vst v63  }
0x1cf: {  	s15 =	sadd.s32 $0xFFFFFFFE, s14  }
0x1d0: {  	s16 =	smov.u32 s12;
	p0 =	slt.s32 s15, s12  }
0x1d1: {  	s16 =	smov.u32 @p0 s15  }
0x1d2: {  	v9 =	vld [tilespmem:s16+$0x8480];
	_ =	sdelay $0x4  }
0x1d3: {  	(v2sf) =	vpush v9, $0x0;
	_ =	sdelay $0xe  }
0x1d4: {  	s18 =	spop (v2sf)  }
0x1d5: {  	s20 =	ssub.s32 s18, s5  }
0x1d6: {  	s15 =	sand.u32 $0x7F, s18;
	s16 =	sand.u32 $0xFFFFFF80, s20  }
0x1d7: {  	s15 =	sor.u32 s15, s16  }
0x1d8: {  	v9 =	vld [tilespmem:s15+$0x800];
	_ =	sdelay $0x4  }
0x1d9: {  	(v2sf) =	vpush v9, $0x0;
	_ =	sdelay $0xe  }
0x1da: {  	s16 =	spop (v2sf)  }
0x1db: {  	s15 =	sshll.u32 s16, $0x3  }
0x1dc: {  	s15 =	sand.u32 $0x1FFFFFF8, s15  }
0x1dd: {  	s17 =	sadd.s32 $0x340, s13;
	s15 =	sadd.s32 s6, s15  }
0x1de: {  	[tilespmem:s17], [sflag:$0x6] =	stream.linear.gather [hbm4b:s15+s4], $0x40, $0x38;
	[tilespmem:$0x1F900] =	vst v63  }
0x1df: {  	s15 =	sadd.s32 $0xFFFFFFFF, s14  }
0x1e0: {  	s16 =	smov.u32 s12;
	p0 =	slt.s32 s15, s12  }
0x1e1: {  	s16 =	smov.u32 @p0 s15  }
0x1e2: {  	v9 =	vld [tilespmem:s16+$0x8480];
	_ =	sdelay $0x4  }
0x1e3: {  	(v2sf) =	vpush v9, $0x0;
	_ =	sdelay $0xe  }
0x1e4: {  	s18 =	spop (v2sf)  }
0x1e5: {  	s20 =	ssub.s32 s18, s5  }
0x1e6: {  	s15 =	sand.u32 $0x7F, s18;
	s16 =	sand.u32 $0xFFFFFF80, s20  }
0x1e7: {  	s15 =	sor.u32 s15, s16  }
0x1e8: {  	v9 =	vld [tilespmem:s15+$0x800];
	_ =	sdelay $0x4  }
0x1e9: {  	(v2sf) =	vpush v9, $0x0;
	_ =	sdelay $0xe  }
0x1ea: {  	s17 =	spop (v2sf)  }
0x1eb: {  	s15 =	sshll.u32 s17, $0x3  }
0x1ec: {  	s15 =	sand.u32 $0x1FFFFFF8, s15  }
0x1ed: {  	s18 =	sadd.s32 $0x380, s13;
	s15 =	sadd.s32 s6, s15  }
0x1ee: {  	[tilespmem:s18], [sflag:$0x6] =	stream.linear.gather [hbm4b:s15+s4], $0x40, $0x38;
	[tilespmem:$0x1F900] =	vst v63  }
0x1ef: {  	p0 =	slt.s32 s14, s12;
	s15 =	smov.u32 s12  }
0x1f0: {  	s15 =	smov.u32 @p0 s14  }
0x1f1: {  	v9 =	vld [tilespmem:s15+$0x8480];
	_ =	sdelay $0x4  }
0x1f2: {  	(v2sf) =	vpush v9, $0x0;
	_ =	sdelay $0xe  }
0x1f3: {  	s20 =	spop (v2sf)  }
0x1f4: {  	s17 =	ssub.s32 s20, s5  }
0x1f5: {  	s15 =	sand.u32 $0x7F, s20;
	s16 =	sand.u32 $0xFFFFFF80, s17  }
0x1f6: {  	s15 =	sor.u32 s15, s16  }
0x1f7: {  	v9 =	vld [tilespmem:s15+$0x800];
	_ =	sdelay $0x4  }
0x1f8: {  	(v2sf) =	vpush v9, $0x0;
	_ =	sdelay $0xe  }
0x1f9: {  	s18 =	spop (v2sf)  }
0x1fa: {  	s15 =	sshll.u32 s18, $0x3  }
0x1fb: {  	s15 =	sand.u32 $0x1FFFFFF8, s15  }
0x1fc: {  	s20 =	sadd.s32 $0x3C0, s13;
	s15 =	sadd.s32 s6, s15  }
0x1fd: {  	[tilespmem:s20], [sflag:$0x6] =	stream.linear.gather [hbm4b:s15+s4], $0x40, $0x38;
	[tilespmem:$0x1F900] =	vst v63  }
0x1fe: {  	_ =	swait.ge [sflag:s29], $0x40  }
0x1ff: {  	[sflag:s29] =	ssyncset.done $0x0  }
0x200: {  	[sflag:s29] =	ssyncadd.s32 $0xFFFFFFC0  }
0x201: {  	_ =	swait.ge [sflag:s29], $0x40  }
0x202: {  	[sflag:s29] =	ssyncset.done $0x0  }
0x203: {  	[sflag:s29] =	ssyncadd.s32 $0xFFFFFFC0  }
0x204: {  	_ =	swait.ge [sflag:s29], $0x40  }
0x205: {  	[sflag:s29] =	ssyncset.done $0x0  }
0x206: {  	[sflag:s29] =	ssyncadd.s32 $0xFFFFFFC0  }
0x207: {  	_ =	swait.ge [sflag:s29], $0x40  }
0x208: {  	[sflag:s29] =	ssyncset.done $0x0  }
0x209: {  	[sflag:s29] =	ssyncadd.s32 $0xFFFFFFC0  }
0x20a: {  	_ =	swait.ge [sflag:s29], $0x40  }
0x20b: {  	[sflag:s29] =	ssyncset.done $0x0  }
0x20c: {  	[sflag:s29] =	ssyncadd.s32 $0xFFFFFFC0  }
0x20d: {  	_ =	swait.ge [sflag:s29], $0x40  }
0x20e: {  	[sflag:s29] =	ssyncset.done $0x0  }
0x20f: {  	[sflag:s29] =	ssyncadd.s32 $0xFFFFFFC0  }
0x210: {  	_ =	swait.ge [sflag:s29], $0x40  }
0x211: {  	[sflag:s29] =	ssyncset.done $0x0  }
0x212: {  	[sflag:s29] =	ssyncadd.s32 $0xFFFFFFC0  }
0x213: {  	_ =	swait.ge [sflag:s29], $0x40  }
0x214: {  	[sflag:s29] =	ssyncset.done $0x0  }
0x215: {  	[sflag:s29] =	ssyncadd.s32 $0xFFFFFFC0  }
0x216: {  	_ =	swait.ge [sflag:s29], $0x40  }
0x217: {  	[sflag:s29] =	ssyncset.done $0x0  }
0x218: {  	[sflag:s29] =	ssyncadd.s32 $0xFFFFFFC0  }
0x219: {  	_ =	swait.ge [sflag:s29], $0x40  }
0x21a: {  	[sflag:s29] =	ssyncset.done $0x0  }
0x21b: {  	[sflag:s29] =	ssyncadd.s32 $0xFFFFFFC0  }
0x21c: {  	_ =	swait.ge [sflag:s29], $0x40  }
0x21d: {  	[sflag:s29] =	ssyncset.done $0x0  }
0x21e: {  	[sflag:s29] =	ssyncadd.s32 $0xFFFFFFC0  }
0x21f: {  	_ =	swait.ge [sflag:s29], $0x40  }
0x220: {  	[sflag:s29] =	ssyncset.done $0x0  }
0x221: {  	[sflag:s29] =	ssyncadd.s32 $0xFFFFFFC0  }
0x222: {  	_ =	swait.ge [sflag:s29], $0x40  }
0x223: {  	[sflag:s29] =	ssyncset.done $0x0  }
0x224: {  	[sflag:s29] =	ssyncadd.s32 $0xFFFFFFC0  }
0x225: {  	_ =	swait.ge [sflag:s29], $0x40  }
0x226: {  	[sflag:s29] =	ssyncset.done $0x0  }
0x227: {  	[sflag:s29] =	ssyncadd.s32 $0xFFFFFFC0  }
0x228: {  	p0 =	sne.s32 s11, $0x1;
	_ =	swait.ge [sflag:s29], $0x40  }
.Ltmp9:
0x229: {  	[sflag:s29] =	ssyncset.done $0x0;
	(pc) =	sbr.rel @p0 .LBB2_15-.Ltmp9, $4  }
0x22a: {  	[sflag:s29] =	ssyncadd.s32 $0xFFFFFFC0  }
0x22b: {  	_ =	swait.ge [sflag:s29], $0x40  }
0x22c: {  	s14 =	sadd.s32 $0x10, s14;
	[sflag:s29] =	ssyncset.done $0x0  }
0x22d: {  	s11 =	sadd.s32 $0xFFFFFFFF, s11;
	s13 =	sadd.s32 $0x400, s13;
	[sflag:s29] =	ssyncadd.s32 $0xFFFFFFC0  }
.LBB2_16:
.Ltmp10:
0x22e: {  	s11 =	simm.s32 $0xC500;
	(pc) =	sbr.rel .LBB2_17-.Ltmp10, $4  }
0x22f: {  	[tilespmem:s11], [sflag:$0x2] =	stream.strided.gather [hbm4b:s8+s22], $0x2000, s30, s22, $0x38;
	[tilespmem:$0x1F900] =	vst v63  }
0x230: {  	s20 =	rddreg [dreg:$0x5];
	s12 =	simm.s32 $0xE500  }
0x231: {  	[tilespmem:s12], [sflag:$0x3] =	stream.strided.gather [hbm4b:s20+s22], $0x2000, s30, s22, $0x38;
	[tilespmem:$0x1F900] =	vst v63  }
0x232: {  	s11 =	simm.s32 $0x0;
	s12 =	simm.s32 $0x0  }
.LBB2_23:
0x233: {  	s11 =	smov.u32 @p0 s11  }
.LBB2_27:
0x234: {  	s12 =	sadd.s32 $0x1, s12  }
0x235: {  	p0 =	sne.s32 s12, s10  }
.Ltmp11:
0x236: {  	_ = 	snop;
	(pc) =	sbr.rel @!p0 .LBB2_28-.Ltmp11, $3  }
0x237: {  	_ =	sdelay $0x1  }
0x238: {  	s13 =	sadd.s32 s3, s13  }
0x239: {  	[hbm4b:s13+s22] =	stream.strided.scatter [tilespmem:s14], [sflag:$0x5], $0x2000, s30, s22, $0x38;
	[tilespmem:$0x1F900] =	vst v63  }
.LBB2_17:
0x23a: {  	_ =	swait.ge [sflag:s2], $0x2000  }
0x23b: {  	s13 =	sshll.u32 s12, $0x1;
	p0 =	seq.s32 s12, $0x0;
	[sflag:s2] =	ssyncset.done $0x0  }
0x23c: {  	s14 =	sadd.s32 $0x2, s13;
	s15 =	simm.s32 @!p0 $0x4;
	[sflag:s2] =	ssyncadd.s32 $0xFFFFE000  }
0x23d: {  	p1 =	sge.u32 s14, s7;
	_ =	swait.ge @!p0 [sflag:s15], $0x2000  }
0x23e: {  	s16 =	sshll.u32 @!p1 s14, $0xD;
	s14 =	sshll.u32 @!p1 s14, $0x7;
	s17 =	simm.s32 @!p1 $0x7A1400  }
0x23f: {  	[sflag:s15] =	ssyncset.done @!p0 $0x0;
	s16 =	sand.u32 @!p1 $0x4000, s16;
	s14 =	sadd.s32 @!p1 s8, s14  }
0x240: {  	[sflag:s15] =	ssyncadd.s32 @!p0 $0xFFFFE000;
	s15 =	sadd.s32 @!p1 $0xC500, s16;
	s16 =	simm.s32 @!p1 $0x400  }
0x241: {  	[tilespmem:s15], [sflag:$0x2] =	stream.strided.gather @!p1 [hbm4b:s14+s16], $0x2000, s17, s16, $0x38;
	[tilespmem:$0x1F900] =	vst v63  }
0x242: {  	v9 =	vld [tilespmem:s11+$0x8480];
	_ =	sdelay $0x4  }
0x243: {  	(v2sf) =	vpush v9, $0x0;
	_ =	sdelay $0xc  }
0x244: {  	s17 =	sshll.u32 s12, $0x8  }
0x245: {  	s14 =	sadd.s32 s5, s17  }
0x246: {  	p1 =	sge.s32 s11, s0;
	s16 =	sor.u32 $0x80, s14;
	s20 =	spop (v2sf)  }
0x247: {  	p2 =	sge.s32 @!p1 s20, s16  }
0x248: {  	p2 =	por p1, p2  }
.Ltmp12:
0x249: {  	_ = 	snop;
	(pc) =	sbr.rel @p2 .LBB2_18-.Ltmp12, $4  }
0x24a: {  	_ = 	snop  }
0x24b: {  	s18 =	sshll.u32 s12, $0xE  }
0x24c: {  	s15 =	sand.u32 $0x4000, s18  }
0x24d: {  	s15 =	sadd.s32 $0xC500, s15  }
0x24e: {  	s17 =	sshll.u32 s11, $0x2;
	s18 =	sshll.u32 s11, $0x8  }
0x24f: {  	s17 =	sshra.s32 s17, $0x2;
	s18 =	sshra.s32 s18, $0x2  }
0x250: {  	s17 =	sadd.s32 $0x8481, s17;
	s18 =	sadd.s32 $0x16520, s18  }
.LBB2_20:
0x251: {  	s20 =	ssub.s32 s20, s14  }
0x252: {  	v9 =	vld [tilespmem:s18+$0xFFFFFFE0];
	v10 =	vadd.s32 s20, v3;
	_ =	sdelay $0x4  }
0x253: {  	[tilespmem:v10+s15+$0x0] =	vst.idx.msk $0xffff, v9  }
0x254: {  	v10 =	vadd.s32 s20, v6;
	v9 =	vld [tilespmem:s18+$0xFFFFFFF0];
	_ =	sdelay $0x4  }
0x255: {  	[tilespmem:v10+s15+$0x0] =	vst.idx.msk $0xffff, v9  }
0x256: {  	v10 =	vadd.s32 s20, v7;
	v9 =	vld [tilespmem:s18+$0x0];
	_ =	sdelay $0x4  }
0x257: {  	[tilespmem:v10+s15+$0x0] =	vst.idx.msk $0xffff, v9  }
0x258: {  	v10 =	vadd.s32 s20, v8;
	v9 =	vld [tilespmem:s18+$0x10];
	_ =	sdelay $0x4  }
0x259: {  	[tilespmem:v10+s15+$0x0] =	vst.idx.msk $0xffff, v9  }
0x25a: {  	v9 =	vld [tilespmem:s17+$0x0];
	_ =	sdelay $0x4  }
0x25b: {  	(v2sf) =	vpush v9, $0x0;
	_ =	sdelay $0xd  }
0x25c: {  	s11 =	sadd.s32 $0x1, s11  }
0x25d: {  	p1 =	sge.s32 s11, s0;
	s20 =	spop (v2sf)  }
0x25e: {  	p2 =	slt.s32 @!p1 s20, s16  }
0x25f: {  	p2 =	por p1, !p2  }
.Ltmp13:
0x260: {  	_ = 	snop;
	(pc) =	sbr.rel @!p2 .LBB2_20-.Ltmp13, $2  }
0x261: {  	_ =	sdelay $0x2  }
0x262: {  	s18 =	sadd.s32 $0x40, s18;
	s17 =	sadd.s32 $0x1, s17  }
.Ltmp14:
0x263: {  	(pc) =	sbr.rel .LBB2_22-.Ltmp14, $2  }
0x264: {  	_ =	sdelay $0x2  }
0x265: {  	s11 =	smov.u32 @p1 s11  }
.LBB2_18:
0x266: {  	s11 =	smov.u32 @p1 s11  }
.LBB2_22:
0x267: {  	s14 =	sadd.s32 s3, s14  }
0x268: {  	[hbm4b:s14+s22] =	stream.strided.scatter [tilespmem:s15], [sflag:$0x4], $0x2000, s30, s22, $0x38;
	[tilespmem:$0x1F900] =	vst v63  }
0x269: {  	s14 =	sadd.s32 $0x3, s13;
	_ =	swait.ge [sflag:s19], $0x2000  }
0x26a: {  	p1 =	sge.u32 s14, s7;
	[sflag:s19] =	ssyncset.done $0x0  }
0x26b: {  	s15 =	simm.s32 @!p0 $0x5;
	s16 =	sshll.u32 @!p1 s14, $0xD;
	[sflag:s19] =	ssyncadd.s32 $0xFFFFE000  }
0x26c: {  	s14 =	sshll.u32 @!p1 s14, $0x7;
	s17 =	simm.s32 @!p1 $0x7A1400;
	_ =	swait.ge @!p0 [sflag:s15], $0x2000  }
0x26d: {  	s16 =	sand.u32 @!p1 $0x6000, s16;
	s14 =	sadd.s32 @!p1 s8, s14;
	[sflag:s15] =	ssyncset.done @!p0 $0x0  }
0x26e: {  	[sflag:s15] =	ssyncadd.s32 @!p0 $0xFFFFE000;
	s15 =	sadd.s32 @!p1 $0xC500, s16;
	s16 =	simm.s32 @!p1 $0x400  }
0x26f: {  	[tilespmem:s15], [sflag:$0x3] =	stream.strided.gather @!p1 [hbm4b:s14+s16], $0x2000, s17, s16, $0x38;
	[tilespmem:$0x1F900] =	vst v63  }
0x270: {  	v9 =	vld [tilespmem:s11+$0x8480];
	_ =	sdelay $0x4  }
0x271: {  	(v2sf) =	vpush v9, $0x0;
	_ =	sdelay $0xb  }
0x272: {  	s20 =	sor.u32 $0x1, s13  }
0x273: {  	s13 =	sshll.u32 s20, $0x7  }
0x274: {  	s13 =	sadd.s32 s5, s13  }
0x275: {  	p0 =	sge.s32 s11, s0;
	s15 =	sadd.s32 $0x80, s13;
	s18 =	spop (v2sf)  }
0x276: {  	p1 =	sge.s32 @!p0 s18, s15  }
0x277: {  	p1 =	por p0, p1  }
.Ltmp15:
0x278: {  	_ = 	snop;
	(pc) =	sbr.rel @p1 .LBB2_23-.Ltmp15, $4  }
0x279: {  	_ = 	snop  }
0x27a: {  	s14 =	sshll.u32 s20, $0xD  }
0x27b: {  	s14 =	sand.u32 $0x6000, s14  }
0x27c: {  	s14 =	sadd.s32 $0xC500, s14  }
0x27d: {  	s16 =	sshll.u32 s11, $0x2;
	s17 =	sshll.u32 s11, $0x8  }
0x27e: {  	s16 =	sshra.s32 s16, $0x2;
	s17 =	sshra.s32 s17, $0x2  }
0x27f: {  	s16 =	sadd.s32 $0x8481, s16;
	s17 =	sadd.s32 $0x16520, s17  }
.LBB2_25:
0x280: {  	s18 =	ssub.s32 s18, s13  }
0x281: {  	v9 =	vld [tilespmem:s17+$0xFFFFFFE0];
	v10 =	vadd.s32 s18, v3;
	_ =	sdelay $0x4  }
0x282: {  	[tilespmem:v10+s14+$0x0] =	vst.idx.msk $0xffff, v9  }
0x283: {  	v10 =	vadd.s32 s18, v6;
	v9 =	vld [tilespmem:s17+$0xFFFFFFF0];
	_ =	sdelay $0x4  }
0x284: {  	[tilespmem:v10+s14+$0x0] =	vst.idx.msk $0xffff, v9  }
0x285: {  	v10 =	vadd.s32 s18, v7;
	v9 =	vld [tilespmem:s17+$0x0];
	_ =	sdelay $0x4  }
0x286: {  	[tilespmem:v10+s14+$0x0] =	vst.idx.msk $0xffff, v9  }
0x287: {  	v10 =	vadd.s32 s18, v8;
	v9 =	vld [tilespmem:s17+$0x10];
	_ =	sdelay $0x4  }
0x288: {  	[tilespmem:v10+s14+$0x0] =	vst.idx.msk $0xffff, v9  }
0x289: {  	v9 =	vld [tilespmem:s16+$0x0];
	_ =	sdelay $0x4  }
0x28a: {  	(v2sf) =	vpush v9, $0x0;
	_ =	sdelay $0xd  }
0x28b: {  	s11 =	sadd.s32 $0x1, s11  }
0x28c: {  	p0 =	sge.s32 s11, s0;
	s18 =	spop (v2sf)  }
0x28d: {  	p1 =	slt.s32 @!p0 s18, s15  }
0x28e: {  	p1 =	por p0, !p1  }
.Ltmp16:
0x28f: {  	_ = 	snop;
	(pc) =	sbr.rel @!p1 .LBB2_25-.Ltmp16, $2  }
0x290: {  	_ =	sdelay $0x2  }
0x291: {  	s17 =	sadd.s32 $0x40, s17;
	s16 =	sadd.s32 $0x1, s16  }
.Ltmp17:
0x292: {  	(pc) =	sbr.rel .LBB2_27-.Ltmp17, $2  }
0x293: {  	_ =	sdelay $0x2  }
0x294: {  	s11 =	smov.u32 @p0 s11  }
.LBB2_28:
0x295: {  	s0 =	simm.s32 $0x4  }
0x296: {  	p0 =	sle.s32 s9, s11;
	_ =	swait.ge [sflag:s0], $0x2000  }
.Ltmp18:
0x297: {  	[sflag:s0] =	ssyncset.done $0x0;
	(pc) =	sbr.rel @p0 .LBB2_32-.Ltmp18, $4  }
0x298: {  	[sflag:s0] =	ssyncadd.s32 $0xFFFFE000  }
0x299: {  	_ =	swait.ge [sflag:s21], $0x2000  }
0x29a: {  	[sflag:s21] =	ssyncset.done $0x0  }
0x29b: {  	[sflag:s21] =	ssyncadd.s32 $0xFFFFE000  }
0x29c: {  	s0 =	sshll.u32 s11, $0x2  }
0x29d: {  	s0 =	sshra.s32 s0, $0x2  }
0x29e: {  	s0 =	sadd.s32 $0x8480, s0  }
0x29f: {  	v9 =	vld [tilespmem:s0+$0x0];
	_ =	sdelay $0x4  }
0x2a0: {  	(v2sf) =	vpush v9, $0x0;
	_ =	sdelay $0xe  }
0x2a1: {  	s12 =	spop (v2sf)  }
0x2a2: {  	s13 =	ssub.s32 s12, s5  }
0x2a3: {  	s14 =	sand.u32 $0x7F, s12;
	s13 =	sand.u32 $0xFFFFFF80, s13  }
0x2a4: {  	s13 =	sor.u32 s14, s13  }
0x2a5: {  	v9 =	vld [tilespmem:s13+$0x800];
	_ =	sdelay $0x4  }
0x2a6: {  	(v2sf) =	vpush v9, $0x0;
	_ =	sdelay $0xe  }
0x2a7: {  	s20 =	spop (v2sf)  }
0x2a8: {  	s13 =	sshll.u32 s20, $0x3  }
0x2a9: {  	s13 =	sand.u32 $0x1FFFFFF8, s13  }
0x2aa: {  	s13 =	sadd.s32 s6, s13  }
0x2ab: {  	[tilespmem:s23], [sflag:$0x7] =	stream.linear.gather [hbm4b:s13+s4], $0x40, $0x38;
	[tilespmem:$0x1F900] =	vst v63  }
0x2ac: {  	_ =	swait.ge [sflag:s24], $0x40  }
0x2ad: {  	s12 =	sand.u32 $0xFFFFF80, s12;
	[sflag:s24] =	ssyncset.done $0x0  }
0x2ae: {  	s12 =	sadd.s32 s3, s12;
	[sflag:s24] =	ssyncadd.s32 $0xFFFFFFC0  }
0x2af: {  	[tilespmem:s25], [sflag:$0x7] =	stream.strided.gather [hbm4b:s12+s22], $0x2000, s30, s22, $0x38;
	[tilespmem:$0x1F900] =	vst v63  }
0x2b0: {  	_ =	swait.ge [sflag:s24], $0x2000  }
0x2b1: {  	[sflag:s24] =	ssyncset.done $0x0  }
0x2b2: {  	[sflag:s24] =	ssyncadd.s32 $0xFFFFE000  }
0x2b3: {  	v10 =	vor.u32 s14, v3;
	v9 =	vld [tilespmem:$0x1F500];
	_ =	sdelay $0x4  }
0x2b4: {  	[tilespmem:v10+s25+$0x0] =	vst.idx.msk $0xffff, v9  }
0x2b5: {  	v10 =	vor.u32 s14, v6;
	v9 =	vld [tilespmem:$0x1F510];
	_ =	sdelay $0x4  }
0x2b6: {  	[tilespmem:v10+s25+$0x0] =	vst.idx.msk $0xffff, v9  }
0x2b7: {  	v10 =	vor.u32 s14, v7;
	v9 =	vld [tilespmem:$0x1F520];
	_ =	sdelay $0x4  }
0x2b8: {  	[tilespmem:v10+s25+$0x0] =	vst.idx.msk $0xffff, v9  }
0x2b9: {  	p0 =	sgt.s32 s9, s11;
	s13 =	smov.u32 s11;
	v10 =	vor.u32 s14, v8;
	v9 =	vld [tilespmem:$0x1F530]  }
0x2ba: {  	s13 =	smov.u32 @p0 s9  }
0x2bb: {  	s9 =	ssub.s32 s13, s11  }
0x2bc: {  	p0 =	sne.s32 s9, $0x1  }
.Ltmp19:
0x2bd: {  	_ = 	snop;
	(pc) =	sbr.rel @!p0 .LBB2_31-.Ltmp19, $4  }
0x2be: {  	[tilespmem:v10+s25+$0x0] =	vst.idx.msk $0xffff, v9  }
0x2bf: {  	[hbm4b:s12+s22] =	stream.strided.scatter [tilespmem:s25], [sflag:$0x7], $0x2000, s30, s22, $0x38;
	[tilespmem:$0x1F900] =	vst v63  }
0x2c0: {  	_ =	swait.ge [sflag:s24], $0x2000  }
0x2c1: {  	s9 =	sadd.s32 $0xFFFFFFFF, s9;
	[sflag:s24] =	ssyncset.done $0x0  }
.LBB2_30:
0x2c2: {  	p0 =	sne.s32 s9, $0x1;
	[sflag:s24] =	ssyncadd.s32 $0xFFFFE000;
	s0 =	sadd.s32 $0x1, s0  }
0x2c3: {  	s9 =	sadd.s32 $0xFFFFFFFF, s9;
	v9 =	vld [tilespmem:s0+$0x0];
	_ =	sdelay $0x4  }
0x2c4: {  	(v2sf) =	vpush v9, $0x0;
	_ =	sdelay $0xe  }
0x2c5: {  	s11 =	spop (v2sf)  }
0x2c6: {  	s12 =	ssub.s32 s11, s5;
	s13 =	sand.u32 $0xFFFFF80, s11  }
0x2c7: {  	s11 =	sand.u32 $0x7F, s11;
	s12 =	sand.u32 $0xFFFFFF80, s12  }
0x2c8: {  	s12 =	sor.u32 s11, s12  }
0x2c9: {  	v9 =	vld [tilespmem:s12+$0x800];
	_ =	sdelay $0x4  }
0x2ca: {  	(v2sf) =	vpush v9, $0x0;
	_ =	sdelay $0xe  }
0x2cb: {  	s12 =	spop (v2sf)  }
0x2cc: {  	s12 =	sshll.u32 s12, $0x3  }
0x2cd: {  	s12 =	sand.u32 $0x1FFFFFF8, s12  }
0x2ce: {  	s12 =	sadd.s32 s6, s12  }
0x2cf: {  	[tilespmem:s23], [sflag:$0x7] =	stream.linear.gather [hbm4b:s12+s4], $0x40, $0x38;
	[tilespmem:$0x1F900] =	vst v63  }
0x2d0: {  	_ =	swait.ge [sflag:s24], $0x40  }
0x2d1: {  	[sflag:s24] =	ssyncset.done $0x0  }
0x2d2: {  	s12 =	sadd.s32 s3, s13;
	[sflag:s24] =	ssyncadd.s32 $0xFFFFFFC0  }
0x2d3: {  	[tilespmem:s25], [sflag:$0x7] =	stream.strided.gather [hbm4b:s12+s22], $0x2000, s30, s22, $0x38;
	[tilespmem:$0x1F900] =	vst v63  }
0x2d4: {  	_ =	swait.ge [sflag:s24], $0x2000  }
0x2d5: {  	[sflag:s24] =	ssyncset.done $0x0  }
0x2d6: {  	[sflag:s24] =	ssyncadd.s32 $0xFFFFE000  }
0x2d7: {  	v10 =	vor.u32 s11, v3;
	v9 =	vld [tilespmem:$0x1F500];
	_ =	sdelay $0x4  }
0x2d8: {  	[tilespmem:v10+s25+$0x0] =	vst.idx.msk $0xffff, v9  }
0x2d9: {  	v10 =	vor.u32 s11, v6;
	v9 =	vld [tilespmem:$0x1F510];
	_ =	sdelay $0x4  }
0x2da: {  	[tilespmem:v10+s25+$0x0] =	vst.idx.msk $0xffff, v9  }
0x2db: {  	v10 =	vor.u32 s11, v7;
	v9 =	vld [tilespmem:$0x1F520];
	_ =	sdelay $0x4  }
0x2dc: {  	[tilespmem:v10+s25+$0x0] =	vst.idx.msk $0xffff, v9  }
0x2dd: {  	v10 =	vor.u32 s11, v8;
	v9 =	vld [tilespmem:$0x1F530];
	_ =	sdelay $0x3  }
.Ltmp20:
0x2de: {  	(pc) =	sbr.rel @p0 .LBB2_30-.Ltmp20, $4  }
0x2df: {  	[tilespmem:v10+s25+$0x0] =	vst.idx.msk $0xffff, v9  }
0x2e0: {  	[hbm4b:s12+s22] =	stream.strided.scatter [tilespmem:s25], [sflag:$0x7], $0x2000, s30, s22, $0x38;
	[tilespmem:$0x1F900] =	vst v63  }
0x2e1: {  	_ =	swait.ge [sflag:s24], $0x2000  }
0x2e2: {  	[sflag:s24] =	ssyncset.done $0x0  }
.Ltmp21:
0x2e3: {  	_ = 	snop;
	(pc) =	sbr.rel .LBB2_31-.Ltmp21, $1  }
0x2e4: {  	_ =	sdelay $0x3  }
.LBB2_33:
0x2e5: {  	_ =	sfence.sel $0x180000  }
0x2e6: {  	[bflag:$0x0] =	sbarrier.arrive $0xFFFF  }
0x2e7: {  	_ =	strace $0x90000047  }
0x2e8: {  	s0 =	stileid.u32;
	[bflag:$0x2] =	sbarrier.arrive $0xFFFF  }
0x2e9: {  	p0 =	sne.s32 s0, $0x0;
	s0 =	rddreg [dreg:$0x4]  }
0x2ea: {  	s0 =	sadd.s32 @!p0 $0x100000, s0  }
0x2eb: {  	[sflag:s0] =	ssyncadd.tile.s32 @!p0 $0x1;
	_ =	shalt  }
.Lfunc_end2:
_tile_overlayer_lowered:
.L_overlay_start_2:
0x2ec: {  	(tag) =	ssettag $0x2  }
0x2ed: {  	s0 =	rddreg [dreg:$0x0];
	s2 =	stileid.u32  }
0x2ee: {  	s1 =	rddreg [dreg:$0x1];
	p0 =	sne.s32 s2, $0x0  }
0x2ef: {  	s3 =	rddreg [dreg:$0x2];
	[bflag:$0x3] =	sbarrier.arrive $0xFFFF;
	s2 =	simm.s32 @!p0 $0x1C07  }
0x2f0: {  	[timem:s3], [sflag:s2] =	dma.local @!p0 [hbm:s0], s1  }
0x2f1: {  	s0 =	simm.s32 @!p0 $0x7  }
0x2f2: {  	_ =	swait.ge @!p0 [sflag:s0], s1  }
0x2f3: {  	s1 =	ssub.s32 @!p0 $0x0, s1;
	[sflag:s0] =	ssyncset.done @!p0 $0x0  }
0x2f4: {  	[sflag:s0] =	ssyncadd.s32 @!p0 s1  }
0x2f5: {  	[bflag:$0x3] =	sbarrier.arrive $0xFFFF  }
0x2f6: {  	_ =	shalt  }

</sc_bundles>
